<compile_context>
chip_gen: v7x
topology: tpu7x:2x2x1
jax: 0.10.2.dev20260603
libtpu: 0.0.44.dev20260713+nightly
codegen_flags: <defaults>
</compile_context>

<pallas_src>
import functools

import jax
import jax.numpy as jnp
from jax import lax
from jax.experimental import pallas as pl
from jax.experimental.pallas import tpu as pltpu
from jax.experimental.pallas import tpu_sc as plsc

B, A, NN, NF, RES = 16, 128, 32, 256, 64
ROWS = B * A * NN
NW = 32
RPW = ROWS // NW
CH = 128
NCH = RPW // CH


def _sc_gather(table_hbm, idx_hbm, out_hbm, idx_v, rows_v, sem):
    wid = lax.axis_index("s") * 2 + lax.axis_index("c")
    base = wid * RPW
    for c in range(NCH):
        row0 = base + c * CH
        pltpu.sync_copy(idx_hbm.at[pl.ds(row0, CH)], idx_v)
        pltpu.async_copy(table_hbm.at[idx_v], rows_v, sem).wait()
        pltpu.sync_copy(rows_v, out_hbm.at[pl.ds(row0, CH)])


def kernel(a, p, rbf, D, N, NM, W_rbf, b_rbf, W1, b1, W2, b2):
    table = a.reshape(B * A, NF)
    gidx = (N + (jnp.arange(B, dtype=jnp.int32) * A)[:, None, None]
            ).reshape(ROWS)
    gathered = pl.kernel(
        _sc_gather,
        out_type=jax.ShapeDtypeStruct((ROWS, NF), jnp.float32),
        mesh=plsc.VectorSubcoreMesh(core_axis_name="c", subcore_axis_name="s"),
        scratch_types=[
            pltpu.VMEM((CH,), jnp.int32),
            pltpu.VMEM((CH, NF), jnp.float32),
            pltpu.SemaphoreType.DMA,
        ],
    )(table, gidx)
    g4 = gathered.reshape(B, A, NN, NF)
    return (g4[:, :, 0, :], g4)

# --- scband reference (transcript-rebuilt; emitter-appended) ---
"""Pipeline reference for scband-message-passing-30631706755956 (READ-ONLY COPY).

The authoritative reference and input builder live on the scoring server;
editing this copy changes nothing except your own understanding.
"""

import jax, jax.numpy as jnp
import numpy as np

B, A, NN, NF, RES = 16, 128, 32, 256, 64
CUTOFF = 5.0
PEXP = 9


def poly_cutoff(D):
    r = D / CUTOFF
    pf = float(PEXP)
    env = (1.0
           - (pf + 1.0) * (pf + 2.0) / 2.0 * r ** PEXP
           + pf * (pf + 2.0) * r ** (PEXP + 1)
           - pf * (pf + 1.0) / 2.0 * r ** (PEXP + 2))
    return env * (D < CUTOFF).astype(D.dtype)


def setup_inputs(seed: int = 0) -> dict:
    key = jax.random.key(seed)
    ks = jax.random.split(key, 10)
    a = jax.random.normal(ks[0], (B, A, NF), dtype=jnp.float32)
    p = jax.random.normal(ks[1], (B, A, NN, NF), dtype=jnp.float32)
    rbf = jax.random.uniform(ks[2], (B, A, NN, RES), dtype=jnp.float32)
    D = jax.random.uniform(ks[3], (B, A, NN), dtype=jnp.float32, minval=0.5, maxval=6.0)
    N = jax.random.randint(ks[4], (B, A, NN), 0, A, dtype=jnp.int32)
    NM = jnp.ones((B, A, NN), dtype=jnp.float32)
    W_rbf = jax.random.normal(ks[5], (RES, NF), dtype=jnp.float32) / np.sqrt(RES)
    b_rbf = jnp.zeros((NF,), dtype=jnp.float32)
    W1 = jax.random.normal(ks[6], (NF, NF), dtype=jnp.float32) / np.sqrt(NF)
    b1 = jnp.zeros((NF,), dtype=jnp.float32)
    W2 = jax.random.normal(ks[7], (NF, NF), dtype=jnp.float32) / np.sqrt(NF)
    b2 = jnp.zeros((NF,), dtype=jnp.float32)
    return {"a": a, "p": p, "rbf": rbf, "D": D, "N": N, "NM": NM,
            "W_rbf": W_rbf, "b_rbf": b_rbf, "W1": W1, "b1": b1, "W2": W2, "b2": b2}


def reference(a, p, rbf, D, N, NM, W_rbf, b_rbf, W1, b1, W2, b2):
    # phi_rbf: Dense(resolution, n_features, activation=None)
    rbf_msij = rbf @ W_rbf + b_rbf                      # [B, A, n, NF]
    # cutoff modulation
    rbf_msij = rbf_msij * poly_cutoff(D)[..., None]
    # phi_a: Dense(NF, NF, relu) -> Dense(NF, NF, None)
    h = jax.nn.relu(a @ W1 + b1)
    a_msij = h @ W2 + b2                                # [B, A, NF]
    b_, a_, n_, nf_ = N.shape[0], N.shape[1], N.shape[2], a_msij.shape[-1]
    # ai_msij: repeat feature vector n times then reshape -> broadcast over neighbor dim
    ai_msij = jnp.broadcast_to(a_msij[:, :, None, :], (b_, a_, n_, nf_))
    # gather neighbor features: aj_msij[b,i,j,:] = a_msij[b, N[b,i,j], :]
    idx = N.reshape(b_, a_ * n_, 1)
    aj_msij = jnp.take_along_axis(a_msij, idx, axis=1).reshape(b_, a_, n_, nf_)
    msij = ai_msij * aj_msij * rbf_msij
    msij = msij * NM[..., None]
    # NOTE: in the original torch code the variable `a` is shadowed by the int A
    # (from `b, a, n, nf = (*N.size(), ...)`), so update() adds the integer A,
    # not the original atom features. Reproduced faithfully here.
    a_out = a_ + jnp.sum(msij, axis=2)                  # [B, A, NF]
    p_out = p + msij                                    # [B, A, n, NF]
    return (a_out, p_out)

if __name__ == "__main__":
    import jax
    _d = setup_inputs()
    print(jax.jit(kernel)(*tuple(_d.values())))

</pallas_src>

<mosaic_0001>
#map = affine_map<(d0, d1) -> (0, 0)>
#map1 = affine_map<(d0, d1) -> (0)>
module attributes {stable_mosaic.version = 14 : i64} {
  func.func @_sc_gather(%arg0: i32, %arg1: i32, %arg2: memref<2048x256xf32, #tpu.memory_space<hbm>>, %arg3: memref<65536xi32, #tpu.memory_space<hbm>>, %arg4: memref<65536x256xf32, #tpu.memory_space<hbm>>, %arg5: memref<128xi32, #tpu.memory_space<vmem>>, %arg6: memref<128x256xf32, #tpu.memory_space<vmem>>, %arg7: memref<!tpu.dma_semaphore, #tpu.memory_space<semaphore_mem>>) attributes {dimension_semantics = [#tpu.dimension_semantics<core_parallel>, #tpu.dimension_semantics<subcore_parallel>], iteration_bounds = array<i64: 2, 16>, scalar_prefetch = 0 : i64, scratch_operands = 3 : i64, tpu.core_type = #tpu.core_type<sc_vector_subcore>, window_params = [{transform_indices = #map}, {transform_indices = #map1}, {transform_indices = #map}]} {
    %mul3A = arith.constant 2 : i32
    %mul3A_0 = arith.muli %arg1, %mul3A : i32
    %add3A = arith.addi %mul3A_0, %arg0 : i32
    %mul3A_1 = arith.constant 2048 : i32
    %mul3A_2 = arith.muli %add3A, %mul3A_1 : i32
    %add3A_3 = arith.constant 0 : i32
    %add3A_4 = arith.addi %mul3A_2, %add3A_3 : i32
    "tpu.region"() ({
      %run_scoped3A = tpu.sem_alloc : memref<!tpu.dma_semaphore, #tpu.memory_space<semaphore_mem>>
      %dma_start3A_129 = tpu.memref_slice %arg3[%add3A_4] : memref<65536xi32, #tpu.memory_space<hbm>> -> memref<128xi32, #tpu.memory_space<hbm>>
      %dma_start3A_130 = tpu.memref_slice %arg3[%add3A_4] : memref<65536xi32, #tpu.memory_space<hbm>> -> memref<128xi32, #tpu.memory_space<hbm>>
      tpu.enqueue_dma source(%dma_start3A_130 : memref<128xi32, #tpu.memory_space<hbm>>) target(%arg5 : memref<128xi32, #tpu.memory_space<vmem>>) target_semaphore(%run_scoped3A : memref<!tpu.dma_semaphore, #tpu.memory_space<semaphore_mem>>)
      %dma_wait3A_131 = tpu.memref_slice %arg3[%add3A_4] : memref<65536xi32, #tpu.memory_space<hbm>> -> memref<128xi32, #tpu.memory_space<hbm>>
      %dma_wait3A_132 = tpu.memref_slice %arg3[%add3A_4] : memref<65536xi32, #tpu.memory_space<hbm>> -> memref<128xi32, #tpu.memory_space<hbm>>
      tpu.wait_dma2 semaphore(%run_scoped3A : memref<!tpu.dma_semaphore, #tpu.memory_space<semaphore_mem>>) src(%dma_wait3A_132 : memref<128xi32, #tpu.memory_space<hbm>>) dst(%arg5 : memref<128xi32, #tpu.memory_space<vmem>>)
      tpu.yield
    }) : () -> ()
    %dma_start3A = arith.constant 0 : i32
    %dma_start3A_5 = arith.constant 0 : i32
    %dma_start3A_6 = tpu.memref_slice %arg2[%dma_start3A, %dma_start3A_5] : memref<2048x256xf32, #tpu.memory_space<hbm>> -> memref<2048x256xf32, #tpu.memory_space<hbm>>
    tpu.enqueue_indirect_dma source(%dma_start3A_6 : memref<2048x256xf32, #tpu.memory_space<hbm>>) target(%arg6 : memref<128x256xf32, #tpu.memory_space<vmem>>) offsets(%arg5 : memref<128xi32, #tpu.memory_space<vmem>>) semaphore(%arg7 : memref<!tpu.dma_semaphore, #tpu.memory_space<semaphore_mem>>)
    %dma_wait3A = arith.constant 0 : i32
    %dma_wait3A_7 = arith.constant 0 : i32
    %dma_wait3A_8 = tpu.memref_slice %arg2[%dma_wait3A, %dma_wait3A_7] : memref<2048x256xf32, #tpu.memory_space<hbm>> -> memref<2048x256xf32, #tpu.memory_space<hbm>>
    tpu.wait_indirect_dma semaphore(%arg7 : memref<!tpu.dma_semaphore, #tpu.memory_space<semaphore_mem>>) src(%dma_wait3A_8 : memref<2048x256xf32, #tpu.memory_space<hbm>>) dst(%arg6 : memref<128x256xf32, #tpu.memory_space<vmem>>)
    "tpu.region"() ({
      %run_scoped3A = tpu.sem_alloc : memref<!tpu.dma_semaphore, #tpu.memory_space<semaphore_mem>>
      %dma_start3A_129 = arith.constant 0 : i32
      %dma_start3A_130 = tpu.memref_slice %arg4[%add3A_4, %dma_start3A_129] : memref<65536x256xf32, #tpu.memory_space<hbm>> -> memref<128x256xf32, #tpu.memory_space<hbm>>
      %dma_start3A_131 = arith.constant 0 : i32
      %dma_start3A_132 = tpu.memref_slice %arg4[%add3A_4, %dma_start3A_131] : memref<65536x256xf32, #tpu.memory_space<hbm>> -> memref<128x256xf32, #tpu.memory_space<hbm>>
      tpu.enqueue_dma source(%arg6 : memref<128x256xf32, #tpu.memory_space<vmem>>) target(%dma_start3A_132 : memref<128x256xf32, #tpu.memory_space<hbm>>) target_semaphore(%run_scoped3A : memref<!tpu.dma_semaphore, #tpu.memory_space<semaphore_mem>>)
      %dma_wait3A_133 = arith.constant 0 : i32
      %dma_wait3A_134 = tpu.memref_slice %arg4[%add3A_4, %dma_wait3A_133] : memref<65536x256xf32, #tpu.memory_space<hbm>> -> memref<128x256xf32, #tpu.memory_space<hbm>>
      %dma_wait3A_135 = arith.constant 0 : i32
      %dma_wait3A_136 = tpu.memref_slice %arg4[%add3A_4, %dma_wait3A_135] : memref<65536x256xf32, #tpu.memory_space<hbm>> -> memref<128x256xf32, #tpu.memory_space<hbm>>
      tpu.wait_dma2 semaphore(%run_scoped3A : memref<!tpu.dma_semaphore, #tpu.memory_space<semaphore_mem>>) src(%arg6 : memref<128x256xf32, #tpu.memory_space<vmem>>) dst(%dma_wait3A_136 : memref<128x256xf32, #tpu.memory_space<hbm>>)
      tpu.yield
    }) : () -> ()
    %add3A_9 = arith.constant 128 : i32
    %add3A_10 = arith.addi %mul3A_2, %add3A_9 : i32
    "tpu.region"() ({
      %run_scoped3A = tpu.sem_alloc : memref<!tpu.dma_semaphore, #tpu.memory_space<semaphore_mem>>
      %dma_start3A_129 = tpu.memref_slice %arg3[%add3A_10] : memref<65536xi32, #tpu.memory_space<hbm>> -> memref<128xi32, #tpu.memory_space<hbm>>
      %dma_start3A_130 = tpu.memref_slice %arg3[%add3A_10] : memref<65536xi32, #tpu.memory_space<hbm>> -> memref<128xi32, #tpu.memory_space<hbm>>
      tpu.enqueue_dma source(%dma_start3A_130 : memref<128xi32, #tpu.memory_space<hbm>>) target(%arg5 : memref<128xi32, #tpu.memory_space<vmem>>) target_semaphore(%run_scoped3A : memref<!tpu.dma_semaphore, #tpu.memory_space<semaphore_mem>>)
      %dma_wait3A_131 = tpu.memref_slice %arg3[%add3A_10] : memref<65536xi32, #tpu.memory_space<hbm>> -> memref<128xi32, #tpu.memory_space<hbm>>
      %dma_wait3A_132 = tpu.memref_slice %arg3[%add3A_10] : memref<65536xi32, #tpu.memory_space<hbm>> -> memref<128xi32, #tpu.memory_space<hbm>>
      tpu.wait_dma2 semaphore(%run_scoped3A : memref<!tpu.dma_semaphore, #tpu.memory_space<semaphore_mem>>) src(%dma_wait3A_132 : memref<128xi32, #tpu.memory_space<hbm>>) dst(%arg5 : memref<128xi32, #tpu.memory_space<vmem>>)
      tpu.yield
    }) : () -> ()
    %dma_start3A_11 = arith.constant 0 : i32
    %dma_start3A_12 = arith.constant 0 : i32
    %dma_start3A_13 = tpu.memref_slice %arg2[%dma_start3A_11, %dma_start3A_12] : memref<2048x256xf32, #tpu.memory_space<hbm>> -> memref<2048x256xf32, #tpu.memory_space<hbm>>
    tpu.enqueue_indirect_dma source(%dma_start3A_13 : memref<2048x256xf32, #tpu.memory_space<hbm>>) target(%arg6 : memref<128x256xf32, #tpu.memory_space<vmem>>) offsets(%arg5 : memref<128xi32, #tpu.memory_space<vmem>>) semaphore(%arg7 : memref<!tpu.dma_semaphore, #tpu.memory_space<semaphore_mem>>)
    %dma_wait3A_14 = arith.constant 0 : i32
    %dma_wait3A_15 = arith.constant 0 : i32
    %dma_wait3A_16 = tpu.memref_slice %arg2[%dma_wait3A_14, %dma_wait3A_15] : memref<2048x256xf32, #tpu.memory_space<hbm>> -> memref<2048x256xf32, #tpu.memory_space<hbm>>
    tpu.wait_indirect_dma semaphore(%arg7 : memref<!tpu.dma_semaphore, #tpu.memory_space<semaphore_mem>>) src(%dma_wait3A_16 : memref<2048x256xf32, #tpu.memory_space<hbm>>) dst(%arg6 : memref<128x256xf32, #tpu.memory_space<vmem>>)
    "tpu.region"() ({
      %run_scoped3A = tpu.sem_alloc : memref<!tpu.dma_semaphore, #tpu.memory_space<semaphore_mem>>
      %dma_start3A_129 = arith.constant 0 : i32
      %dma_start3A_130 = tpu.memref_slice %arg4[%add3A_10, %dma_start3A_129] : memref<65536x256xf32, #tpu.memory_space<hbm>> -> memref<128x256xf32, #tpu.memory_space<hbm>>
      %dma_start3A_131 = arith.constant 0 : i32
      %dma_start3A_132 = tpu.memref_slice %arg4[%add3A_10, %dma_start3A_131] : memref<65536x256xf32, #tpu.memory_space<hbm>> -> memref<128x256xf32, #tpu.memory_space<hbm>>
      tpu.enqueue_dma source(%arg6 : memref<128x256xf32, #tpu.memory_space<vmem>>) target(%dma_start3A_132 : memref<128x256xf32, #tpu.memory_space<hbm>>) target_semaphore(%run_scoped3A : memref<!tpu.dma_semaphore, #tpu.memory_space<semaphore_mem>>)
      %dma_wait3A_133 = arith.constant 0 : i32
      %dma_wait3A_134 = tpu.memref_slice %arg4[%add3A_10, %dma_wait3A_133] : memref<65536x256xf32, #tpu.memory_space<hbm>> -> memref<128x256xf32, #tpu.memory_space<hbm>>
      %dma_wait3A_135 = arith.constant 0 : i32
      %dma_wait3A_136 = tpu.memref_slice %arg4[%add3A_10, %dma_wait3A_135] : memref<65536x256xf32, #tpu.memory_space<hbm>> -> memref<128x256xf32, #tpu.memory_space<hbm>>
      tpu.wait_dma2 semaphore(%run_scoped3A : memref<!tpu.dma_semaphore, #tpu.memory_space<semaphore_mem>>) src(%arg6 : memref<128x256xf32, #tpu.memory_space<vmem>>) dst(%dma_wait3A_136 : memref<128x256xf32, #tpu.memory_space<hbm>>)
      tpu.yield
    }) : () -> ()
    %add3A_17 = arith.constant 256 : i32
    %add3A_18 = arith.addi %mul3A_2, %add3A_17 : i32
    "tpu.region"() ({
      %run_scoped3A = tpu.sem_alloc : memref<!tpu.dma_semaphore, #tpu.memory_space<semaphore_mem>>
      %dma_start3A_129 = tpu.memref_slice %arg3[%add3A_18] : memref<65536xi32, #tpu.memory_space<hbm>> -> memref<128xi32, #tpu.memory_space<hbm>>
      %dma_start3A_130 = tpu.memref_slice %arg3[%add3A_18] : memref<65536xi32, #tpu.memory_space<hbm>> -> memref<128xi32, #tpu.memory_space<hbm>>
      tpu.enqueue_dma source(%dma_start3A_130 : memref<128xi32, #tpu.memory_space<hbm>>) target(%arg5 : memref<128xi32, #tpu.memory_space<vmem>>) target_semaphore(%run_scoped3A : memref<!tpu.dma_semaphore, #tpu.memory_space<semaphore_mem>>)
      %dma_wait3A_131 = tpu.memref_slice %arg3[%add3A_18] : memref<65536xi32, #tpu.memory_space<hbm>> -> memref<128xi32, #tpu.memory_space<hbm>>
      %dma_wait3A_132 = tpu.memref_slice %arg3[%add3A_18] : memref<65536xi32, #tpu.memory_space<hbm>> -> memref<128xi32, #tpu.memory_space<hbm>>
      tpu.wait_dma2 semaphore(%run_scoped3A : memref<!tpu.dma_semaphore, #tpu.memory_space<semaphore_mem>>) src(%dma_wait3A_132 : memref<128xi32, #tpu.memory_space<hbm>>) dst(%arg5 : memref<128xi32, #tpu.memory_space<vmem>>)
      tpu.yield
    }) : () -> ()
    %dma_start3A_19 = arith.constant 0 : i32
    %dma_start3A_20 = arith.constant 0 : i32
    %dma_start3A_21 = tpu.memref_slice %arg2[%dma_start3A_19, %dma_start3A_20] : memref<2048x256xf32, #tpu.memory_space<hbm>> -> memref<2048x256xf32, #tpu.memory_space<hbm>>
    tpu.enqueue_indirect_dma source(%dma_start3A_21 : memref<2048x256xf32, #tpu.memory_space<hbm>>) target(%arg6 : memref<128x256xf32, #tpu.memory_space<vmem>>) offsets(%arg5 : memref<128xi32, #tpu.memory_space<vmem>>) semaphore(%arg7 : memref<!tpu.dma_semaphore, #tpu.memory_space<semaphore_mem>>)
    %dma_wait3A_22 = arith.constant 0 : i32
    %dma_wait3A_23 = arith.constant 0 : i32
    %dma_wait3A_24 = tpu.memref_slice %arg2[%dma_wait3A_22, %dma_wait3A_23] : memref<2048x256xf32, #tpu.memory_space<hbm>> -> memref<2048x256xf32, #tpu.memory_space<hbm>>
    tpu.wait_indirect_dma semaphore(%arg7 : memref<!tpu.dma_semaphore, #tpu.memory_space<semaphore_mem>>) src(%dma_wait3A_24 : memref<2048x256xf32, #tpu.memory_space<hbm>>) dst(%arg6 : memref<128x256xf32, #tpu.memory_space<vmem>>)
    "tpu.region"() ({
      %run_scoped3A = tpu.sem_alloc : memref<!tpu.dma_semaphore, #tpu.memory_space<semaphore_mem>>
      %dma_start3A_129 = arith.constant 0 : i32
      %dma_start3A_130 = tpu.memref_slice %arg4[%add3A_18, %dma_start3A_129] : memref<65536x256xf32, #tpu.memory_space<hbm>> -> memref<128x256xf32, #tpu.memory_space<hbm>>
      %dma_start3A_131 = arith.constant 0 : i32
      %dma_start3A_132 = tpu.memref_slice %arg4[%add3A_18, %dma_start3A_131] : memref<65536x256xf32, #tpu.memory_space<hbm>> -> memref<128x256xf32, #tpu.memory_space<hbm>>
      tpu.enqueue_dma source(%arg6 : memref<128x256xf32, #tpu.memory_space<vmem>>) target(%dma_start3A_132 : memref<128x256xf32, #tpu.memory_space<hbm>>) target_semaphore(%run_scoped3A : memref<!tpu.dma_semaphore, #tpu.memory_space<semaphore_mem>>)
      %dma_wait3A_133 = arith.constant 0 : i32
      %dma_wait3A_134 = tpu.memref_slice %arg4[%add3A_18, %dma_wait3A_133] : memref<65536x256xf32, #tpu.memory_space<hbm>> -> memref<128x256xf32, #tpu.memory_space<hbm>>
      %dma_wait3A_135 = arith.constant 0 : i32
      %dma_wait3A_136 = tpu.memref_slice %arg4[%add3A_18, %dma_wait3A_135] : memref<65536x256xf32, #tpu.memory_space<hbm>> -> memref<128x256xf32, #tpu.memory_space<hbm>>
      tpu.wait_dma2 semaphore(%run_scoped3A : memref<!tpu.dma_semaphore, #tpu.memory_space<semaphore_mem>>) src(%arg6 : memref<128x256xf32, #tpu.memory_space<vmem>>) dst(%dma_wait3A_136 : memref<128x256xf32, #tpu.memory_space<hbm>>)
      tpu.yield
    }) : () -> ()
    %add3A_25 = arith.constant 384 : i32
    %add3A_26 = arith.addi %mul3A_2, %add3A_25 : i32
    "tpu.region"() ({
      %run_scoped3A = tpu.sem_alloc : memref<!tpu.dma_semaphore, #tpu.memory_space<semaphore_mem>>
      %dma_start3A_129 = tpu.memref_slice %arg3[%add3A_26] : memref<65536xi32, #tpu.memory_space<hbm>> -> memref<128xi32, #tpu.memory_space<hbm>>
      %dma_start3A_130 = tpu.memref_slice %arg3[%add3A_26] : memref<65536xi32, #tpu.memory_space<hbm>> -> memref<128xi32, #tpu.memory_space<hbm>>
      tpu.enqueue_dma source(%dma_start3A_130 : memref<128xi32, #tpu.memory_space<hbm>>) target(%arg5 : memref<128xi32, #tpu.memory_space<vmem>>) target_semaphore(%run_scoped3A : memref<!tpu.dma_semaphore, #tpu.memory_space<semaphore_mem>>)
      %dma_wait3A_131 = tpu.memref_slice %arg3[%add3A_26] : memref<65536xi32, #tpu.memory_space<hbm>> -> memref<128xi32, #tpu.memory_space<hbm>>
      %dma_wait3A_132 = tpu.memref_slice %arg3[%add3A_26] : memref<65536xi32, #tpu.memory_space<hbm>> -> memref<128xi32, #tpu.memory_space<hbm>>
      tpu.wait_dma2 semaphore(%run_scoped3A : memref<!tpu.dma_semaphore, #tpu.memory_space<semaphore_mem>>) src(%dma_wait3A_132 : memref<128xi32, #tpu.memory_space<hbm>>) dst(%arg5 : memref<128xi32, #tpu.memory_space<vmem>>)
      tpu.yield
    }) : () -> ()
    %dma_start3A_27 = arith.constant 0 : i32
    %dma_start3A_28 = arith.constant 0 : i32
    %dma_start3A_29 = tpu.memref_slice %arg2[%dma_start3A_27, %dma_start3A_28] : memref<2048x256xf32, #tpu.memory_space<hbm>> -> memref<2048x256xf32, #tpu.memory_space<hbm>>
    tpu.enqueue_indirect_dma source(%dma_start3A_29 : memref<2048x256xf32, #tpu.memory_space<hbm>>) target(%arg6 : memref<128x256xf32, #tpu.memory_space<vmem>>) offsets(%arg5 : memref<128xi32, #tpu.memory_space<vmem>>) semaphore(%arg7 : memref<!tpu.dma_semaphore, #tpu.memory_space<semaphore_mem>>)
    %dma_wait3A_30 = arith.constant 0 : i32
    %dma_wait3A_31 = arith.constant 0 : i32
    %dma_wait3A_32 = tpu.memref_slice %arg2[%dma_wait3A_30, %dma_wait3A_31] : memref<2048x256xf32, #tpu.memory_space<hbm>> -> memref<2048x256xf32, #tpu.memory_space<hbm>>
    tpu.wait_indirect_dma semaphore(%arg7 : memref<!tpu.dma_semaphore, #tpu.memory_space<semaphore_mem>>) src(%dma_wait3A_32 : memref<2048x256xf32, #tpu.memory_space<hbm>>) dst(%arg6 : memref<128x256xf32, #tpu.memory_space<vmem>>)
    "tpu.region"() ({
      %run_scoped3A = tpu.sem_alloc : memref<!tpu.dma_semaphore, #tpu.memory_space<semaphore_mem>>
      %dma_start3A_129 = arith.constant 0 : i32
      %dma_start3A_130 = tpu.memref_slice %arg4[%add3A_26, %dma_start3A_129] : memref<65536x256xf32, #tpu.memory_space<hbm>> -> memref<128x256xf32, #tpu.memory_space<hbm>>
      %dma_start3A_131 = arith.constant 0 : i32
      %dma_start3A_132 = tpu.memref_slice %arg4[%add3A_26, %dma_start3A_131] : memref<65536x256xf32, #tpu.memory_space<hbm>> -> memref<128x256xf32, #tpu.memory_space<hbm>>
      tpu.enqueue_dma source(%arg6 : memref<128x256xf32, #tpu.memory_space<vmem>>) target(%dma_start3A_132 : memref<128x256xf32, #tpu.memory_space<hbm>>) target_semaphore(%run_scoped3A : memref<!tpu.dma_semaphore, #tpu.memory_space<semaphore_mem>>)
      %dma_wait3A_133 = arith.constant 0 : i32
      %dma_wait3A_134 = tpu.memref_slice %arg4[%add3A_26, %dma_wait3A_133] : memref<65536x256xf32, #tpu.memory_space<hbm>> -> memref<128x256xf32, #tpu.memory_space<hbm>>
      %dma_wait3A_135 = arith.constant 0 : i32
      %dma_wait3A_136 = tpu.memref_slice %arg4[%add3A_26, %dma_wait3A_135] : memref<65536x256xf32, #tpu.memory_space<hbm>> -> memref<128x256xf32, #tpu.memory_space<hbm>>
      tpu.wait_dma2 semaphore(%run_scoped3A : memref<!tpu.dma_semaphore, #tpu.memory_space<semaphore_mem>>) src(%arg6 : memref<128x256xf32, #tpu.memory_space<vmem>>) dst(%dma_wait3A_136 : memref<128x256xf32, #tpu.memory_space<hbm>>)
      tpu.yield
    }) : () -> ()
    %add3A_33 = arith.constant 512 : i32
    %add3A_34 = arith.addi %mul3A_2, %add3A_33 : i32
    "tpu.region"() ({
      %run_scoped3A = tpu.sem_alloc : memref<!tpu.dma_semaphore, #tpu.memory_space<semaphore_mem>>
      %dma_start3A_129 = tpu.memref_slice %arg3[%add3A_34] : memref<65536xi32, #tpu.memory_space<hbm>> -> memref<128xi32, #tpu.memory_space<hbm>>
      %dma_start3A_130 = tpu.memref_slice %arg3[%add3A_34] : memref<65536xi32, #tpu.memory_space<hbm>> -> memref<128xi32, #tpu.memory_space<hbm>>
      tpu.enqueue_dma source(%dma_start3A_130 : memref<128xi32, #tpu.memory_space<hbm>>) target(%arg5 : memref<128xi32, #tpu.memory_space<vmem>>) target_semaphore(%run_scoped3A : memref<!tpu.dma_semaphore, #tpu.memory_space<semaphore_mem>>)
      %dma_wait3A_131 = tpu.memref_slice %arg3[%add3A_34] : memref<65536xi32, #tpu.memory_space<hbm>> -> memref<128xi32, #tpu.memory_space<hbm>>
      %dma_wait3A_132 = tpu.memref_slice %arg3[%add3A_34] : memref<65536xi32, #tpu.memory_space<hbm>> -> memref<128xi32, #tpu.memory_space<hbm>>
      tpu.wait_dma2 semaphore(%run_scoped3A : memref<!tpu.dma_semaphore, #tpu.memory_space<semaphore_mem>>) src(%dma_wait3A_132 : memref<128xi32, #tpu.memory_space<hbm>>) dst(%arg5 : memref<128xi32, #tpu.memory_space<vmem>>)
      tpu.yield
    }) : () -> ()
    %dma_start3A_35 = arith.constant 0 : i32
    %dma_start3A_36 = arith.constant 0 : i32
    %dma_start3A_37 = tpu.memref_slice %arg2[%dma_start3A_35, %dma_start3A_36] : memref<2048x256xf32, #tpu.memory_space<hbm>> -> memref<2048x256xf32, #tpu.memory_space<hbm>>
    tpu.enqueue_indirect_dma source(%dma_start3A_37 : memref<2048x256xf32, #tpu.memory_space<hbm>>) target(%arg6 : memref<128x256xf32, #tpu.memory_space<vmem>>) offsets(%arg5 : memref<128xi32, #tpu.memory_space<vmem>>) semaphore(%arg7 : memref<!tpu.dma_semaphore, #tpu.memory_space<semaphore_mem>>)
    %dma_wait3A_38 = arith.constant 0 : i32
    %dma_wait3A_39 = arith.constant 0 : i32
    %dma_wait3A_40 = tpu.memref_slice %arg2[%dma_wait3A_38, %dma_wait3A_39] : memref<2048x256xf32, #tpu.memory_space<hbm>> -> memref<2048x256xf32, #tpu.memory_space<hbm>>
    tpu.wait_indirect_dma semaphore(%arg7 : memref<!tpu.dma_semaphore, #tpu.memory_space<semaphore_mem>>) src(%dma_wait3A_40 : memref<2048x256xf32, #tpu.memory_space<hbm>>) dst(%arg6 : memref<128x256xf32, #tpu.memory_space<vmem>>)
    "tpu.region"() ({
      %run_scoped3A = tpu.sem_alloc : memref<!tpu.dma_semaphore, #tpu.memory_space<semaphore_mem>>
      %dma_start3A_129 = arith.constant 0 : i32
      %dma_start3A_130 = tpu.memref_slice %arg4[%add3A_34, %dma_start3A_129] : memref<65536x256xf32, #tpu.memory_space<hbm>> -> memref<128x256xf32, #tpu.memory_space<hbm>>
      %dma_start3A_131 = arith.constant 0 : i32
      %dma_start3A_132 = tpu.memref_slice %arg4[%add3A_34, %dma_start3A_131] : memref<65536x256xf32, #tpu.memory_space<hbm>> -> memref<128x256xf32, #tpu.memory_space<hbm>>
      tpu.enqueue_dma source(%arg6 : memref<128x256xf32, #tpu.memory_space<vmem>>) target(%dma_start3A_132 : memref<128x256xf32, #tpu.memory_space<hbm>>) target_semaphore(%run_scoped3A : memref<!tpu.dma_semaphore, #tpu.memory_space<semaphore_mem>>)
      %dma_wait3A_133 = arith.constant 0 : i32
      %dma_wait3A_134 = tpu.memref_slice %arg4[%add3A_34, %dma_wait3A_133] : memref<65536x256xf32, #tpu.memory_space<hbm>> -> memref<128x256xf32, #tpu.memory_space<hbm>>
      %dma_wait3A_135 = arith.constant 0 : i32
      %dma_wait3A_136 = tpu.memref_slice %arg4[%add3A_34, %dma_wait3A_135] : memref<65536x256xf32, #tpu.memory_space<hbm>> -> memref<128x256xf32, #tpu.memory_space<hbm>>
      tpu.wait_dma2 semaphore(%run_scoped3A : memref<!tpu.dma_semaphore, #tpu.memory_space<semaphore_mem>>) src(%arg6 : memref<128x256xf32, #tpu.memory_space<vmem>>) dst(%dma_wait3A_136 : memref<128x256xf32, #tpu.memory_space<hbm>>)
      tpu.yield
    }) : () -> ()
    %add3A_41 = arith.constant 640 : i32
    %add3A_42 = arith.addi %mul3A_2, %add3A_41 : i32
    "tpu.region"() ({
      %run_scoped3A = tpu.sem_alloc : memref<!tpu.dma_semaphore, #tpu.memory_space<semaphore_mem>>
      %dma_start3A_129 = tpu.memref_slice %arg3[%add3A_42] : memref<65536xi32, #tpu.memory_space<hbm>> -> memref<128xi32, #tpu.memory_space<hbm>>
      %dma_start3A_130 = tpu.memref_slice %arg3[%add3A_42] : memref<65536xi32, #tpu.memory_space<hbm>> -> memref<128xi32, #tpu.memory_space<hbm>>
      tpu.enqueue_dma source(%dma_start3A_130 : memref<128xi32, #tpu.memory_space<hbm>>) target(%arg5 : memref<128xi32, #tpu.memory_space<vmem>>) target_semaphore(%run_scoped3A : memref<!tpu.dma_semaphore, #tpu.memory_space<semaphore_mem>>)
      %dma_wait3A_131 = tpu.memref_slice %arg3[%add3A_42] : memref<65536xi32, #tpu.memory_space<hbm>> -> memref<128xi32, #tpu.memory_space<hbm>>
      %dma_wait3A_132 = tpu.memref_slice %arg3[%add3A_42] : memref<65536xi32, #tpu.memory_space<hbm>> -> memref<128xi32, #tpu.memory_space<hbm>>
      tpu.wait_dma2 semaphore(%run_scoped3A : memref<!tpu.dma_semaphore, #tpu.memory_space<semaphore_mem>>) src(%dma_wait3A_132 : memref<128xi32, #tpu.memory_space<hbm>>) dst(%arg5 : memref<128xi32, #tpu.memory_space<vmem>>)
      tpu.yield
    }) : () -> ()
    %dma_start3A_43 = arith.constant 0 : i32
    %dma_start3A_44 = arith.constant 0 : i32
    %dma_start3A_45 = tpu.memref_slice %arg2[%dma_start3A_43, %dma_start3A_44] : memref<2048x256xf32, #tpu.memory_space<hbm>> -> memref<2048x256xf32, #tpu.memory_space<hbm>>
    tpu.enqueue_indirect_dma source(%dma_start3A_45 : memref<2048x256xf32, #tpu.memory_space<hbm>>) target(%arg6 : memref<128x256xf32, #tpu.memory_space<vmem>>) offsets(%arg5 : memref<128xi32, #tpu.memory_space<vmem>>) semaphore(%arg7 : memref<!tpu.dma_semaphore, #tpu.memory_space<semaphore_mem>>)
    %dma_wait3A_46 = arith.constant 0 : i32
    %dma_wait3A_47 = arith.constant 0 : i32
    %dma_wait3A_48 = tpu.memref_slice %arg2[%dma_wait3A_46, %dma_wait3A_47] : memref<2048x256xf32, #tpu.memory_space<hbm>> -> memref<2048x256xf32, #tpu.memory_space<hbm>>
    tpu.wait_indirect_dma semaphore(%arg7 : memref<!tpu.dma_semaphore, #tpu.memory_space<semaphore_mem>>) src(%dma_wait3A_48 : memref<2048x256xf32, #tpu.memory_space<hbm>>) dst(%arg6 : memref<128x256xf32, #tpu.memory_space<vmem>>)
    "tpu.region"() ({
      %run_scoped3A = tpu.sem_alloc : memref<!tpu.dma_semaphore, #tpu.memory_space<semaphore_mem>>
      %dma_start3A_129 = arith.constant 0 : i32
      %dma_start3A_130 = tpu.memref_slice %arg4[%add3A_42, %dma_start3A_129] : memref<65536x256xf32, #tpu.memory_space<hbm>> -> memref<128x256xf32, #tpu.memory_space<hbm>>
      %dma_start3A_131 = arith.constant 0 : i32
      %dma_start3A_132 = tpu.memref_slice %arg4[%add3A_42, %dma_start3A_131] : memref<65536x256xf32, #tpu.memory_space<hbm>> -> memref<128x256xf32, #tpu.memory_space<hbm>>
      tpu.enqueue_dma source(%arg6 : memref<128x256xf32, #tpu.memory_space<vmem>>) target(%dma_start3A_132 : memref<128x256xf32, #tpu.memory_space<hbm>>) target_semaphore(%run_scoped3A : memref<!tpu.dma_semaphore, #tpu.memory_space<semaphore_mem>>)
      %dma_wait3A_133 = arith.constant 0 : i32
      %dma_wait3A_134 = tpu.memref_slice %arg4[%add3A_42, %dma_wait3A_133] : memref<65536x256xf32, #tpu.memory_space<hbm>> -> memref<128x256xf32, #tpu.memory_space<hbm>>
      %dma_wait3A_135 = arith.constant 0 : i32
      %dma_wait3A_136 = tpu.memref_slice %arg4[%add3A_42, %dma_wait3A_135] : memref<65536x256xf32, #tpu.memory_space<hbm>> -> memref<128x256xf32, #tpu.memory_space<hbm>>
      tpu.wait_dma2 semaphore(%run_scoped3A : memref<!tpu.dma_semaphore, #tpu.memory_space<semaphore_mem>>) src(%arg6 : memref<128x256xf32, #tpu.memory_space<vmem>>) dst(%dma_wait3A_136 : memref<128x256xf32, #tpu.memory_space<hbm>>)
      tpu.yield
    }) : () -> ()
    %add3A_49 = arith.constant 768 : i32
    %add3A_50 = arith.addi %mul3A_2, %add3A_49 : i32
    "tpu.region"() ({
      %run_scoped3A = tpu.sem_alloc : memref<!tpu.dma_semaphore, #tpu.memory_space<semaphore_mem>>
      %dma_start3A_129 = tpu.memref_slice %arg3[%add3A_50] : memref<65536xi32, #tpu.memory_space<hbm>> -> memref<128xi32, #tpu.memory_space<hbm>>
      %dma_start3A_130 = tpu.memref_slice %arg3[%add3A_50] : memref<65536xi32, #tpu.memory_space<hbm>> -> memref<128xi32, #tpu.memory_space<hbm>>
      tpu.enqueue_dma source(%dma_start3A_130 : memref<128xi32, #tpu.memory_space<hbm>>) target(%arg5 : memref<128xi32, #tpu.memory_space<vmem>>) target_semaphore(%run_scoped3A : memref<!tpu.dma_semaphore, #tpu.memory_space<semaphore_mem>>)
      %dma_wait3A_131 = tpu.memref_slice %arg3[%add3A_50] : memref<65536xi32, #tpu.memory_space<hbm>> -> memref<128xi32, #tpu.memory_space<hbm>>
      %dma_wait3A_132 = tpu.memref_slice %arg3[%add3A_50] : memref<65536xi32, #tpu.memory_space<hbm>> -> memref<128xi32, #tpu.memory_space<hbm>>
      tpu.wait_dma2 semaphore(%run_scoped3A : memref<!tpu.dma_semaphore, #tpu.memory_space<semaphore_mem>>) src(%dma_wait3A_132 : memref<128xi32, #tpu.memory_space<hbm>>) dst(%arg5 : memref<128xi32, #tpu.memory_space<vmem>>)
      tpu.yield
    }) : () -> ()
    %dma_start3A_51 = arith.constant 0 : i32
    %dma_start3A_52 = arith.constant 0 : i32
    %dma_start3A_53 = tpu.memref_slice %arg2[%dma_start3A_51, %dma_start3A_52] : memref<2048x256xf32, #tpu.memory_space<hbm>> -> memref<2048x256xf32, #tpu.memory_space<hbm>>
    tpu.enqueue_indirect_dma source(%dma_start3A_53 : memref<2048x256xf32, #tpu.memory_space<hbm>>) target(%arg6 : memref<128x256xf32, #tpu.memory_space<vmem>>) offsets(%arg5 : memref<128xi32, #tpu.memory_space<vmem>>) semaphore(%arg7 : memref<!tpu.dma_semaphore, #tpu.memory_space<semaphore_mem>>)
    %dma_wait3A_54 = arith.constant 0 : i32
    %dma_wait3A_55 = arith.constant 0 : i32
    %dma_wait3A_56 = tpu.memref_slice %arg2[%dma_wait3A_54, %dma_wait3A_55] : memref<2048x256xf32, #tpu.memory_space<hbm>> -> memref<2048x256xf32, #tpu.memory_space<hbm>>
    tpu.wait_indirect_dma semaphore(%arg7 : memref<!tpu.dma_semaphore, #tpu.memory_space<semaphore_mem>>) src(%dma_wait3A_56 : memref<2048x256xf32, #tpu.memory_space<hbm>>) dst(%arg6 : memref<128x256xf32, #tpu.memory_space<vmem>>)
    "tpu.region"() ({
      %run_scoped3A = tpu.sem_alloc : memref<!tpu.dma_semaphore, #tpu.memory_space<semaphore_mem>>
      %dma_start3A_129 = arith.constant 0 : i32
      %dma_start3A_130 = tpu.memref_slice %arg4[%add3A_50, %dma_start3A_129] : memref<65536x256xf32, #tpu.memory_space<hbm>> -> memref<128x256xf32, #tpu.memory_space<hbm>>
      %dma_start3A_131 = arith.constant 0 : i32
      %dma_start3A_132 = tpu.memref_slice %arg4[%add3A_50, %dma_start3A_131] : memref<65536x256xf32, #tpu.memory_space<hbm>> -> memref<128x256xf32, #tpu.memory_space<hbm>>
      tpu.enqueue_dma source(%arg6 : memref<128x256xf32, #tpu.memory_space<vmem>>) target(%dma_start3A_132 : memref<128x256xf32, #tpu.memory_space<hbm>>) target_semaphore(%run_scoped3A : memref<!tpu.dma_semaphore, #tpu.memory_space<semaphore_mem>>)
      %dma_wait3A_133 = arith.constant 0 : i32
      %dma_wait3A_134 = tpu.memref_slice %arg4[%add3A_50, %dma_wait3A_133] : memref<65536x256xf32, #tpu.memory_space<hbm>> -> memref<128x256xf32, #tpu.memory_space<hbm>>
      %dma_wait3A_135 = arith.constant 0 : i32
      %dma_wait3A_136 = tpu.memref_slice %arg4[%add3A_50, %dma_wait3A_135] : memref<65536x256xf32, #tpu.memory_space<hbm>> -> memref<128x256xf32, #tpu.memory_space<hbm>>
      tpu.wait_dma2 semaphore(%run_scoped3A : memref<!tpu.dma_semaphore, #tpu.memory_space<semaphore_mem>>) src(%arg6 : memref<128x256xf32, #tpu.memory_space<vmem>>) dst(%dma_wait3A_136 : memref<128x256xf32, #tpu.memory_space<hbm>>)
      tpu.yield
    }) : () -> ()
    %add3A_57 = arith.constant 896 : i32
    %add3A_58 = arith.addi %mul3A_2, %add3A_57 : i32
    "tpu.region"() ({
      %run_scoped3A = tpu.sem_alloc : memref<!tpu.dma_semaphore, #tpu.memory_space<semaphore_mem>>
      %dma_start3A_129 = tpu.memref_slice %arg3[%add3A_58] : memref<65536xi32, #tpu.memory_space<hbm>> -> memref<128xi32, #tpu.memory_space<hbm>>
      %dma_start3A_130 = tpu.memref_slice %arg3[%add3A_58] : memref<65536xi32, #tpu.memory_space<hbm>> -> memref<128xi32, #tpu.memory_space<hbm>>
      tpu.enqueue_dma source(%dma_start3A_130 : memref<128xi32, #tpu.memory_space<hbm>>) target(%arg5 : memref<128xi32, #tpu.memory_space<vmem>>) target_semaphore(%run_scoped3A : memref<!tpu.dma_semaphore, #tpu.memory_space<semaphore_mem>>)
      %dma_wait3A_131 = tpu.memref_slice %arg3[%add3A_58] : memref<65536xi32, #tpu.memory_space<hbm>> -> memref<128xi32, #tpu.memory_space<hbm>>
      %dma_wait3A_132 = tpu.memref_slice %arg3[%add3A_58] : memref<65536xi32, #tpu.memory_space<hbm>> -> memref<128xi32, #tpu.memory_space<hbm>>
      tpu.wait_dma2 semaphore(%run_scoped3A : memref<!tpu.dma_semaphore, #tpu.memory_space<semaphore_mem>>) src(%dma_wait3A_132 : memref<128xi32, #tpu.memory_space<hbm>>) dst(%arg5 : memref<128xi32, #tpu.memory_space<vmem>>)
      tpu.yield
    }) : () -> ()
    %dma_start3A_59 = arith.constant 0 : i32
    %dma_start3A_60 = arith.constant 0 : i32
    %dma_start3A_61 = tpu.memref_slice %arg2[%dma_start3A_59, %dma_start3A_60] : memref<2048x256xf32, #tpu.memory_space<hbm>> -> memref<2048x256xf32, #tpu.memory_space<hbm>>
    tpu.enqueue_indirect_dma source(%dma_start3A_61 : memref<2048x256xf32, #tpu.memory_space<hbm>>) target(%arg6 : memref<128x256xf32, #tpu.memory_space<vmem>>) offsets(%arg5 : memref<128xi32, #tpu.memory_space<vmem>>) semaphore(%arg7 : memref<!tpu.dma_semaphore, #tpu.memory_space<semaphore_mem>>)
    %dma_wait3A_62 = arith.constant 0 : i32
    %dma_wait3A_63 = arith.constant 0 : i32
    %dma_wait3A_64 = tpu.memref_slice %arg2[%dma_wait3A_62, %dma_wait3A_63] : memref<2048x256xf32, #tpu.memory_space<hbm>> -> memref<2048x256xf32, #tpu.memory_space<hbm>>
    tpu.wait_indirect_dma semaphore(%arg7 : memref<!tpu.dma_semaphore, #tpu.memory_space<semaphore_mem>>) src(%dma_wait3A_64 : memref<2048x256xf32, #tpu.memory_space<hbm>>) dst(%arg6 : memref<128x256xf32, #tpu.memory_space<vmem>>)
    "tpu.region"() ({
      %run_scoped3A = tpu.sem_alloc : memref<!tpu.dma_semaphore, #tpu.memory_space<semaphore_mem>>
      %dma_start3A_129 = arith.constant 0 : i32
      %dma_start3A_130 = tpu.memref_slice %arg4[%add3A_58, %dma_start3A_129] : memref<65536x256xf32, #tpu.memory_space<hbm>> -> memref<128x256xf32, #tpu.memory_space<hbm>>
      %dma_start3A_131 = arith.constant 0 : i32
      %dma_start3A_132 = tpu.memref_slice %arg4[%add3A_58, %dma_start3A_131] : memref<65536x256xf32, #tpu.memory_space<hbm>> -> memref<128x256xf32, #tpu.memory_space<hbm>>
      tpu.enqueue_dma source(%arg6 : memref<128x256xf32, #tpu.memory_space<vmem>>) target(%dma_start3A_132 : memref<128x256xf32, #tpu.memory_space<hbm>>) target_semaphore(%run_scoped3A : memref<!tpu.dma_semaphore, #tpu.memory_space<semaphore_mem>>)
      %dma_wait3A_133 = arith.constant 0 : i32
      %dma_wait3A_134 = tpu.memref_slice %arg4[%add3A_58, %dma_wait3A_133] : memref<65536x256xf32, #tpu.memory_space<hbm>> -> memref<128x256xf32, #tpu.memory_space<hbm>>
      %dma_wait3A_135 = arith.constant 0 : i32
      %dma_wait3A_136 = tpu.memref_slice %arg4[%add3A_58, %dma_wait3A_135] : memref<65536x256xf32, #tpu.memory_space<hbm>> -> memref<128x256xf32, #tpu.memory_space<hbm>>
      tpu.wait_dma2 semaphore(%run_scoped3A : memref<!tpu.dma_semaphore, #tpu.memory_space<semaphore_mem>>) src(%arg6 : memref<128x256xf32, #tpu.memory_space<vmem>>) dst(%dma_wait3A_136 : memref<128x256xf32, #tpu.memory_space<hbm>>)
      tpu.yield
    }) : () -> ()
    %add3A_65 = arith.constant 1024 : i32
    %add3A_66 = arith.addi %mul3A_2, %add3A_65 : i32
    "tpu.region"() ({
      %run_scoped3A = tpu.sem_alloc : memref<!tpu.dma_semaphore, #tpu.memory_space<semaphore_mem>>
      %dma_start3A_129 = tpu.memref_slice %arg3[%add3A_66] : memref<65536xi32, #tpu.memory_space<hbm>> -> memref<128xi32, #tpu.memory_space<hbm>>
      %dma_start3A_130 = tpu.memref_slice %arg3[%add3A_66] : memref<65536xi32, #tpu.memory_space<hbm>> -> memref<128xi32, #tpu.memory_space<hbm>>
      tpu.enqueue_dma source(%dma_start3A_130 : memref<128xi32, #tpu.memory_space<hbm>>) target(%arg5 : memref<128xi32, #tpu.memory_space<vmem>>) target_semaphore(%run_scoped3A : memref<!tpu.dma_semaphore, #tpu.memory_space<semaphore_mem>>)
      %dma_wait3A_131 = tpu.memref_slice %arg3[%add3A_66] : memref<65536xi32, #tpu.memory_space<hbm>> -> memref<128xi32, #tpu.memory_space<hbm>>
      %dma_wait3A_132 = tpu.memref_slice %arg3[%add3A_66] : memref<65536xi32, #tpu.memory_space<hbm>> -> memref<128xi32, #tpu.memory_space<hbm>>
      tpu.wait_dma2 semaphore(%run_scoped3A : memref<!tpu.dma_semaphore, #tpu.memory_space<semaphore_mem>>) src(%dma_wait3A_132 : memref<128xi32, #tpu.memory_space<hbm>>) dst(%arg5 : memref<128xi32, #tpu.memory_space<vmem>>)
      tpu.yield
    }) : () -> ()
    %dma_start3A_67 = arith.constant 0 : i32
    %dma_start3A_68 = arith.constant 0 : i32
    %dma_start3A_69 = tpu.memref_slice %arg2[%dma_start3A_67, %dma_start3A_68] : memref<2048x256xf32, #tpu.memory_space<hbm>> -> memref<2048x256xf32, #tpu.memory_space<hbm>>
    tpu.enqueue_indirect_dma source(%dma_start3A_69 : memref<2048x256xf32, #tpu.memory_space<hbm>>) target(%arg6 : memref<128x256xf32, #tpu.memory_space<vmem>>) offsets(%arg5 : memref<128xi32, #tpu.memory_space<vmem>>) semaphore(%arg7 : memref<!tpu.dma_semaphore, #tpu.memory_space<semaphore_mem>>)
    %dma_wait3A_70 = arith.constant 0 : i32
    %dma_wait3A_71 = arith.constant 0 : i32
    %dma_wait3A_72 = tpu.memref_slice %arg2[%dma_wait3A_70, %dma_wait3A_71] : memref<2048x256xf32, #tpu.memory_space<hbm>> -> memref<2048x256xf32, #tpu.memory_space<hbm>>
    tpu.wait_indirect_dma semaphore(%arg7 : memref<!tpu.dma_semaphore, #tpu.memory_space<semaphore_mem>>) src(%dma_wait3A_72 : memref<2048x256xf32, #tpu.memory_space<hbm>>) dst(%arg6 : memref<128x256xf32, #tpu.memory_space<vmem>>)
    "tpu.region"() ({
      %run_scoped3A = tpu.sem_alloc : memref<!tpu.dma_semaphore, #tpu.memory_space<semaphore_mem>>
      %dma_start3A_129 = arith.constant 0 : i32
      %dma_start3A_130 = tpu.memref_slice %arg4[%add3A_66, %dma_start3A_129] : memref<65536x256xf32, #tpu.memory_space<hbm>> -> memref<128x256xf32, #tpu.memory_space<hbm>>
      %dma_start3A_131 = arith.constant 0 : i32
      %dma_start3A_132 = tpu.memref_slice %arg4[%add3A_66, %dma_start3A_131] : memref<65536x256xf32, #tpu.memory_space<hbm>> -> memref<128x256xf32, #tpu.memory_space<hbm>>
      tpu.enqueue_dma source(%arg6 : memref<128x256xf32, #tpu.memory_space<vmem>>) target(%dma_start3A_132 : memref<128x256xf32, #tpu.memory_space<hbm>>) target_semaphore(%run_scoped3A : memref<!tpu.dma_semaphore, #tpu.memory_space<semaphore_mem>>)
      %dma_wait3A_133 = arith.constant 0 : i32
      %dma_wait3A_134 = tpu.memref_slice %arg4[%add3A_66, %dma_wait3A_133] : memref<65536x256xf32, #tpu.memory_space<hbm>> -> memref<128x256xf32, #tpu.memory_space<hbm>>
      %dma_wait3A_135 = arith.constant 0 : i32
      %dma_wait3A_136 = tpu.memref_slice %arg4[%add3A_66, %dma_wait3A_135] : memref<65536x256xf32, #tpu.memory_space<hbm>> -> memref<128x256xf32, #tpu.memory_space<hbm>>
      tpu.wait_dma2 semaphore(%run_scoped3A : memref<!tpu.dma_semaphore, #tpu.memory_space<semaphore_mem>>) src(%arg6 : memref<128x256xf32, #tpu.memory_space<vmem>>) dst(%dma_wait3A_136 : memref<128x256xf32, #tpu.memory_space<hbm>>)
      tpu.yield
    }) : () -> ()
    %add3A_73 = arith.constant 1152 : i32
    %add3A_74 = arith.addi %mul3A_2, %add3A_73 : i32
    "tpu.region"() ({
      %run_scoped3A = tpu.sem_alloc : memref<!tpu.dma_semaphore, #tpu.memory_space<semaphore_mem>>
      %dma_start3A_129 = tpu.memref_slice %arg3[%add3A_74] : memref<65536xi32, #tpu.memory_space<hbm>> -> memref<128xi32, #tpu.memory_space<hbm>>
      %dma_start3A_130 = tpu.memref_slice %arg3[%add3A_74] : memref<65536xi32, #tpu.memory_space<hbm>> -> memref<128xi32, #tpu.memory_space<hbm>>
      tpu.enqueue_dma source(%dma_start3A_130 : memref<128xi32, #tpu.memory_space<hbm>>) target(%arg5 : memref<128xi32, #tpu.memory_space<vmem>>) target_semaphore(%run_scoped3A : memref<!tpu.dma_semaphore, #tpu.memory_space<semaphore_mem>>)
      %dma_wait3A_131 = tpu.memref_slice %arg3[%add3A_74] : memref<65536xi32, #tpu.memory_space<hbm>> -> memref<128xi32, #tpu.memory_space<hbm>>
      %dma_wait3A_132 = tpu.memref_slice %arg3[%add3A_74] : memref<65536xi32, #tpu.memory_space<hbm>> -> memref<128xi32, #tpu.memory_space<hbm>>
      tpu.wait_dma2 semaphore(%run_scoped3A : memref<!tpu.dma_semaphore, #tpu.memory_space<semaphore_mem>>) src(%dma_wait3A_132 : memref<128xi32, #tpu.memory_space<hbm>>) dst(%arg5 : memref<128xi32, #tpu.memory_space<vmem>>)
      tpu.yield
    }) : () -> ()
    %dma_start3A_75 = arith.constant 0 : i32
    %dma_start3A_76 = arith.constant 0 : i32
    %dma_start3A_77 = tpu.memref_slice %arg2[%dma_start3A_75, %dma_start3A_76] : memref<2048x256xf32, #tpu.memory_space<hbm>> -> memref<2048x256xf32, #tpu.memory_space<hbm>>
    tpu.enqueue_indirect_dma source(%dma_start3A_77 : memref<2048x256xf32, #tpu.memory_space<hbm>>) target(%arg6 : memref<128x256xf32, #tpu.memory_space<vmem>>) offsets(%arg5 : memref<128xi32, #tpu.memory_space<vmem>>) semaphore(%arg7 : memref<!tpu.dma_semaphore, #tpu.memory_space<semaphore_mem>>)
    %dma_wait3A_78 = arith.constant 0 : i32
    %dma_wait3A_79 = arith.constant 0 : i32
    %dma_wait3A_80 = tpu.memref_slice %arg2[%dma_wait3A_78, %dma_wait3A_79] : memref<2048x256xf32, #tpu.memory_space<hbm>> -> memref<2048x256xf32, #tpu.memory_space<hbm>>
    tpu.wait_indirect_dma semaphore(%arg7 : memref<!tpu.dma_semaphore, #tpu.memory_space<semaphore_mem>>) src(%dma_wait3A_80 : memref<2048x256xf32, #tpu.memory_space<hbm>>) dst(%arg6 : memref<128x256xf32, #tpu.memory_space<vmem>>)
    "tpu.region"() ({
      %run_scoped3A = tpu.sem_alloc : memref<!tpu.dma_semaphore, #tpu.memory_space<semaphore_mem>>
      %dma_start3A_129 = arith.constant 0 : i32
      %dma_start3A_130 = tpu.memref_slice %arg4[%add3A_74, %dma_start3A_129] : memref<65536x256xf32, #tpu.memory_space<hbm>> -> memref<128x256xf32, #tpu.memory_space<hbm>>
      %dma_start3A_131 = arith.constant 0 : i32
      %dma_start3A_132 = tpu.memref_slice %arg4[%add3A_74, %dma_start3A_131] : memref<65536x256xf32, #tpu.memory_space<hbm>> -> memref<128x256xf32, #tpu.memory_space<hbm>>
      tpu.enqueue_dma source(%arg6 : memref<128x256xf32, #tpu.memory_space<vmem>>) target(%dma_start3A_132 : memref<128x256xf32, #tpu.memory_space<hbm>>) target_semaphore(%run_scoped3A : memref<!tpu.dma_semaphore, #tpu.memory_space<semaphore_mem>>)
      %dma_wait3A_133 = arith.constant 0 : i32
      %dma_wait3A_134 = tpu.memref_slice %arg4[%add3A_74, %dma_wait3A_133] : memref<65536x256xf32, #tpu.memory_space<hbm>> -> memref<128x256xf32, #tpu.memory_space<hbm>>
      %dma_wait3A_135 = arith.constant 0 : i32
      %dma_wait3A_136 = tpu.memref_slice %arg4[%add3A_74, %dma_wait3A_135] : memref<65536x256xf32, #tpu.memory_space<hbm>> -> memref<128x256xf32, #tpu.memory_space<hbm>>
      tpu.wait_dma2 semaphore(%run_scoped3A : memref<!tpu.dma_semaphore, #tpu.memory_space<semaphore_mem>>) src(%arg6 : memref<128x256xf32, #tpu.memory_space<vmem>>) dst(%dma_wait3A_136 : memref<128x256xf32, #tpu.memory_space<hbm>>)
      tpu.yield
    }) : () -> ()
    %add3A_81 = arith.constant 1280 : i32
    %add3A_82 = arith.addi %mul3A_2, %add3A_81 : i32
    "tpu.region"() ({
      %run_scoped3A = tpu.sem_alloc : memref<!tpu.dma_semaphore, #tpu.memory_space<semaphore_mem>>
      %dma_start3A_129 = tpu.memref_slice %arg3[%add3A_82] : memref<65536xi32, #tpu.memory_space<hbm>> -> memref<128xi32, #tpu.memory_space<hbm>>
      %dma_start3A_130 = tpu.memref_slice %arg3[%add3A_82] : memref<65536xi32, #tpu.memory_space<hbm>> -> memref<128xi32, #tpu.memory_space<hbm>>
      tpu.enqueue_dma source(%dma_start3A_130 : memref<128xi32, #tpu.memory_space<hbm>>) target(%arg5 : memref<128xi32, #tpu.memory_space<vmem>>) target_semaphore(%run_scoped3A : memref<!tpu.dma_semaphore, #tpu.memory_space<semaphore_mem>>)
      %dma_wait3A_131 = tpu.memref_slice %arg3[%add3A_82] : memref<65536xi32, #tpu.memory_space<hbm>> -> memref<128xi32, #tpu.memory_space<hbm>>
      %dma_wait3A_132 = tpu.memref_slice %arg3[%add3A_82] : memref<65536xi32, #tpu.memory_space<hbm>> -> memref<128xi32, #tpu.memory_space<hbm>>
      tpu.wait_dma2 semaphore(%run_scoped3A : memref<!tpu.dma_semaphore, #tpu.memory_space<semaphore_mem>>) src(%dma_wait3A_132 : memref<128xi32, #tpu.memory_space<hbm>>) dst(%arg5 : memref<128xi32, #tpu.memory_space<vmem>>)
      tpu.yield
    }) : () -> ()
    %dma_start3A_83 = arith.constant 0 : i32
    %dma_start3A_84 = arith.constant 0 : i32
    %dma_start3A_85 = tpu.memref_slice %arg2[%dma_start3A_83, %dma_start3A_84] : memref<2048x256xf32, #tpu.memory_space<hbm>> -> memref<2048x256xf32, #tpu.memory_space<hbm>>
    tpu.enqueue_indirect_dma source(%dma_start3A_85 : memref<2048x256xf32, #tpu.memory_space<hbm>>) target(%arg6 : memref<128x256xf32, #tpu.memory_space<vmem>>) offsets(%arg5 : memref<128xi32, #tpu.memory_space<vmem>>) semaphore(%arg7 : memref<!tpu.dma_semaphore, #tpu.memory_space<semaphore_mem>>)
    %dma_wait3A_86 = arith.constant 0 : i32
    %dma_wait3A_87 = arith.constant 0 : i32
    %dma_wait3A_88 = tpu.memref_slice %arg2[%dma_wait3A_86, %dma_wait3A_87] : memref<2048x256xf32, #tpu.memory_space<hbm>> -> memref<2048x256xf32, #tpu.memory_space<hbm>>
    tpu.wait_indirect_dma semaphore(%arg7 : memref<!tpu.dma_semaphore, #tpu.memory_space<semaphore_mem>>) src(%dma_wait3A_88 : memref<2048x256xf32, #tpu.memory_space<hbm>>) dst(%arg6 : memref<128x256xf32, #tpu.memory_space<vmem>>)
    "tpu.region"() ({
      %run_scoped3A = tpu.sem_alloc : memref<!tpu.dma_semaphore, #tpu.memory_space<semaphore_mem>>
      %dma_start3A_129 = arith.constant 0 : i32
      %dma_start3A_130 = tpu.memref_slice %arg4[%add3A_82, %dma_start3A_129] : memref<65536x256xf32, #tpu.memory_space<hbm>> -> memref<128x256xf32, #tpu.memory_space<hbm>>
      %dma_start3A_131 = arith.constant 0 : i32
      %dma_start3A_132 = tpu.memref_slice %arg4[%add3A_82, %dma_start3A_131] : memref<65536x256xf32, #tpu.memory_space<hbm>> -> memref<128x256xf32, #tpu.memory_space<hbm>>
      tpu.enqueue_dma source(%arg6 : memref<128x256xf32, #tpu.memory_space<vmem>>) target(%dma_start3A_132 : memref<128x256xf32, #tpu.memory_space<hbm>>) target_semaphore(%run_scoped3A : memref<!tpu.dma_semaphore, #tpu.memory_space<semaphore_mem>>)
      %dma_wait3A_133 = arith.constant 0 : i32
      %dma_wait3A_134 = tpu.memref_slice %arg4[%add3A_82, %dma_wait3A_133] : memref<65536x256xf32, #tpu.memory_space<hbm>> -> memref<128x256xf32, #tpu.memory_space<hbm>>
      %dma_wait3A_135 = arith.constant 0 : i32
      %dma_wait3A_136 = tpu.memref_slice %arg4[%add3A_82, %dma_wait3A_135] : memref<65536x256xf32, #tpu.memory_space<hbm>> -> memref<128x256xf32, #tpu.memory_space<hbm>>
      tpu.wait_dma2 semaphore(%run_scoped3A : memref<!tpu.dma_semaphore, #tpu.memory_space<semaphore_mem>>) src(%arg6 : memref<128x256xf32, #tpu.memory_space<vmem>>) dst(%dma_wait3A_136 : memref<128x256xf32, #tpu.memory_space<hbm>>)
      tpu.yield
    }) : () -> ()
    %add3A_89 = arith.constant 1408 : i32
    %add3A_90 = arith.addi %mul3A_2, %add3A_89 : i32
    "tpu.region"() ({
      %run_scoped3A = tpu.sem_alloc : memref<!tpu.dma_semaphore, #tpu.memory_space<semaphore_mem>>
      %dma_start3A_129 = tpu.memref_slice %arg3[%add3A_90] : memref<65536xi32, #tpu.memory_space<hbm>> -> memref<128xi32, #tpu.memory_space<hbm>>
      %dma_start3A_130 = tpu.memref_slice %arg3[%add3A_90] : memref<65536xi32, #tpu.memory_space<hbm>> -> memref<128xi32, #tpu.memory_space<hbm>>
      tpu.enqueue_dma source(%dma_start3A_130 : memref<128xi32, #tpu.memory_space<hbm>>) target(%arg5 : memref<128xi32, #tpu.memory_space<vmem>>) target_semaphore(%run_scoped3A : memref<!tpu.dma_semaphore, #tpu.memory_space<semaphore_mem>>)
      %dma_wait3A_131 = tpu.memref_slice %arg3[%add3A_90] : memref<65536xi32, #tpu.memory_space<hbm>> -> memref<128xi32, #tpu.memory_space<hbm>>
      %dma_wait3A_132 = tpu.memref_slice %arg3[%add3A_90] : memref<65536xi32, #tpu.memory_space<hbm>> -> memref<128xi32, #tpu.memory_space<hbm>>
      tpu.wait_dma2 semaphore(%run_scoped3A : memref<!tpu.dma_semaphore, #tpu.memory_space<semaphore_mem>>) src(%dma_wait3A_132 : memref<128xi32, #tpu.memory_space<hbm>>) dst(%arg5 : memref<128xi32, #tpu.memory_space<vmem>>)
      tpu.yield
    }) : () -> ()
    %dma_start3A_91 = arith.constant 0 : i32
    %dma_start3A_92 = arith.constant 0 : i32
    %dma_start3A_93 = tpu.memref_slice %arg2[%dma_start3A_91, %dma_start3A_92] : memref<2048x256xf32, #tpu.memory_space<hbm>> -> memref<2048x256xf32, #tpu.memory_space<hbm>>
    tpu.enqueue_indirect_dma source(%dma_start3A_93 : memref<2048x256xf32, #tpu.memory_space<hbm>>) target(%arg6 : memref<128x256xf32, #tpu.memory_space<vmem>>) offsets(%arg5 : memref<128xi32, #tpu.memory_space<vmem>>) semaphore(%arg7 : memref<!tpu.dma_semaphore, #tpu.memory_space<semaphore_mem>>)
    %dma_wait3A_94 = arith.constant 0 : i32
    %dma_wait3A_95 = arith.constant 0 : i32
    %dma_wait3A_96 = tpu.memref_slice %arg2[%dma_wait3A_94, %dma_wait3A_95] : memref<2048x256xf32, #tpu.memory_space<hbm>> -> memref<2048x256xf32, #tpu.memory_space<hbm>>
    tpu.wait_indirect_dma semaphore(%arg7 : memref<!tpu.dma_semaphore, #tpu.memory_space<semaphore_mem>>) src(%dma_wait3A_96 : memref<2048x256xf32, #tpu.memory_space<hbm>>) dst(%arg6 : memref<128x256xf32, #tpu.memory_space<vmem>>)
    "tpu.region"() ({
      %run_scoped3A = tpu.sem_alloc : memref<!tpu.dma_semaphore, #tpu.memory_space<semaphore_mem>>
      %dma_start3A_129 = arith.constant 0 : i32
      %dma_start3A_130 = tpu.memref_slice %arg4[%add3A_90, %dma_start3A_129] : memref<65536x256xf32, #tpu.memory_space<hbm>> -> memref<128x256xf32, #tpu.memory_space<hbm>>
      %dma_start3A_131 = arith.constant 0 : i32
      %dma_start3A_132 = tpu.memref_slice %arg4[%add3A_90, %dma_start3A_131] : memref<65536x256xf32, #tpu.memory_space<hbm>> -> memref<128x256xf32, #tpu.memory_space<hbm>>
      tpu.enqueue_dma source(%arg6 : memref<128x256xf32, #tpu.memory_space<vmem>>) target(%dma_start3A_132 : memref<128x256xf32, #tpu.memory_space<hbm>>) target_semaphore(%run_scoped3A : memref<!tpu.dma_semaphore, #tpu.memory_space<semaphore_mem>>)
      %dma_wait3A_133 = arith.constant 0 : i32
      %dma_wait3A_134 = tpu.memref_slice %arg4[%add3A_90, %dma_wait3A_133] : memref<65536x256xf32, #tpu.memory_space<hbm>> -> memref<128x256xf32, #tpu.memory_space<hbm>>
      %dma_wait3A_135 = arith.constant 0 : i32
      %dma_wait3A_136 = tpu.memref_slice %arg4[%add3A_90, %dma_wait3A_135] : memref<65536x256xf32, #tpu.memory_space<hbm>> -> memref<128x256xf32, #tpu.memory_space<hbm>>
      tpu.wait_dma2 semaphore(%run_scoped3A : memref<!tpu.dma_semaphore, #tpu.memory_space<semaphore_mem>>) src(%arg6 : memref<128x256xf32, #tpu.memory_space<vmem>>) dst(%dma_wait3A_136 : memref<128x256xf32, #tpu.memory_space<hbm>>)
      tpu.yield
    }) : () -> ()
    %add3A_97 = arith.constant 1536 : i32
    %add3A_98 = arith.addi %mul3A_2, %add3A_97 : i32
    "tpu.region"() ({
      %run_scoped3A = tpu.sem_alloc : memref<!tpu.dma_semaphore, #tpu.memory_space<semaphore_mem>>
      %dma_start3A_129 = tpu.memref_slice %arg3[%add3A_98] : memref<65536xi32, #tpu.memory_space<hbm>> -> memref<128xi32, #tpu.memory_space<hbm>>
      %dma_start3A_130 = tpu.memref_slice %arg3[%add3A_98] : memref<65536xi32, #tpu.memory_space<hbm>> -> memref<128xi32, #tpu.memory_space<hbm>>
      tpu.enqueue_dma source(%dma_start3A_130 : memref<128xi32, #tpu.memory_space<hbm>>) target(%arg5 : memref<128xi32, #tpu.memory_space<vmem>>) target_semaphore(%run_scoped3A : memref<!tpu.dma_semaphore, #tpu.memory_space<semaphore_mem>>)
      %dma_wait3A_131 = tpu.memref_slice %arg3[%add3A_98] : memref<65536xi32, #tpu.memory_space<hbm>> -> memref<128xi32, #tpu.memory_space<hbm>>
      %dma_wait3A_132 = tpu.memref_slice %arg3[%add3A_98] : memref<65536xi32, #tpu.memory_space<hbm>> -> memref<128xi32, #tpu.memory_space<hbm>>
      tpu.wait_dma2 semaphore(%run_scoped3A : memref<!tpu.dma_semaphore, #tpu.memory_space<semaphore_mem>>) src(%dma_wait3A_132 : memref<128xi32, #tpu.memory_space<hbm>>) dst(%arg5 : memref<128xi32, #tpu.memory_space<vmem>>)
      tpu.yield
    }) : () -> ()
    %dma_start3A_99 = arith.constant 0 : i32
    %dma_start3A_100 = arith.constant 0 : i32
    %dma_start3A_101 = tpu.memref_slice %arg2[%dma_start3A_99, %dma_start3A_100] : memref<2048x256xf32, #tpu.memory_space<hbm>> -> memref<2048x256xf32, #tpu.memory_space<hbm>>
    tpu.enqueue_indirect_dma source(%dma_start3A_101 : memref<2048x256xf32, #tpu.memory_space<hbm>>) target(%arg6 : memref<128x256xf32, #tpu.memory_space<vmem>>) offsets(%arg5 : memref<128xi32, #tpu.memory_space<vmem>>) semaphore(%arg7 : memref<!tpu.dma_semaphore, #tpu.memory_space<semaphore_mem>>)
    %dma_wait3A_102 = arith.constant 0 : i32
    %dma_wait3A_103 = arith.constant 0 : i32
    %dma_wait3A_104 = tpu.memref_slice %arg2[%dma_wait3A_102, %dma_wait3A_103] : memref<2048x256xf32, #tpu.memory_space<hbm>> -> memref<2048x256xf32, #tpu.memory_space<hbm>>
    tpu.wait_indirect_dma semaphore(%arg7 : memref<!tpu.dma_semaphore, #tpu.memory_space<semaphore_mem>>) src(%dma_wait3A_104 : memref<2048x256xf32, #tpu.memory_space<hbm>>) dst(%arg6 : memref<128x256xf32, #tpu.memory_space<vmem>>)
    "tpu.region"() ({
      %run_scoped3A = tpu.sem_alloc : memref<!tpu.dma_semaphore, #tpu.memory_space<semaphore_mem>>
      %dma_start3A_129 = arith.constant 0 : i32
      %dma_start3A_130 = tpu.memref_slice %arg4[%add3A_98, %dma_start3A_129] : memref<65536x256xf32, #tpu.memory_space<hbm>> -> memref<128x256xf32, #tpu.memory_space<hbm>>
      %dma_start3A_131 = arith.constant 0 : i32
      %dma_start3A_132 = tpu.memref_slice %arg4[%add3A_98, %dma_start3A_131] : memref<65536x256xf32, #tpu.memory_space<hbm>> -> memref<128x256xf32, #tpu.memory_space<hbm>>
      tpu.enqueue_dma source(%arg6 : memref<128x256xf32, #tpu.memory_space<vmem>>) target(%dma_start3A_132 : memref<128x256xf32, #tpu.memory_space<hbm>>) target_semaphore(%run_scoped3A : memref<!tpu.dma_semaphore, #tpu.memory_space<semaphore_mem>>)
      %dma_wait3A_133 = arith.constant 0 : i32
      %dma_wait3A_134 = tpu.memref_slice %arg4[%add3A_98, %dma_wait3A_133] : memref<65536x256xf32, #tpu.memory_space<hbm>> -> memref<128x256xf32, #tpu.memory_space<hbm>>
      %dma_wait3A_135 = arith.constant 0 : i32
      %dma_wait3A_136 = tpu.memref_slice %arg4[%add3A_98, %dma_wait3A_135] : memref<65536x256xf32, #tpu.memory_space<hbm>> -> memref<128x256xf32, #tpu.memory_space<hbm>>
      tpu.wait_dma2 semaphore(%run_scoped3A : memref<!tpu.dma_semaphore, #tpu.memory_space<semaphore_mem>>) src(%arg6 : memref<128x256xf32, #tpu.memory_space<vmem>>) dst(%dma_wait3A_136 : memref<128x256xf32, #tpu.memory_space<hbm>>)
      tpu.yield
    }) : () -> ()
    %add3A_105 = arith.constant 1664 : i32
    %add3A_106 = arith.addi %mul3A_2, %add3A_105 : i32
    "tpu.region"() ({
      %run_scoped3A = tpu.sem_alloc : memref<!tpu.dma_semaphore, #tpu.memory_space<semaphore_mem>>
      %dma_start3A_129 = tpu.memref_slice %arg3[%add3A_106] : memref<65536xi32, #tpu.memory_space<hbm>> -> memref<128xi32, #tpu.memory_space<hbm>>
      %dma_start3A_130 = tpu.memref_slice %arg3[%add3A_106] : memref<65536xi32, #tpu.memory_space<hbm>> -> memref<128xi32, #tpu.memory_space<hbm>>
      tpu.enqueue_dma source(%dma_start3A_130 : memref<128xi32, #tpu.memory_space<hbm>>) target(%arg5 : memref<128xi32, #tpu.memory_space<vmem>>) target_semaphore(%run_scoped3A : memref<!tpu.dma_semaphore, #tpu.memory_space<semaphore_mem>>)
      %dma_wait3A_131 = tpu.memref_slice %arg3[%add3A_106] : memref<65536xi32, #tpu.memory_space<hbm>> -> memref<128xi32, #tpu.memory_space<hbm>>
      %dma_wait3A_132 = tpu.memref_slice %arg3[%add3A_106] : memref<65536xi32, #tpu.memory_space<hbm>> -> memref<128xi32, #tpu.memory_space<hbm>>
      tpu.wait_dma2 semaphore(%run_scoped3A : memref<!tpu.dma_semaphore, #tpu.memory_space<semaphore_mem>>) src(%dma_wait3A_132 : memref<128xi32, #tpu.memory_space<hbm>>) dst(%arg5 : memref<128xi32, #tpu.memory_space<vmem>>)
      tpu.yield
    }) : () -> ()
    %dma_start3A_107 = arith.constant 0 : i32
    %dma_start3A_108 = arith.constant 0 : i32
    %dma_start3A_109 = tpu.memref_slice %arg2[%dma_start3A_107, %dma_start3A_108] : memref<2048x256xf32, #tpu.memory_space<hbm>> -> memref<2048x256xf32, #tpu.memory_space<hbm>>
    tpu.enqueue_indirect_dma source(%dma_start3A_109 : memref<2048x256xf32, #tpu.memory_space<hbm>>) target(%arg6 : memref<128x256xf32, #tpu.memory_space<vmem>>) offsets(%arg5 : memref<128xi32, #tpu.memory_space<vmem>>) semaphore(%arg7 : memref<!tpu.dma_semaphore, #tpu.memory_space<semaphore_mem>>)
    %dma_wait3A_110 = arith.constant 0 : i32
    %dma_wait3A_111 = arith.constant 0 : i32
    %dma_wait3A_112 = tpu.memref_slice %arg2[%dma_wait3A_110, %dma_wait3A_111] : memref<2048x256xf32, #tpu.memory_space<hbm>> -> memref<2048x256xf32, #tpu.memory_space<hbm>>
    tpu.wait_indirect_dma semaphore(%arg7 : memref<!tpu.dma_semaphore, #tpu.memory_space<semaphore_mem>>) src(%dma_wait3A_112 : memref<2048x256xf32, #tpu.memory_space<hbm>>) dst(%arg6 : memref<128x256xf32, #tpu.memory_space<vmem>>)
    "tpu.region"() ({
      %run_scoped3A = tpu.sem_alloc : memref<!tpu.dma_semaphore, #tpu.memory_space<semaphore_mem>>
      %dma_start3A_129 = arith.constant 0 : i32
      %dma_start3A_130 = tpu.memref_slice %arg4[%add3A_106, %dma_start3A_129] : memref<65536x256xf32, #tpu.memory_space<hbm>> -> memref<128x256xf32, #tpu.memory_space<hbm>>
      %dma_start3A_131 = arith.constant 0 : i32
      %dma_start3A_132 = tpu.memref_slice %arg4[%add3A_106, %dma_start3A_131] : memref<65536x256xf32, #tpu.memory_space<hbm>> -> memref<128x256xf32, #tpu.memory_space<hbm>>
      tpu.enqueue_dma source(%arg6 : memref<128x256xf32, #tpu.memory_space<vmem>>) target(%dma_start3A_132 : memref<128x256xf32, #tpu.memory_space<hbm>>) target_semaphore(%run_scoped3A : memref<!tpu.dma_semaphore, #tpu.memory_space<semaphore_mem>>)
      %dma_wait3A_133 = arith.constant 0 : i32
      %dma_wait3A_134 = tpu.memref_slice %arg4[%add3A_106, %dma_wait3A_133] : memref<65536x256xf32, #tpu.memory_space<hbm>> -> memref<128x256xf32, #tpu.memory_space<hbm>>
      %dma_wait3A_135 = arith.constant 0 : i32
      %dma_wait3A_136 = tpu.memref_slice %arg4[%add3A_106, %dma_wait3A_135] : memref<65536x256xf32, #tpu.memory_space<hbm>> -> memref<128x256xf32, #tpu.memory_space<hbm>>
      tpu.wait_dma2 semaphore(%run_scoped3A : memref<!tpu.dma_semaphore, #tpu.memory_space<semaphore_mem>>) src(%arg6 : memref<128x256xf32, #tpu.memory_space<vmem>>) dst(%dma_wait3A_136 : memref<128x256xf32, #tpu.memory_space<hbm>>)
      tpu.yield
    }) : () -> ()
    %add3A_113 = arith.constant 1792 : i32
    %add3A_114 = arith.addi %mul3A_2, %add3A_113 : i32
    "tpu.region"() ({
      %run_scoped3A = tpu.sem_alloc : memref<!tpu.dma_semaphore, #tpu.memory_space<semaphore_mem>>
      %dma_start3A_129 = tpu.memref_slice %arg3[%add3A_114] : memref<65536xi32, #tpu.memory_space<hbm>> -> memref<128xi32, #tpu.memory_space<hbm>>
      %dma_start3A_130 = tpu.memref_slice %arg3[%add3A_114] : memref<65536xi32, #tpu.memory_space<hbm>> -> memref<128xi32, #tpu.memory_space<hbm>>
      tpu.enqueue_dma source(%dma_start3A_130 : memref<128xi32, #tpu.memory_space<hbm>>) target(%arg5 : memref<128xi32, #tpu.memory_space<vmem>>) target_semaphore(%run_scoped3A : memref<!tpu.dma_semaphore, #tpu.memory_space<semaphore_mem>>)
      %dma_wait3A_131 = tpu.memref_slice %arg3[%add3A_114] : memref<65536xi32, #tpu.memory_space<hbm>> -> memref<128xi32, #tpu.memory_space<hbm>>
      %dma_wait3A_132 = tpu.memref_slice %arg3[%add3A_114] : memref<65536xi32, #tpu.memory_space<hbm>> -> memref<128xi32, #tpu.memory_space<hbm>>
      tpu.wait_dma2 semaphore(%run_scoped3A : memref<!tpu.dma_semaphore, #tpu.memory_space<semaphore_mem>>) src(%dma_wait3A_132 : memref<128xi32, #tpu.memory_space<hbm>>) dst(%arg5 : memref<128xi32, #tpu.memory_space<vmem>>)
      tpu.yield
    }) : () -> ()
    %dma_start3A_115 = arith.constant 0 : i32
    %dma_start3A_116 = arith.constant 0 : i32
    %dma_start3A_117 = tpu.memref_slice %arg2[%dma_start3A_115, %dma_start3A_116] : memref<2048x256xf32, #tpu.memory_space<hbm>> -> memref<2048x256xf32, #tpu.memory_space<hbm>>
    tpu.enqueue_indirect_dma source(%dma_start3A_117 : memref<2048x256xf32, #tpu.memory_space<hbm>>) target(%arg6 : memref<128x256xf32, #tpu.memory_space<vmem>>) offsets(%arg5 : memref<128xi32, #tpu.memory_space<vmem>>) semaphore(%arg7 : memref<!tpu.dma_semaphore, #tpu.memory_space<semaphore_mem>>)
    %dma_wait3A_118 = arith.constant 0 : i32
    %dma_wait3A_119 = arith.constant 0 : i32
    %dma_wait3A_120 = tpu.memref_slice %arg2[%dma_wait3A_118, %dma_wait3A_119] : memref<2048x256xf32, #tpu.memory_space<hbm>> -> memref<2048x256xf32, #tpu.memory_space<hbm>>
    tpu.wait_indirect_dma semaphore(%arg7 : memref<!tpu.dma_semaphore, #tpu.memory_space<semaphore_mem>>) src(%dma_wait3A_120 : memref<2048x256xf32, #tpu.memory_space<hbm>>) dst(%arg6 : memref<128x256xf32, #tpu.memory_space<vmem>>)
    "tpu.region"() ({
      %run_scoped3A = tpu.sem_alloc : memref<!tpu.dma_semaphore, #tpu.memory_space<semaphore_mem>>
      %dma_start3A_129 = arith.constant 0 : i32
      %dma_start3A_130 = tpu.memref_slice %arg4[%add3A_114, %dma_start3A_129] : memref<65536x256xf32, #tpu.memory_space<hbm>> -> memref<128x256xf32, #tpu.memory_space<hbm>>
      %dma_start3A_131 = arith.constant 0 : i32
      %dma_start3A_132 = tpu.memref_slice %arg4[%add3A_114, %dma_start3A_131] : memref<65536x256xf32, #tpu.memory_space<hbm>> -> memref<128x256xf32, #tpu.memory_space<hbm>>
      tpu.enqueue_dma source(%arg6 : memref<128x256xf32, #tpu.memory_space<vmem>>) target(%dma_start3A_132 : memref<128x256xf32, #tpu.memory_space<hbm>>) target_semaphore(%run_scoped3A : memref<!tpu.dma_semaphore, #tpu.memory_space<semaphore_mem>>)
      %dma_wait3A_133 = arith.constant 0 : i32
      %dma_wait3A_134 = tpu.memref_slice %arg4[%add3A_114, %dma_wait3A_133] : memref<65536x256xf32, #tpu.memory_space<hbm>> -> memref<128x256xf32, #tpu.memory_space<hbm>>
      %dma_wait3A_135 = arith.constant 0 : i32
      %dma_wait3A_136 = tpu.memref_slice %arg4[%add3A_114, %dma_wait3A_135] : memref<65536x256xf32, #tpu.memory_space<hbm>> -> memref<128x256xf32, #tpu.memory_space<hbm>>
      tpu.wait_dma2 semaphore(%run_scoped3A : memref<!tpu.dma_semaphore, #tpu.memory_space<semaphore_mem>>) src(%arg6 : memref<128x256xf32, #tpu.memory_space<vmem>>) dst(%dma_wait3A_136 : memref<128x256xf32, #tpu.memory_space<hbm>>)
      tpu.yield
    }) : () -> ()
    %add3A_121 = arith.constant 1920 : i32
    %add3A_122 = arith.addi %mul3A_2, %add3A_121 : i32
    "tpu.region"() ({
      %run_scoped3A = tpu.sem_alloc : memref<!tpu.dma_semaphore, #tpu.memory_space<semaphore_mem>>
      %dma_start3A_129 = tpu.memref_slice %arg3[%add3A_122] : memref<65536xi32, #tpu.memory_space<hbm>> -> memref<128xi32, #tpu.memory_space<hbm>>
      %dma_start3A_130 = tpu.memref_slice %arg3[%add3A_122] : memref<65536xi32, #tpu.memory_space<hbm>> -> memref<128xi32, #tpu.memory_space<hbm>>
      tpu.enqueue_dma source(%dma_start3A_130 : memref<128xi32, #tpu.memory_space<hbm>>) target(%arg5 : memref<128xi32, #tpu.memory_space<vmem>>) target_semaphore(%run_scoped3A : memref<!tpu.dma_semaphore, #tpu.memory_space<semaphore_mem>>)
      %dma_wait3A_131 = tpu.memref_slice %arg3[%add3A_122] : memref<65536xi32, #tpu.memory_space<hbm>> -> memref<128xi32, #tpu.memory_space<hbm>>
      %dma_wait3A_132 = tpu.memref_slice %arg3[%add3A_122] : memref<65536xi32, #tpu.memory_space<hbm>> -> memref<128xi32, #tpu.memory_space<hbm>>
      tpu.wait_dma2 semaphore(%run_scoped3A : memref<!tpu.dma_semaphore, #tpu.memory_space<semaphore_mem>>) src(%dma_wait3A_132 : memref<128xi32, #tpu.memory_space<hbm>>) dst(%arg5 : memref<128xi32, #tpu.memory_space<vmem>>)
      tpu.yield
    }) : () -> ()
    %dma_start3A_123 = arith.constant 0 : i32
    %dma_start3A_124 = arith.constant 0 : i32
    %dma_start3A_125 = tpu.memref_slice %arg2[%dma_start3A_123, %dma_start3A_124] : memref<2048x256xf32, #tpu.memory_space<hbm>> -> memref<2048x256xf32, #tpu.memory_space<hbm>>
    tpu.enqueue_indirect_dma source(%dma_start3A_125 : memref<2048x256xf32, #tpu.memory_space<hbm>>) target(%arg6 : memref<128x256xf32, #tpu.memory_space<vmem>>) offsets(%arg5 : memref<128xi32, #tpu.memory_space<vmem>>) semaphore(%arg7 : memref<!tpu.dma_semaphore, #tpu.memory_space<semaphore_mem>>)
    %dma_wait3A_126 = arith.constant 0 : i32
    %dma_wait3A_127 = arith.constant 0 : i32
    %dma_wait3A_128 = tpu.memref_slice %arg2[%dma_wait3A_126, %dma_wait3A_127] : memref<2048x256xf32, #tpu.memory_space<hbm>> -> memref<2048x256xf32, #tpu.memory_space<hbm>>
    tpu.wait_indirect_dma semaphore(%arg7 : memref<!tpu.dma_semaphore, #tpu.memory_space<semaphore_mem>>) src(%dma_wait3A_128 : memref<2048x256xf32, #tpu.memory_space<hbm>>) dst(%arg6 : memref<128x256xf32, #tpu.memory_space<vmem>>)
    "tpu.region"() ({
      %run_scoped3A = tpu.sem_alloc : memref<!tpu.dma_semaphore, #tpu.memory_space<semaphore_mem>>
      %dma_start3A_129 = arith.constant 0 : i32
      %dma_start3A_130 = tpu.memref_slice %arg4[%add3A_122, %dma_start3A_129] : memref<65536x256xf32, #tpu.memory_space<hbm>> -> memref<128x256xf32, #tpu.memory_space<hbm>>
      %dma_start3A_131 = arith.constant 0 : i32
      %dma_start3A_132 = tpu.memref_slice %arg4[%add3A_122, %dma_start3A_131] : memref<65536x256xf32, #tpu.memory_space<hbm>> -> memref<128x256xf32, #tpu.memory_space<hbm>>
      tpu.enqueue_dma source(%arg6 : memref<128x256xf32, #tpu.memory_space<vmem>>) target(%dma_start3A_132 : memref<128x256xf32, #tpu.memory_space<hbm>>) target_semaphore(%run_scoped3A : memref<!tpu.dma_semaphore, #tpu.memory_space<semaphore_mem>>)
      %dma_wait3A_133 = arith.constant 0 : i32
      %dma_wait3A_134 = tpu.memref_slice %arg4[%add3A_122, %dma_wait3A_133] : memref<65536x256xf32, #tpu.memory_space<hbm>> -> memref<128x256xf32, #tpu.memory_space<hbm>>
      %dma_wait3A_135 = arith.constant 0 : i32
      %dma_wait3A_136 = tpu.memref_slice %arg4[%add3A_122, %dma_wait3A_135] : memref<65536x256xf32, #tpu.memory_space<hbm>> -> memref<128x256xf32, #tpu.memory_space<hbm>>
      tpu.wait_dma2 semaphore(%run_scoped3A : memref<!tpu.dma_semaphore, #tpu.memory_space<semaphore_mem>>) src(%arg6 : memref<128x256xf32, #tpu.memory_space<vmem>>) dst(%dma_wait3A_136 : memref<128x256xf32, #tpu.memory_space<hbm>>)
      tpu.yield
    }) : () -> ()
    return
  }
}

</mosaic_0001>

<sc_bundles>
// kernel: kernel.3.cloned.1.call-start
scs
__scs_entry_jumppad:
0x0: {  	(pc) =	sbr.rel $0x88, $3  }
0x1: {  	(tag) =	ssettag $0x0;
	lr =	simm.s32 $0x1  }
0x2: {  	[smem:$0x3F9F] =	sst lr;
	_ =	strace $0xD0000000  }
0x3: {  	_ = 	snop  }
0x4: {  	_ = 	snop  }
0x5: {  	_ = 	snop  }
0x6: {  	_ = 	snop  }
0x7: {  	_ = 	snop  }
__scs_overlays_trampoline_lowered:
0x8: {  	[smem:$0x3FAE] =	sst s0  }
0x9: {  	[smem:$0x3FAF] =	sst s1  }
0xa: {  	[smem:$0x3FB0] =	sst s2  }
0xb: {  	[smem:$0x3FB1] =	sst s3  }
0xc: {  	[smem:$0x3FB2] =	sst s4  }
0xd: {  	[smem:$0x3FB3] =	sst s5  }
0xe: {  	[smem:$0x3FB4] =	sst s6  }
0xf: {  	[smem:$0x3FB5] =	sst s7  }
0x10: {  	[smem:$0x3FB6] =	sst s8  }
0x11: {  	[smem:$0x3FB7] =	sst s9;
	s0 =	simm.s32 @!p0 $0x0  }
0x12: {  	s1 =	sld [smem:$0x3F9D];
	s0 =	simm.s32 @p0 $0x1  }
0x13: {  	[smem:$0x3FB8] =	sst s0;
	s0 =	simm.s32 @!p1 $0x0  }
0x14: {  	s2 =	sld [smem:$0x3F9C];
	s0 =	simm.s32 @p1 $0x1  }
0x15: {  	[smem:$0x3FB9] =	sst s0;
	s0 =	simm.s32 @!p2 $0x0  }
0x16: {  	s3 =	sld [smem:$0x3FDB];
	s0 =	simm.s32 @p2 $0x1  }
0x17: {  	s4 =	simm.s32 $0x1BF5;
	[smem:$0x3FBB] =	sst s0  }
0x18: {  	s0 =	sld [smem:$0x3F9E];
	_ =	swait.ge [sflag:s4], $0x0  }
0x19: {  	s7 =	sld [smem:$0x3F9F]  }
0x1a: {  	s8 =	sadd.s32 $0xFFFFE003, lr  }
0x1b: {  	s9 =	sadd.s32 $0xFFFFFEF7, lr;
	s5 =	simm.s32 $0xFFFFFFFF;
	p2 =	slt.u32 s8, $0xFFFFF086  }
0x1c: {  	p1 =	slt.u32 s9, $0xF7A;
	s5 =	simm.s32 @!p2 $0x0  }
0x1d: {  	s5 =	simm.s32 @p1 $0x1;
	p0 =	seq.s32 s7, s2  }
0x1e: {  	s7 =	smul.u32 @!p0 $0xF7A, s2;
	p2 =	seq.s32 @!p0 s5, $0x0  }
0x1f: {  	s9 =	smul.u32 $0xF7A, s1;
	s8 =	simm.s32 @!p0 $0x1BF5;
	p2 =	por !p2, p0  }
0x20: {  	[sflag:s8] =	ssyncset.s32 @!p0 $0xFFFFF086;
	s6 =	sadd.s32 @!p0 s3, s7;
	s7 =	simm.s32 @!p0 $0x108  }
0x21: {  	s3 =	sadd.s32 s3, s9;
	s6 =	sadd.s32 @!p0 $0x88, s6;
	s7 =	simm.s32 @p2 $0x1082  }
0x22: {  	[simem:s7], [sflag:s8] =	dma.local @!p0 [hbm:s6], $0xF7A  }
0x23: {  	s9 =	sor.u32 $0xD0000000, s2;
	s6 =	simm.s32 $0x108;
	_ =	swait.ge @!p0 [sflag:s8], $0x0  }
0x24: {  	s3 =	sadd.s32 $0x88, s3;
	s6 =	simm.s32 @!p1 $0x1082;
	[sflag:s4] =	ssyncset.s32 $0xFFFFF086  }
0x25: {  	[simem:s6], [sflag:s4] =	dma.local [hbm:s3], $0xF7A  }
0x26: {  	[smem:$0x3F9F] =	sst s1;
	(tag) =	ssettag s2;
	_ =	strace s9  }
0x27: {  	s1 =	sld [smem:$0x3FAF]  }
0x28: {  	s2 =	sld [smem:$0x3FB0]  }
0x29: {  	s4 =	sld [smem:$0x3FB2]  }
0x2a: {  	p0 =	seq.s32 s5, $0x0;
	s5 =	sld [smem:$0x3FB3]  }
0x2b: {  	s6 =	sld [smem:$0x3FB4]  }
0x2c: {  	s7 =	sld [smem:$0x3FB5]  }
0x2d: {  	s3 =	simm.s32 $0x108;
	s8 =	sld [smem:$0x3FB6]  }
0x2e: {  	s3 =	simm.s32 @!p0 $0x1082;
	s9 =	sld [smem:$0x3FB7]  }
0x2f: {  	lr =	sadd.s32 s0, s3;
	s0 =	sld [smem:$0x3FAE]  }
0x30: {  	s3 =	sld [smem:$0x3FB1]  }
0x31: {  	[smem:$0x3FBA] =	sst s10  }
0x32: {  	s10 =	sld [smem:$0x3FB8];
	_ =	sdelay $0x3  }
0x33: {  	p0 =	seq.s32 s10, $0x1;
	s10 =	sld [smem:$0x3FBA];
	_ =	sdelay $0x3  }
0x34: {  	[smem:$0x3FBA] =	sst s10  }
0x35: {  	s10 =	sld [smem:$0x3FB9];
	_ =	sdelay $0x3  }
0x36: {  	p1 =	seq.s32 s10, $0x1;
	s10 =	sld [smem:$0x3FBA];
	_ =	sdelay $0x3  }
0x37: {  	[smem:$0x3FBA] =	sst s10  }
0x38: {  	s10 =	sld [smem:$0x3FBB]  }
0x39: {  	_ = 	snop;
	(pc) =	sbr.ind lr, $3  }
0x3a: {  	_ = 	snop  }
0x3b: {  	_ = 	snop  }
0x3c: {  	p2 =	seq.s32 s10, $0x1;
	s10 =	sld [smem:$0x3FBA]  }
0x3d: {  	_ =	shalt  }
0x3e: {  	_ =	shalt  }
0x3f: {  	_ =	shalt  }
0x40: {  	_ =	shalt  }
0x41: {  	_ =	shalt  }
0x42: {  	_ =	shalt  }
0x43: {  	_ =	shalt  }
0x44: {  	_ =	shalt  }
0x45: {  	_ =	shalt  }
0x46: {  	_ =	shalt  }
0x47: {  	_ =	shalt  }
0x48: {  	_ =	shalt  }
0x49: {  	_ =	shalt  }
0x4a: {  	_ =	shalt  }
0x4b: {  	_ =	shalt  }
0x4c: {  	_ =	shalt  }
0x4d: {  	_ =	shalt  }
0x4e: {  	_ =	shalt  }
0x4f: {  	_ =	shalt  }
0x50: {  	_ =	shalt  }
0x51: {  	_ =	shalt  }
0x52: {  	_ =	shalt  }
0x53: {  	_ =	shalt  }
0x54: {  	_ =	shalt  }
0x55: {  	_ =	shalt  }
0x56: {  	_ =	shalt  }
0x57: {  	_ =	shalt  }
0x58: {  	_ =	shalt  }
0x59: {  	_ =	shalt  }
0x5a: {  	_ =	shalt  }
0x5b: {  	_ =	shalt  }
0x5c: {  	_ =	shalt  }
0x5d: {  	_ =	shalt  }
0x5e: {  	_ =	shalt  }
0x5f: {  	_ =	shalt  }
0x60: {  	_ =	shalt  }
0x61: {  	_ =	shalt  }
0x62: {  	_ =	shalt  }
0x63: {  	_ =	shalt  }
0x64: {  	_ =	shalt  }
0x65: {  	_ =	shalt  }
0x66: {  	_ =	shalt  }
0x67: {  	_ =	shalt  }
0x68: {  	_ =	shalt  }
0x69: {  	_ =	shalt  }
0x6a: {  	_ =	shalt  }
0x6b: {  	_ =	shalt  }
0x6c: {  	_ =	shalt  }
0x6d: {  	_ =	shalt  }
0x6e: {  	_ =	shalt  }
0x6f: {  	_ =	shalt  }
0x70: {  	_ =	shalt  }
0x71: {  	_ =	shalt  }
0x72: {  	_ =	shalt  }
0x73: {  	_ =	shalt  }
0x74: {  	_ =	shalt  }
0x75: {  	_ =	shalt  }
0x76: {  	_ =	shalt  }
0x77: {  	_ =	shalt  }
0x78: {  	_ =	shalt  }
0x79: {  	_ =	shalt  }
0x7a: {  	_ =	shalt  }
0x7b: {  	_ =	shalt  }
0x7c: {  	_ =	shalt  }
0x7d: {  	_ =	shalt  }
0x7e: {  	_ =	shalt  }
0x7f: {  	_ =	shalt  }
0x80: {  	_ =	shalt  }
0x81: {  	_ =	shalt  }
0x82: {  	_ =	shalt  }
0x83: {  	_ =	shalt  }
0x84: {  	_ =	shalt  }
0x85: {  	_ =	shalt  }
0x86: {  	_ =	shalt  }
0x87: {  	_ =	shalt  }
.Lfunc_end0:
.L_simem_size_0:
called_computation_lowered:
.L_overlay_start_0:
0x88: {  	s2 =	sld [smem:$0x3FD9]  }
0x89: {  	s3 =	sld [smem:$0x3FFE];
	_ =	sdelay $0x1  }
0x8a: {  	s1 =	srdreg.scid  }
0x8b: {  	s0 =	sand.u32 $0x1, s1  }
0x8c: {  	s15 =	sshll.u32 s0, $0xA;
	s2 =	sadd.s32 s3, s2  }
0x8d: {  	s2 =	sadd.s32 s2, s15  }
0x8e: {  	[smem:$0x3FC6] =	sst s2  }
0x8f: {  	_ = 	snop  }
0x90: {  	s2 =	sld [smem:$0x3FD0];
	_ =	sdelay $0x2  }
0x91: {  	s4 =	simm.s32 $0xA;
	s5 =	simm.s32 $0x10;
	s16 =	sld [smem:$0x3FC9]  }
0x92: {  	[smem:s5], [sflag:s4] =	dma.local [hbm:s2], $0x1  }
0x93: {  	_ =	swait.eq [sflag:s4], $0x1  }
0x94: {  	[sflag:s4] =	ssyncset.done $0x0  }
0x95: {  	s17 =	sld [smem:$0x10];
	[sflag:s4] =	ssyncadd.s32 $0xFFFFFFFF  }
0x96: {  	s18 =	sld [smem:$0x11];
	(tm) =	ssettm $0x1  }
0x97: {  	s19 =	sld [smem:$0x3FFB];
	_ =	sdelay $0x3  }
0x98: {  	_ =	strace s19  }
0x99: {  	s5 =	sld [smem:$0x3FFC];
	_ =	sdelay $0x3  }
0x9a: {  	_ =	strace s5  }
0x9b: {  	s5 =	sld [smem:$0x3FFD];
	_ =	sdelay $0x3  }
0x9c: {  	_ =	strace s5  }
0x9d: {  	_ =	strace $0x8FFFFFFF  }
0x9e: {  	s20 =	sld [smem:$0x3FDB];
	_ =	sdelay $0x1  }
0x9f: {  	s6 =	simm.s32 $_scs_section_size  }
0xa0: {  	s7 =	simm.s32 $_size__tile_overlayer_lowered;
	s8 =	simm.s32 $_tile_overlayer_lowered  }
0xa1: {  	s23 =	simm.s32 $0x1BFF;
	s22 =	sshll.u32 s8, $0x1;
	s5 =	sadd.s32 s6, s20  }
0xa2: {  	s9 =	simm.s32 $0x0;
	s21 =	sshll.u32 s7, $0x1;
	s7 =	sadd.s32 s22, s5  }
0xa3: {  	[timem:s9], [sflag:s23] =	dma.local [hbm:s7], s21  }
0xa4: {  	_ =	swait.ge [sflag:s23], s21  }
0xa5: {  	s6 =	ssub.s32 $0x0, s21;
	[sflag:s23] =	ssyncset.done $0x0  }
0xa6: {  	[sflag:s23] =	ssyncadd.s32 s6;
	_ =	sdelay $0x1  }
0xa7: {  	s24 =	simm.s32 $0x1B8B  }
0xa8: {  	_ =	swait.ge [sflag:s24], $0x1  }
0xa9: {  	[sflag:s24] =	ssyncset.done $0x0  }
0xaa: {  	s25 =	simm.s32 $0x1B8E;
	[sflag:s24] =	ssyncadd.s32 $0xFFFFFFFF  }
0xab: {  	s26 =	simm.s32 $execute0_lowered;
	[smem:$0x3FD2] =	sst s25  }
0xac: {  	s6 =	sshll.u32 s26, $0x1;
	_ =	strace $0x80000046;
	[dreg:$0x1] =	wrdreg $0xFFFFFFFF  }
0xad: {  	s28 =	simm.s32 $_size_execute0_lowered;
	s5 =	sadd.s32 s5, s6;
	[dreg:$0x0] =	wrdreg $0x0  }
0xae: {  	s6 =	sshll.u32 s28, $0x1;
	[dreg:$0x2] =	wrdreg s5  }
0xaf: {  	[dreg:$0x3] =	wrdreg s6  }
0xb0: {  	[dreg:$0x4] =	wrdreg $0xC0  }
0xb1: {  	_ =	task [dreg:s9], $0x5FFFF  }
0xb2: {  	[dreg:$0x1] =	wrdreg $0xFFFFFFFF  }
0xb3: {  	[dreg:$0x0] =	wrdreg $0x60  }
0xb4: {  	[dreg:$0x2] =	wrdreg s16  }
0xb5: {  	[dreg:$0x3] =	wrdreg s17  }
0xb6: {  	[dreg:$0x4] =	wrdreg s18  }
0xb7: {  	[dreg:$0x5] =	wrdreg $0x9  }
0xb8: {  	_ =	task.clear_ibuf [dreg:s9], $0x6FFFF;
	_ =	strace $0x90000046  }
0xb9: {  	s29 =	simm.s32 $0x9;
	_ =	strace $0x80000048  }
0xba: {  	_ =	swait.ge [sflag:s29], $0x1  }
0xbb: {  	[sflag:s29] =	ssyncadd.s32 $0xFFFFFFFF  }
0xbc: {  	_ =	strace $0x90000048  }
0xbd: {  	_ =	sfence  }
0xbe: {  	s30 =	sld [smem:$0x0];
	_ =	sdelay $0x2  }
0xbf: {  	s31 =	sshll.u32 s1, $0xD;
	s1 =	sshrl.u32 s1, $0x2  }
0xc0: {  	s3 =	sand.u32 $0x4000, s31;
	s1 =	sadd.s32 s1, s30  }
0xc1: {  	s0 =	sor.u32 s3, s0;
	s1 =	sshll.u32 s1, $0x11  }
0xc2: {  	s0 =	sor.u32 s1, s0  }
0xc3: {  	s0 =	sadd.s32 $0x8F2B, s0  }
0xc4: {  	[sflag:s0] =	ssyncadd.remote.s32 $0x1  }
0xc5: {  	_ =	sfence.sel $0xFFFF  }
0xc6: {  	[dreg:$0x0] =	wrdreg $0xFFFFFFFF;
	(pc) =	sbr.abs _section_cstart, $3  }
0xc7: {  	[dreg:$0x1] =	wrdreg $0xFFFFFFFF  }
0xc8: {  	_ =	task.clear_ibuf [dreg:s9], $0x2FFFF;
	_ =	strace $0x9FFFFFFF  }
0xc9: {  	(tm) =	ssettm $0x7FFFFFFF  }
tec
execute0_lowered:
.L_overlay_start_1:
0x0: {  	(tag) =	ssettag $0x1  }
0x1: {  	s1 =	rddreg [dreg:$0x0]  }
0x2: {  	s0 =	rddreg [dreg:$0x1]  }
0x3: {  	s12 =	rddreg [dreg:$0x2];
	s3 =	srdreg.scid  }
0x4: {  	s2 =	stileid.u32;
	s28 =	simm.s32 $0x6080;
	s29 =	simm.s32 $0x6880  }
0x5: {  	s30 =	simm.s32 $0x7080;
	s31 =	simm.s32 $0x7880;
	s4 =	sand.u32 $0x1, s3  }
0x6: {  	s3 =	simm.s32 $0x0;
	s5 =	sshll.u32 s2, $0xC;
	s6 =	sshll.u32 s4, $0xB  }
0x7: {  	[smem:$0x7FF] =	sst s3;
	s4 =	ssub.s32 $0x2, s4;
	s10 =	sor.u32 s6, s5  }
0x8: {  	_ =	strace $0x80000047;
	s5 =	sshrl.u32 s10, $0x3;
	s6 =	sshll.u32 s10, $0x5  }
0x9: {  	s7 =	sor.u32 $0x80, s10;
	s17 =	sor.u32 $0x100, s10;
	s19 =	sor.u32 $0x180, s10  }
0xa: {  	s25 =	sor.u32 $0x200, s10;
	s2 =	sor.u32 $0x280, s10;
	s5 =	sadd.s32 s0, s5  }
0xb: {  	s11 =	sadd.s32 s12, s6;
	s13 =	sshrl.u32 s7, $0x3;
	s15 =	sshll.u32 s7, $0x5  }
0xc: {  	s18 =	sshrl.u32 s17, $0x3;
	s6 =	sshll.u32 s17, $0x5;
	s21 =	sshrl.u32 s19, $0x3  }
0xd: {  	s23 =	sshll.u32 s19, $0x5;
	s26 =	sshrl.u32 s25, $0x3;
	[dreg:$0x4] =	wrdreg s5  }
0xe: {  	s9 =	sshrl.u32 s2, $0x3;
	s17 =	sor.u32 $0x380, s10;
	[dreg:$0x5] =	wrdreg s11  }
0xf: {  	s14 =	sadd.s32 s0, s13;
	s16 =	sadd.s32 s12, s15;
	s5 =	sadd.s32 s0, s18  }
0x10: {  	s20 =	sadd.s32 s12, s6;
	s22 =	sadd.s32 s0, s21;
	[dreg:$0x6] =	wrdreg s14  }
0x11: {  	s24 =	sadd.s32 s12, s23;
	s6 =	sshll.u32 s25, $0x5;
	[dreg:$0x7] =	wrdreg s16  }
0x12: {  	s11 =	sadd.s32 s0, s9;
	s13 =	sshll.u32 s2, $0x5;
	[dreg:$0x8] =	wrdreg s5  }
0x13: {  	s15 =	sor.u32 $0x300, s10;
	s19 =	sshrl.u32 s17, $0x3;
	[dreg:$0x9] =	wrdreg s20  }
0x14: {  	s21 =	sshll.u32 s17, $0x5;
	s23 =	sor.u32 $0x400, s10;
	[dreg:$0xa] =	wrdreg s22  }
0x15: {  	s25 =	sor.u32 $0x480, s10;
	[dreg:$0xb] =	wrdreg s24;
	s5 =	sadd.s32 s0, s26  }
0x16: {  	s8 =	sadd.s32 s12, s6;
	[dreg:$0xe] =	wrdreg s11;
	s14 =	sadd.s32 s12, s13  }
0x17: {  	s16 =	sshrl.u32 s15, $0x3;
	s6 =	sshll.u32 s15, $0x5;
	[dreg:$0xc] =	wrdreg s5  }
0x18: {  	s20 =	sadd.s32 s0, s19;
	s22 =	sadd.s32 s12, s21;
	[dreg:$0xd] =	wrdreg s8  }
0x19: {  	s24 =	sshrl.u32 s23, $0x3;
	s2 =	sshrl.u32 s25, $0x3;
	[dreg:$0xf] =	wrdreg s14  }
0x1a: {  	s9 =	sshll.u32 s25, $0x5;
	s13 =	sor.u32 $0x500, s10;
	[dreg:$0x12] =	wrdreg s20  }
0x1b: {  	s5 =	sadd.s32 s0, s16;
	s18 =	sadd.s32 s12, s6;
	[dreg:$0x13] =	wrdreg s22  }
0x1c: {  	s6 =	sshll.u32 s23, $0x5;
	s8 =	sadd.s32 s0, s2;
	s11 =	sadd.s32 s12, s9  }
0x1d: {  	s14 =	sshrl.u32 s4, $0x1;
	s15 =	sshrl.u32 s13, $0x3;
	[dreg:$0x10] =	wrdreg s5  }
0x1e: {  	s20 =	sor.u32 $0x600, s10;
	s23 =	sor.u32 $0x680, s10;
	[dreg:$0x11] =	wrdreg s18  }
0x1f: {  	s5 =	sadd.s32 s0, s24;
	s26 =	sadd.s32 s12, s6;
	[dreg:$0x16] =	wrdreg s8  }
0x20: {  	[dreg:$0x17] =	wrdreg s11;
	s6 =	sshll.u32 s13, $0x5;
	s8 =	sor.u32 $0x580, s10  }
0x21: {  	s13 =	ssub.s32 s4, s14;
	s21 =	sshrl.u32 s20, $0x3;
	s22 =	sshll.u32 s20, $0x5  }
0x22: {  	s24 =	sshrl.u32 s23, $0x3;
	s9 =	sshll.u32 s23, $0x5;
	s11 =	sor.u32 $0x700, s10  }
0x23: {  	s14 =	sor.u32 $0x780, s10;
	s20 =	simm.s32 $0x2880;
	[dreg:$0x14] =	wrdreg s5  }
0x24: {  	s23 =	simm.s32 $0x4080;
	[dreg:$0x15] =	wrdreg s26;
	s5 =	sadd.s32 s0, s15  }
0x25: {  	s16 =	sadd.s32 s12, s6;
	s17 =	sshrl.u32 s8, $0x3;
	s19 =	sshll.u32 s8, $0x5  }
0x26: {  	s6 =	sadd.s32 s12, s22;
	s7 =	sadd.s32 s0, s24;
	s8 =	sadd.s32 s12, s9  }
0x27: {  	s25 =	sshrl.u32 s11, $0x3;
	s11 =	sshll.u32 s11, $0x5;
	s26 =	sshrl.u32 s14, $0x3  }
0x28: {  	s14 =	sshll.u32 s14, $0x5;
	s13 =	smax.u32 s13, $0x1;
	s15 =	simm.s32 $0x80  }
0x29: {  	s22 =	simm.s32 $0x3880;
	s24 =	simm.s32 $0x4880;
	[dreg:$0x18] =	wrdreg s5  }
0x2a: {  	[dreg:$0x19] =	wrdreg s16;
	s18 =	sadd.s32 s0, s17;
	s4 =	sadd.s32 s12, s19  }
0x2b: {  	s5 =	sadd.s32 s0, s21;
	s9 =	sadd.s32 s0, s25;
	s10 =	sadd.s32 s12, s11  }
0x2c: {  	s11 =	sadd.s32 s0, s26;
	s12 =	sadd.s32 s12, s14;
	s14 =	simm.s32 $0x2  }
0x2d: {  	v2 =	vlaneseq.u32;
	s16 =	simm.s32 $0x880;
	s17 =	simm.s32 $0x1080;
	s19 =	simm.s32 $0x2080  }
0x2e: {  	vm0 =	vmmov $0xffff;
	v1 =	vshrl.u32 v2, $0x3;
	s21 =	simm.s32 $0x3080;
	s25 =	simm.s32 $0x5080;
	s26 =	simm.s32 $0x5880  }
0x2f: {  	v0 =	vand.u32 $0x7, v2;
	v2 =	vor.u32 $0x8, v2;
	v1 =	vmul.u32 $0x8, v1;
	s0 =	simm.s32 $0x1;
	[dreg:$0x1a] =	wrdreg s18;
	s18 =	simm.s32 $0x1880  }
.LBB2_1:
0x30: {  	s2 =	rddreg [dreg:$0x4]  }
0x31: {  	[tilespmem:s3], [sflag:$0x2] =	stream.linear.gather [hbm4b:s2+s3], $0x80, $0x38;
	[tilespmem:$0x8080] =	vst v63  }
0x32: {  	_ =	swait.ge [sflag:s14], $0x80  }
0x33: {  	[sflag:s14] =	ssyncset.done $0x0  }
0x34: {  	[sflag:s14] =	ssyncadd.s32 $0xFFFFFF80  }
0x35: {  	v3 =	vld [tilespmem:$0x0];
	_ =	sdelay $0x4  }
0x36: {  	v4 =	vshll.u32 v3, $0x1  }
0x37: {  	v3 =	vand.u32 $0x7, v3;
	v4 =	vand.u32 $0xFFFFFFF0, v4  }
0x38: {  	v3 =	vor.u32 v3, v4  }
0x39: {  	v4 =	vperm.xlane v3, v0;
	_ =	sdelay $0x1  }
0x3a: {  	v3 =	vperm.xlane v3, v2;
	v4 =	vadd.s32 v1, v4;
	_ =	sdelay $0x1  }
0x3b: {  	v3 =	vadd.s32 v1, v3;
	_ =	sdelay $0x2  }
0x3c: {  	[tilespmem:s15], [sflag:$0x1] =	stream.indirect_vreg.gather [hbm4b:s1+s3], $0x80, v4, vm0, $0xb8;
	[tilespmem:$0x8080] =	vst v63  }
0x3d: {  	_ = 	snop  }
0x3e: {  	[tilespmem:s16], [sflag:$0x1] =	stream.indirect_vreg.gather [hbm4b:s1+s3], $0x80, v3, vm0, $0xb8;
	[tilespmem:$0x8080] =	vst v63  }
0x3f: {  	v3 =	vld [tilespmem:$0x10];
	_ =	sdelay $0x4  }
0x40: {  	v49 =	vshll.u32 v3, $0x1  }
0x41: {  	v3 =	vand.u32 $0x7, v3;
	v4 =	vand.u32 $0xFFFFFFF0, v49  }
0x42: {  	v3 =	vor.u32 v3, v4  }
0x43: {  	v4 =	vperm.xlane v3, v0;
	_ =	sdelay $0x1  }
0x44: {  	v3 =	vperm.xlane v3, v2;
	v4 =	vadd.s32 v1, v4;
	_ =	sdelay $0x1  }
0x45: {  	v3 =	vadd.s32 v1, v3;
	_ =	sdelay $0x2  }
0x46: {  	[tilespmem:s17], [sflag:$0x1] =	stream.indirect_vreg.gather [hbm4b:s1+s3], $0x80, v4, vm0, $0xb8;
	[tilespmem:$0x8080] =	vst v63  }
0x47: {  	_ = 	snop  }
0x48: {  	[tilespmem:s18], [sflag:$0x1] =	stream.indirect_vreg.gather [hbm4b:s1+s3], $0x80, v3, vm0, $0xb8;
	[tilespmem:$0x8080] =	vst v63  }
0x49: {  	v3 =	vld [tilespmem:$0x20];
	_ =	sdelay $0x4  }
0x4a: {  	v50 =	vshll.u32 v3, $0x1  }
0x4b: {  	v3 =	vand.u32 $0x7, v3;
	v4 =	vand.u32 $0xFFFFFFF0, v50  }
0x4c: {  	v3 =	vor.u32 v3, v4  }
0x4d: {  	v4 =	vperm.xlane v3, v0;
	_ =	sdelay $0x1  }
0x4e: {  	v3 =	vperm.xlane v3, v2;
	v4 =	vadd.s32 v1, v4;
	_ =	sdelay $0x1  }
0x4f: {  	v3 =	vadd.s32 v1, v3;
	_ =	sdelay $0x2  }
0x50: {  	[tilespmem:s19], [sflag:$0x1] =	stream.indirect_vreg.gather [hbm4b:s1+s3], $0x80, v4, vm0, $0xb8;
	[tilespmem:$0x8080] =	vst v63  }
0x51: {  	_ = 	snop  }
0x52: {  	[tilespmem:s20], [sflag:$0x1] =	stream.indirect_vreg.gather [hbm4b:s1+s3], $0x80, v3, vm0, $0xb8;
	[tilespmem:$0x8080] =	vst v63  }
0x53: {  	v3 =	vld [tilespmem:$0x30];
	_ =	sdelay $0x4  }
0x54: {  	v51 =	vshll.u32 v3, $0x1  }
0x55: {  	v3 =	vand.u32 $0x7, v3;
	v4 =	vand.u32 $0xFFFFFFF0, v51  }
0x56: {  	v3 =	vor.u32 v3, v4  }
0x57: {  	v4 =	vperm.xlane v3, v0;
	_ =	sdelay $0x1  }
0x58: {  	v3 =	vperm.xlane v3, v2;
	v4 =	vadd.s32 v1, v4;
	_ =	sdelay $0x1  }
0x59: {  	v3 =	vadd.s32 v1, v3;
	_ =	sdelay $0x2  }
0x5a: {  	[tilespmem:s21], [sflag:$0x1] =	stream.indirect_vreg.gather [hbm4b:s1+s3], $0x80, v4, vm0, $0xb8;
	[tilespmem:$0x8080] =	vst v63  }
0x5b: {  	_ = 	snop  }
0x5c: {  	[tilespmem:s22], [sflag:$0x1] =	stream.indirect_vreg.gather [hbm4b:s1+s3], $0x80, v3, vm0, $0xb8;
	[tilespmem:$0x8080] =	vst v63  }
0x5d: {  	v3 =	vld [tilespmem:$0x40];
	_ =	sdelay $0x4  }
0x5e: {  	v52 =	vshll.u32 v3, $0x1  }
0x5f: {  	v3 =	vand.u32 $0x7, v3;
	v4 =	vand.u32 $0xFFFFFFF0, v52  }
0x60: {  	v3 =	vor.u32 v3, v4  }
0x61: {  	v4 =	vperm.xlane v3, v0;
	_ =	sdelay $0x1  }
0x62: {  	v3 =	vperm.xlane v3, v2;
	v4 =	vadd.s32 v1, v4;
	_ =	sdelay $0x1  }
0x63: {  	v3 =	vadd.s32 v1, v3;
	_ =	sdelay $0x2  }
0x64: {  	[tilespmem:s23], [sflag:$0x1] =	stream.indirect_vreg.gather [hbm4b:s1+s3], $0x80, v4, vm0, $0xb8;
	[tilespmem:$0x8080] =	vst v63  }
0x65: {  	_ = 	snop  }
0x66: {  	[tilespmem:s24], [sflag:$0x1] =	stream.indirect_vreg.gather [hbm4b:s1+s3], $0x80, v3, vm0, $0xb8;
	[tilespmem:$0x8080] =	vst v63  }
0x67: {  	v3 =	vld [tilespmem:$0x50];
	_ =	sdelay $0x4  }
0x68: {  	v53 =	vshll.u32 v3, $0x1  }
0x69: {  	v3 =	vand.u32 $0x7, v3;
	v4 =	vand.u32 $0xFFFFFFF0, v53  }
0x6a: {  	v3 =	vor.u32 v3, v4  }
0x6b: {  	v4 =	vperm.xlane v3, v0;
	_ =	sdelay $0x1  }
0x6c: {  	v3 =	vperm.xlane v3, v2;
	v4 =	vadd.s32 v1, v4;
	_ =	sdelay $0x1  }
0x6d: {  	v3 =	vadd.s32 v1, v3;
	_ =	sdelay $0x2  }
0x6e: {  	[tilespmem:s25], [sflag:$0x1] =	stream.indirect_vreg.gather [hbm4b:s1+s3], $0x80, v4, vm0, $0xb8;
	[tilespmem:$0x8080] =	vst v63  }
0x6f: {  	_ = 	snop  }
0x70: {  	[tilespmem:s26], [sflag:$0x1] =	stream.indirect_vreg.gather [hbm4b:s1+s3], $0x80, v3, vm0, $0xb8;
	[tilespmem:$0x8080] =	vst v63  }
0x71: {  	v3 =	vld [tilespmem:$0x60];
	_ =	sdelay $0x4  }
0x72: {  	v54 =	vshll.u32 v3, $0x1  }
0x73: {  	v3 =	vand.u32 $0x7, v3;
	v4 =	vand.u32 $0xFFFFFFF0, v54  }
0x74: {  	v3 =	vor.u32 v3, v4  }
0x75: {  	v4 =	vperm.xlane v3, v0;
	_ =	sdelay $0x1  }
0x76: {  	v3 =	vperm.xlane v3, v2;
	v4 =	vadd.s32 v1, v4;
	_ =	sdelay $0x1  }
0x77: {  	v3 =	vadd.s32 v1, v3;
	_ =	sdelay $0x2  }
0x78: {  	[tilespmem:s28], [sflag:$0x1] =	stream.indirect_vreg.gather [hbm4b:s1+s3], $0x80, v4, vm0, $0xb8;
	[tilespmem:$0x8080] =	vst v63  }
0x79: {  	_ = 	snop  }
0x7a: {  	[tilespmem:s29], [sflag:$0x1] =	stream.indirect_vreg.gather [hbm4b:s1+s3], $0x80, v3, vm0, $0xb8;
	[tilespmem:$0x8080] =	vst v63  }
0x7b: {  	v3 =	vld [tilespmem:$0x70];
	_ =	sdelay $0x4  }
0x7c: {  	v55 =	vshll.u32 v3, $0x1  }
0x7d: {  	v3 =	vand.u32 $0x7, v3;
	v4 =	vand.u32 $0xFFFFFFF0, v55  }
0x7e: {  	v3 =	vor.u32 v3, v4  }
0x7f: {  	v4 =	vperm.xlane v3, v0;
	_ =	sdelay $0x1  }
0x80: {  	v3 =	vperm.xlane v3, v2;
	v4 =	vadd.s32 v1, v4;
	_ =	sdelay $0x1  }
0x81: {  	v3 =	vadd.s32 v1, v3;
	_ =	sdelay $0x2  }
0x82: {  	[tilespmem:s30], [sflag:$0x1] =	stream.indirect_vreg.gather [hbm4b:s1+s3], $0x80, v4, vm0, $0xb8;
	[tilespmem:$0x8080] =	vst v63  }
0x83: {  	_ = 	snop  }
0x84: {  	[tilespmem:s31], [sflag:$0x1] =	stream.indirect_vreg.gather [hbm4b:s1+s3], $0x80, v3, vm0, $0xb8;
	[tilespmem:$0x8080] =	vst v63  }
0x85: {  	_ =	swait.ge [sflag:s0], $0x8000  }
0x86: {  	[sflag:s0] =	ssyncset.done $0x0  }
0x87: {  	s2 =	rddreg [dreg:$0x5];
	[sflag:s0] =	ssyncadd.s32 $0xFFFF8000  }
0x88: {  	[hbm4b:s2+s3] =	stream.linear.scatter [tilespmem:s15], [sflag:$0x2], $0x8000, $0x38;
	[tilespmem:$0x8080] =	vst v63  }
0x89: {  	_ =	swait.ge [sflag:s14], $0x8000  }
0x8a: {  	[sflag:s14] =	ssyncset.done $0x0  }
0x8b: {  	s2 =	rddreg [dreg:$0x6];
	[sflag:s14] =	ssyncadd.s32 $0xFFFF8000  }
0x8c: {  	[tilespmem:s3], [sflag:$0x2] =	stream.linear.gather [hbm4b:s2+s3], $0x80, $0x38;
	[tilespmem:$0x8080] =	vst v63  }
0x8d: {  	_ =	swait.ge [sflag:s14], $0x80  }
0x8e: {  	[sflag:s14] =	ssyncset.done $0x0  }
0x8f: {  	[sflag:s14] =	ssyncadd.s32 $0xFFFFFF80  }
0x90: {  	v3 =	vld [tilespmem:$0x0];
	_ =	sdelay $0x4  }
0x91: {  	v56 =	vshll.u32 v3, $0x1  }
0x92: {  	v3 =	vand.u32 $0x7, v3;
	v4 =	vand.u32 $0xFFFFFFF0, v56  }
0x93: {  	v3 =	vor.u32 v3, v4  }
0x94: {  	v4 =	vperm.xlane v3, v0;
	_ =	sdelay $0x1  }
0x95: {  	v3 =	vperm.xlane v3, v2;
	v4 =	vadd.s32 v1, v4;
	_ =	sdelay $0x1  }
0x96: {  	v3 =	vadd.s32 v1, v3;
	_ =	sdelay $0x2  }
0x97: {  	[tilespmem:s15], [sflag:$0x1] =	stream.indirect_vreg.gather [hbm4b:s1+s3], $0x80, v4, vm0, $0xb8;
	[tilespmem:$0x8080] =	vst v63  }
0x98: {  	_ = 	snop  }
0x99: {  	[tilespmem:s16], [sflag:$0x1] =	stream.indirect_vreg.gather [hbm4b:s1+s3], $0x80, v3, vm0, $0xb8;
	[tilespmem:$0x8080] =	vst v63  }
0x9a: {  	v3 =	vld [tilespmem:$0x10];
	_ =	sdelay $0x4  }
0x9b: {  	v57 =	vshll.u32 v3, $0x1  }
0x9c: {  	v3 =	vand.u32 $0x7, v3;
	v4 =	vand.u32 $0xFFFFFFF0, v57  }
0x9d: {  	v3 =	vor.u32 v3, v4  }
0x9e: {  	v4 =	vperm.xlane v3, v0;
	_ =	sdelay $0x1  }
0x9f: {  	v3 =	vperm.xlane v3, v2;
	v4 =	vadd.s32 v1, v4;
	_ =	sdelay $0x1  }
0xa0: {  	v3 =	vadd.s32 v1, v3;
	_ =	sdelay $0x2  }
0xa1: {  	[tilespmem:s17], [sflag:$0x1] =	stream.indirect_vreg.gather [hbm4b:s1+s3], $0x80, v4, vm0, $0xb8;
	[tilespmem:$0x8080] =	vst v63  }
0xa2: {  	_ = 	snop  }
0xa3: {  	[tilespmem:s18], [sflag:$0x1] =	stream.indirect_vreg.gather [hbm4b:s1+s3], $0x80, v3, vm0, $0xb8;
	[tilespmem:$0x8080] =	vst v63  }
0xa4: {  	v3 =	vld [tilespmem:$0x20];
	_ =	sdelay $0x4  }
0xa5: {  	v58 =	vshll.u32 v3, $0x1  }
0xa6: {  	v3 =	vand.u32 $0x7, v3;
	v4 =	vand.u32 $0xFFFFFFF0, v58  }
0xa7: {  	v3 =	vor.u32 v3, v4  }
0xa8: {  	v4 =	vperm.xlane v3, v0;
	_ =	sdelay $0x1  }
0xa9: {  	v3 =	vperm.xlane v3, v2;
	v4 =	vadd.s32 v1, v4;
	_ =	sdelay $0x1  }
0xaa: {  	v3 =	vadd.s32 v1, v3;
	_ =	sdelay $0x2  }
0xab: {  	[tilespmem:s19], [sflag:$0x1] =	stream.indirect_vreg.gather [hbm4b:s1+s3], $0x80, v4, vm0, $0xb8;
	[tilespmem:$0x8080] =	vst v63  }
0xac: {  	_ = 	snop  }
0xad: {  	[tilespmem:s20], [sflag:$0x1] =	stream.indirect_vreg.gather [hbm4b:s1+s3], $0x80, v3, vm0, $0xb8;
	[tilespmem:$0x8080] =	vst v63  }
0xae: {  	v3 =	vld [tilespmem:$0x30];
	_ =	sdelay $0x4  }
0xaf: {  	v59 =	vshll.u32 v3, $0x1  }
0xb0: {  	v3 =	vand.u32 $0x7, v3;
	v4 =	vand.u32 $0xFFFFFFF0, v59  }
0xb1: {  	v3 =	vor.u32 v3, v4  }
0xb2: {  	v4 =	vperm.xlane v3, v0;
	_ =	sdelay $0x1  }
0xb3: {  	v3 =	vperm.xlane v3, v2;
	v4 =	vadd.s32 v1, v4;
	_ =	sdelay $0x1  }
0xb4: {  	v3 =	vadd.s32 v1, v3;
	_ =	sdelay $0x2  }
0xb5: {  	[tilespmem:s21], [sflag:$0x1] =	stream.indirect_vreg.gather [hbm4b:s1+s3], $0x80, v4, vm0, $0xb8;
	[tilespmem:$0x8080] =	vst v63  }
0xb6: {  	_ = 	snop  }
0xb7: {  	[tilespmem:s22], [sflag:$0x1] =	stream.indirect_vreg.gather [hbm4b:s1+s3], $0x80, v3, vm0, $0xb8;
	[tilespmem:$0x8080] =	vst v63  }
0xb8: {  	v3 =	vld [tilespmem:$0x40];
	_ =	sdelay $0x4  }
0xb9: {  	v60 =	vshll.u32 v3, $0x1  }
0xba: {  	v3 =	vand.u32 $0x7, v3;
	v4 =	vand.u32 $0xFFFFFFF0, v60  }
0xbb: {  	v3 =	vor.u32 v3, v4  }
0xbc: {  	v4 =	vperm.xlane v3, v0;
	_ =	sdelay $0x1  }
0xbd: {  	v3 =	vperm.xlane v3, v2;
	v4 =	vadd.s32 v1, v4;
	_ =	sdelay $0x1  }
0xbe: {  	v3 =	vadd.s32 v1, v3;
	_ =	sdelay $0x2  }
0xbf: {  	[tilespmem:s23], [sflag:$0x1] =	stream.indirect_vreg.gather [hbm4b:s1+s3], $0x80, v4, vm0, $0xb8;
	[tilespmem:$0x8080] =	vst v63  }
0xc0: {  	_ = 	snop  }
0xc1: {  	[tilespmem:s24], [sflag:$0x1] =	stream.indirect_vreg.gather [hbm4b:s1+s3], $0x80, v3, vm0, $0xb8;
	[tilespmem:$0x8080] =	vst v63  }
0xc2: {  	v3 =	vld [tilespmem:$0x50];
	_ =	sdelay $0x4  }
0xc3: {  	v61 =	vshll.u32 v3, $0x1  }
0xc4: {  	v3 =	vand.u32 $0x7, v3;
	v4 =	vand.u32 $0xFFFFFFF0, v61  }
0xc5: {  	v3 =	vor.u32 v3, v4  }
0xc6: {  	v4 =	vperm.xlane v3, v0;
	_ =	sdelay $0x1  }
0xc7: {  	v3 =	vperm.xlane v3, v2;
	v4 =	vadd.s32 v1, v4;
	_ =	sdelay $0x1  }
0xc8: {  	v3 =	vadd.s32 v1, v3;
	_ =	sdelay $0x2  }
0xc9: {  	[tilespmem:s25], [sflag:$0x1] =	stream.indirect_vreg.gather [hbm4b:s1+s3], $0x80, v4, vm0, $0xb8;
	[tilespmem:$0x8080] =	vst v63  }
0xca: {  	_ = 	snop  }
0xcb: {  	[tilespmem:s26], [sflag:$0x1] =	stream.indirect_vreg.gather [hbm4b:s1+s3], $0x80, v3, vm0, $0xb8;
	[tilespmem:$0x8080] =	vst v63  }
0xcc: {  	v3 =	vld [tilespmem:$0x60];
	_ =	sdelay $0x4  }
0xcd: {  	v62 =	vshll.u32 v3, $0x1  }
0xce: {  	v3 =	vand.u32 $0x7, v3;
	v4 =	vand.u32 $0xFFFFFFF0, v62  }
0xcf: {  	v3 =	vor.u32 v3, v4  }
0xd0: {  	v4 =	vperm.xlane v3, v0;
	_ =	sdelay $0x1  }
0xd1: {  	v3 =	vperm.xlane v3, v2;
	v4 =	vadd.s32 v1, v4;
	_ =	sdelay $0x1  }
0xd2: {  	v3 =	vadd.s32 v1, v3;
	_ =	sdelay $0x2  }
0xd3: {  	[tilespmem:s28], [sflag:$0x1] =	stream.indirect_vreg.gather [hbm4b:s1+s3], $0x80, v4, vm0, $0xb8;
	[tilespmem:$0x8080] =	vst v63  }
0xd4: {  	_ = 	snop  }
0xd5: {  	[tilespmem:s29], [sflag:$0x1] =	stream.indirect_vreg.gather [hbm4b:s1+s3], $0x80, v3, vm0, $0xb8;
	[tilespmem:$0x8080] =	vst v63  }
0xd6: {  	v3 =	vld [tilespmem:$0x70];
	_ =	sdelay $0x4  }
0xd7: {  	v63 =	vshll.u32 v3, $0x1  }
0xd8: {  	v3 =	vand.u32 $0x7, v3;
	v4 =	vand.u32 $0xFFFFFFF0, v63  }
0xd9: {  	v3 =	vor.u32 v3, v4  }
0xda: {  	v4 =	vperm.xlane v3, v0;
	_ =	sdelay $0x1  }
0xdb: {  	v3 =	vperm.xlane v3, v2;
	v4 =	vadd.s32 v1, v4;
	_ =	sdelay $0x1  }
0xdc: {  	v3 =	vadd.s32 v1, v3;
	_ =	sdelay $0x2  }
0xdd: {  	[tilespmem:s30], [sflag:$0x1] =	stream.indirect_vreg.gather [hbm4b:s1+s3], $0x80, v4, vm0, $0xb8;
	[tilespmem:$0x8080] =	vst v63  }
0xde: {  	_ = 	snop  }
0xdf: {  	[tilespmem:s31], [sflag:$0x1] =	stream.indirect_vreg.gather [hbm4b:s1+s3], $0x80, v3, vm0, $0xb8;
	[tilespmem:$0x8080] =	vst v63  }
0xe0: {  	_ =	swait.ge [sflag:s0], $0x8000  }
0xe1: {  	[sflag:s0] =	ssyncset.done $0x0  }
0xe2: {  	s2 =	rddreg [dreg:$0x7];
	[sflag:s0] =	ssyncadd.s32 $0xFFFF8000  }
0xe3: {  	[hbm4b:s2+s3] =	stream.linear.scatter [tilespmem:s15], [sflag:$0x2], $0x8000, $0x38;
	[tilespmem:$0x8080] =	vst v63  }
0xe4: {  	_ =	swait.ge [sflag:s14], $0x8000  }
0xe5: {  	[sflag:s14] =	ssyncset.done $0x0  }
0xe6: {  	s2 =	rddreg [dreg:$0x8];
	[sflag:s14] =	ssyncadd.s32 $0xFFFF8000  }
0xe7: {  	[tilespmem:s3], [sflag:$0x2] =	stream.linear.gather [hbm4b:s2+s3], $0x80, $0x38;
	[tilespmem:$0x8080] =	vst v63  }
0xe8: {  	_ =	swait.ge [sflag:s14], $0x80  }
0xe9: {  	[sflag:s14] =	ssyncset.done $0x0  }
0xea: {  	[sflag:s14] =	ssyncadd.s32 $0xFFFFFF80  }
0xeb: {  	v3 =	vld [tilespmem:$0x0];
	_ =	sdelay $0x4  }
0xec: {  	v8 =	vshll.u32 v3, $0x1  }
0xed: {  	v3 =	vand.u32 $0x7, v3;
	v4 =	vand.u32 $0xFFFFFFF0, v8  }
0xee: {  	v3 =	vor.u32 v3, v4  }
0xef: {  	v4 =	vperm.xlane v3, v0;
	_ =	sdelay $0x1  }
0xf0: {  	v3 =	vperm.xlane v3, v2;
	v4 =	vadd.s32 v1, v4;
	_ =	sdelay $0x1  }
0xf1: {  	v3 =	vadd.s32 v1, v3;
	_ =	sdelay $0x2  }
0xf2: {  	[tilespmem:s15], [sflag:$0x1] =	stream.indirect_vreg.gather [hbm4b:s1+s3], $0x80, v4, vm0, $0xb8;
	[tilespmem:$0x8080] =	vst v63  }
0xf3: {  	_ = 	snop  }
0xf4: {  	[tilespmem:s16], [sflag:$0x1] =	stream.indirect_vreg.gather [hbm4b:s1+s3], $0x80, v3, vm0, $0xb8;
	[tilespmem:$0x8080] =	vst v63  }
0xf5: {  	v3 =	vld [tilespmem:$0x10];
	_ =	sdelay $0x4  }
0xf6: {  	v9 =	vshll.u32 v3, $0x1  }
0xf7: {  	v3 =	vand.u32 $0x7, v3;
	v4 =	vand.u32 $0xFFFFFFF0, v9  }
0xf8: {  	v3 =	vor.u32 v3, v4  }
0xf9: {  	v4 =	vperm.xlane v3, v0;
	_ =	sdelay $0x1  }
0xfa: {  	v3 =	vperm.xlane v3, v2;
	v4 =	vadd.s32 v1, v4;
	_ =	sdelay $0x1  }
0xfb: {  	v3 =	vadd.s32 v1, v3;
	_ =	sdelay $0x2  }
0xfc: {  	[tilespmem:s17], [sflag:$0x1] =	stream.indirect_vreg.gather [hbm4b:s1+s3], $0x80, v4, vm0, $0xb8;
	[tilespmem:$0x8080] =	vst v63  }
0xfd: {  	_ = 	snop  }
0xfe: {  	[tilespmem:s18], [sflag:$0x1] =	stream.indirect_vreg.gather [hbm4b:s1+s3], $0x80, v3, vm0, $0xb8;
	[tilespmem:$0x8080] =	vst v63  }
0xff: {  	v3 =	vld [tilespmem:$0x20];
	_ =	sdelay $0x4  }
0x100: {  	v10 =	vshll.u32 v3, $0x1  }
0x101: {  	v3 =	vand.u32 $0x7, v3;
	v4 =	vand.u32 $0xFFFFFFF0, v10  }
0x102: {  	v3 =	vor.u32 v3, v4  }
0x103: {  	v4 =	vperm.xlane v3, v0;
	_ =	sdelay $0x1  }
0x104: {  	v3 =	vperm.xlane v3, v2;
	v4 =	vadd.s32 v1, v4;
	_ =	sdelay $0x1  }
0x105: {  	v3 =	vadd.s32 v1, v3;
	_ =	sdelay $0x2  }
0x106: {  	[tilespmem:s19], [sflag:$0x1] =	stream.indirect_vreg.gather [hbm4b:s1+s3], $0x80, v4, vm0, $0xb8;
	[tilespmem:$0x8080] =	vst v63  }
0x107: {  	_ = 	snop  }
0x108: {  	[tilespmem:s20], [sflag:$0x1] =	stream.indirect_vreg.gather [hbm4b:s1+s3], $0x80, v3, vm0, $0xb8;
	[tilespmem:$0x8080] =	vst v63  }
0x109: {  	v3 =	vld [tilespmem:$0x30];
	_ =	sdelay $0x4  }
0x10a: {  	v11 =	vshll.u32 v3, $0x1  }
0x10b: {  	v3 =	vand.u32 $0x7, v3;
	v4 =	vand.u32 $0xFFFFFFF0, v11  }
0x10c: {  	v3 =	vor.u32 v3, v4  }
0x10d: {  	v4 =	vperm.xlane v3, v0;
	_ =	sdelay $0x1  }
0x10e: {  	v3 =	vperm.xlane v3, v2;
	v4 =	vadd.s32 v1, v4;
	_ =	sdelay $0x1  }
0x10f: {  	v3 =	vadd.s32 v1, v3;
	_ =	sdelay $0x2  }
0x110: {  	[tilespmem:s21], [sflag:$0x1] =	stream.indirect_vreg.gather [hbm4b:s1+s3], $0x80, v4, vm0, $0xb8;
	[tilespmem:$0x8080] =	vst v63  }
0x111: {  	_ = 	snop  }
0x112: {  	[tilespmem:s22], [sflag:$0x1] =	stream.indirect_vreg.gather [hbm4b:s1+s3], $0x80, v3, vm0, $0xb8;
	[tilespmem:$0x8080] =	vst v63  }
0x113: {  	v3 =	vld [tilespmem:$0x40];
	_ =	sdelay $0x4  }
0x114: {  	v12 =	vshll.u32 v3, $0x1  }
0x115: {  	v3 =	vand.u32 $0x7, v3;
	v4 =	vand.u32 $0xFFFFFFF0, v12  }
0x116: {  	v3 =	vor.u32 v3, v4  }
0x117: {  	v4 =	vperm.xlane v3, v0;
	_ =	sdelay $0x1  }
0x118: {  	v3 =	vperm.xlane v3, v2;
	v4 =	vadd.s32 v1, v4;
	_ =	sdelay $0x1  }
0x119: {  	v3 =	vadd.s32 v1, v3;
	_ =	sdelay $0x2  }
0x11a: {  	[tilespmem:s23], [sflag:$0x1] =	stream.indirect_vreg.gather [hbm4b:s1+s3], $0x80, v4, vm0, $0xb8;
	[tilespmem:$0x8080] =	vst v63  }
0x11b: {  	_ = 	snop  }
0x11c: {  	[tilespmem:s24], [sflag:$0x1] =	stream.indirect_vreg.gather [hbm4b:s1+s3], $0x80, v3, vm0, $0xb8;
	[tilespmem:$0x8080] =	vst v63  }
0x11d: {  	v3 =	vld [tilespmem:$0x50];
	_ =	sdelay $0x4  }
0x11e: {  	v13 =	vshll.u32 v3, $0x1  }
0x11f: {  	v3 =	vand.u32 $0x7, v3;
	v4 =	vand.u32 $0xFFFFFFF0, v13  }
0x120: {  	v3 =	vor.u32 v3, v4  }
0x121: {  	v4 =	vperm.xlane v3, v0;
	_ =	sdelay $0x1  }
0x122: {  	v3 =	vperm.xlane v3, v2;
	v4 =	vadd.s32 v1, v4;
	_ =	sdelay $0x1  }
0x123: {  	v3 =	vadd.s32 v1, v3;
	_ =	sdelay $0x2  }
0x124: {  	[tilespmem:s25], [sflag:$0x1] =	stream.indirect_vreg.gather [hbm4b:s1+s3], $0x80, v4, vm0, $0xb8;
	[tilespmem:$0x8080] =	vst v63  }
0x125: {  	_ = 	snop  }
0x126: {  	[tilespmem:s26], [sflag:$0x1] =	stream.indirect_vreg.gather [hbm4b:s1+s3], $0x80, v3, vm0, $0xb8;
	[tilespmem:$0x8080] =	vst v63  }
0x127: {  	v3 =	vld [tilespmem:$0x60];
	_ =	sdelay $0x4  }
0x128: {  	v14 =	vshll.u32 v3, $0x1  }
0x129: {  	v3 =	vand.u32 $0x7, v3;
	v4 =	vand.u32 $0xFFFFFFF0, v14  }
0x12a: {  	v3 =	vor.u32 v3, v4  }
0x12b: {  	v4 =	vperm.xlane v3, v0;
	_ =	sdelay $0x1  }
0x12c: {  	v3 =	vperm.xlane v3, v2;
	v4 =	vadd.s32 v1, v4;
	_ =	sdelay $0x1  }
0x12d: {  	v3 =	vadd.s32 v1, v3;
	_ =	sdelay $0x2  }
0x12e: {  	[tilespmem:s28], [sflag:$0x1] =	stream.indirect_vreg.gather [hbm4b:s1+s3], $0x80, v4, vm0, $0xb8;
	[tilespmem:$0x8080] =	vst v63  }
0x12f: {  	_ = 	snop  }
0x130: {  	[tilespmem:s29], [sflag:$0x1] =	stream.indirect_vreg.gather [hbm4b:s1+s3], $0x80, v3, vm0, $0xb8;
	[tilespmem:$0x8080] =	vst v63  }
0x131: {  	v3 =	vld [tilespmem:$0x70];
	_ =	sdelay $0x4  }
0x132: {  	v15 =	vshll.u32 v3, $0x1  }
0x133: {  	v3 =	vand.u32 $0x7, v3;
	v4 =	vand.u32 $0xFFFFFFF0, v15  }
0x134: {  	v3 =	vor.u32 v3, v4  }
0x135: {  	v4 =	vperm.xlane v3, v0;
	_ =	sdelay $0x1  }
0x136: {  	v3 =	vperm.xlane v3, v2;
	v4 =	vadd.s32 v1, v4;
	_ =	sdelay $0x1  }
0x137: {  	v3 =	vadd.s32 v1, v3;
	_ =	sdelay $0x2  }
0x138: {  	[tilespmem:s30], [sflag:$0x1] =	stream.indirect_vreg.gather [hbm4b:s1+s3], $0x80, v4, vm0, $0xb8;
	[tilespmem:$0x8080] =	vst v63  }
0x139: {  	_ = 	snop  }
0x13a: {  	[tilespmem:s31], [sflag:$0x1] =	stream.indirect_vreg.gather [hbm4b:s1+s3], $0x80, v3, vm0, $0xb8;
	[tilespmem:$0x8080] =	vst v63  }
0x13b: {  	_ =	swait.ge [sflag:s0], $0x8000  }
0x13c: {  	[sflag:s0] =	ssyncset.done $0x0  }
0x13d: {  	s2 =	rddreg [dreg:$0x9];
	[sflag:s0] =	ssyncadd.s32 $0xFFFF8000  }
0x13e: {  	[hbm4b:s2+s3] =	stream.linear.scatter [tilespmem:s15], [sflag:$0x2], $0x8000, $0x38;
	[tilespmem:$0x8080] =	vst v63  }
0x13f: {  	_ =	swait.ge [sflag:s14], $0x8000  }
0x140: {  	[sflag:s14] =	ssyncset.done $0x0  }
0x141: {  	s2 =	rddreg [dreg:$0xa];
	[sflag:s14] =	ssyncadd.s32 $0xFFFF8000  }
0x142: {  	[tilespmem:s3], [sflag:$0x2] =	stream.linear.gather [hbm4b:s2+s3], $0x80, $0x38;
	[tilespmem:$0x8080] =	vst v63  }
0x143: {  	_ =	swait.ge [sflag:s14], $0x80  }
0x144: {  	[sflag:s14] =	ssyncset.done $0x0  }
0x145: {  	[sflag:s14] =	ssyncadd.s32 $0xFFFFFF80  }
0x146: {  	v3 =	vld [tilespmem:$0x0];
	_ =	sdelay $0x4  }
0x147: {  	v16 =	vshll.u32 v3, $0x1  }
0x148: {  	v3 =	vand.u32 $0x7, v3;
	v4 =	vand.u32 $0xFFFFFFF0, v16  }
0x149: {  	v3 =	vor.u32 v3, v4  }
0x14a: {  	v4 =	vperm.xlane v3, v0;
	_ =	sdelay $0x1  }
0x14b: {  	v3 =	vperm.xlane v3, v2;
	v4 =	vadd.s32 v1, v4;
	_ =	sdelay $0x1  }
0x14c: {  	v3 =	vadd.s32 v1, v3;
	_ =	sdelay $0x2  }
0x14d: {  	[tilespmem:s15], [sflag:$0x1] =	stream.indirect_vreg.gather [hbm4b:s1+s3], $0x80, v4, vm0, $0xb8;
	[tilespmem:$0x8080] =	vst v63  }
0x14e: {  	_ = 	snop  }
0x14f: {  	[tilespmem:s16], [sflag:$0x1] =	stream.indirect_vreg.gather [hbm4b:s1+s3], $0x80, v3, vm0, $0xb8;
	[tilespmem:$0x8080] =	vst v63  }
0x150: {  	v3 =	vld [tilespmem:$0x10];
	_ =	sdelay $0x4  }
0x151: {  	v17 =	vshll.u32 v3, $0x1  }
0x152: {  	v3 =	vand.u32 $0x7, v3;
	v4 =	vand.u32 $0xFFFFFFF0, v17  }
0x153: {  	v3 =	vor.u32 v3, v4  }
0x154: {  	v4 =	vperm.xlane v3, v0;
	_ =	sdelay $0x1  }
0x155: {  	v3 =	vperm.xlane v3, v2;
	v4 =	vadd.s32 v1, v4;
	_ =	sdelay $0x1  }
0x156: {  	v3 =	vadd.s32 v1, v3;
	_ =	sdelay $0x2  }
0x157: {  	[tilespmem:s17], [sflag:$0x1] =	stream.indirect_vreg.gather [hbm4b:s1+s3], $0x80, v4, vm0, $0xb8;
	[tilespmem:$0x8080] =	vst v63  }
0x158: {  	_ = 	snop  }
0x159: {  	[tilespmem:s18], [sflag:$0x1] =	stream.indirect_vreg.gather [hbm4b:s1+s3], $0x80, v3, vm0, $0xb8;
	[tilespmem:$0x8080] =	vst v63  }
0x15a: {  	v3 =	vld [tilespmem:$0x20];
	_ =	sdelay $0x4  }
0x15b: {  	v18 =	vshll.u32 v3, $0x1  }
0x15c: {  	v3 =	vand.u32 $0x7, v3;
	v4 =	vand.u32 $0xFFFFFFF0, v18  }
0x15d: {  	v3 =	vor.u32 v3, v4  }
0x15e: {  	v4 =	vperm.xlane v3, v0;
	_ =	sdelay $0x1  }
0x15f: {  	v3 =	vperm.xlane v3, v2;
	v4 =	vadd.s32 v1, v4;
	_ =	sdelay $0x1  }
0x160: {  	v3 =	vadd.s32 v1, v3;
	_ =	sdelay $0x2  }
0x161: {  	[tilespmem:s19], [sflag:$0x1] =	stream.indirect_vreg.gather [hbm4b:s1+s3], $0x80, v4, vm0, $0xb8;
	[tilespmem:$0x8080] =	vst v63  }
0x162: {  	_ = 	snop  }
0x163: {  	[tilespmem:s20], [sflag:$0x1] =	stream.indirect_vreg.gather [hbm4b:s1+s3], $0x80, v3, vm0, $0xb8;
	[tilespmem:$0x8080] =	vst v63  }
0x164: {  	v3 =	vld [tilespmem:$0x30];
	_ =	sdelay $0x4  }
0x165: {  	v19 =	vshll.u32 v3, $0x1  }
0x166: {  	v3 =	vand.u32 $0x7, v3;
	v4 =	vand.u32 $0xFFFFFFF0, v19  }
0x167: {  	v3 =	vor.u32 v3, v4  }
0x168: {  	v4 =	vperm.xlane v3, v0;
	_ =	sdelay $0x1  }
0x169: {  	v3 =	vperm.xlane v3, v2;
	v4 =	vadd.s32 v1, v4;
	_ =	sdelay $0x1  }
0x16a: {  	v3 =	vadd.s32 v1, v3;
	_ =	sdelay $0x2  }
0x16b: {  	[tilespmem:s21], [sflag:$0x1] =	stream.indirect_vreg.gather [hbm4b:s1+s3], $0x80, v4, vm0, $0xb8;
	[tilespmem:$0x8080] =	vst v63  }
0x16c: {  	_ = 	snop  }
0x16d: {  	[tilespmem:s22], [sflag:$0x1] =	stream.indirect_vreg.gather [hbm4b:s1+s3], $0x80, v3, vm0, $0xb8;
	[tilespmem:$0x8080] =	vst v63  }
0x16e: {  	v3 =	vld [tilespmem:$0x40];
	_ =	sdelay $0x4  }
0x16f: {  	v20 =	vshll.u32 v3, $0x1  }
0x170: {  	v3 =	vand.u32 $0x7, v3;
	v4 =	vand.u32 $0xFFFFFFF0, v20  }
0x171: {  	v3 =	vor.u32 v3, v4  }
0x172: {  	v4 =	vperm.xlane v3, v0;
	_ =	sdelay $0x1  }
0x173: {  	v3 =	vperm.xlane v3, v2;
	v4 =	vadd.s32 v1, v4;
	_ =	sdelay $0x1  }
0x174: {  	v3 =	vadd.s32 v1, v3;
	_ =	sdelay $0x2  }
0x175: {  	[tilespmem:s23], [sflag:$0x1] =	stream.indirect_vreg.gather [hbm4b:s1+s3], $0x80, v4, vm0, $0xb8;
	[tilespmem:$0x8080] =	vst v63  }
0x176: {  	_ = 	snop  }
0x177: {  	[tilespmem:s24], [sflag:$0x1] =	stream.indirect_vreg.gather [hbm4b:s1+s3], $0x80, v3, vm0, $0xb8;
	[tilespmem:$0x8080] =	vst v63  }
0x178: {  	v3 =	vld [tilespmem:$0x50];
	_ =	sdelay $0x4  }
0x179: {  	v21 =	vshll.u32 v3, $0x1  }
0x17a: {  	v3 =	vand.u32 $0x7, v3;
	v4 =	vand.u32 $0xFFFFFFF0, v21  }
0x17b: {  	v3 =	vor.u32 v3, v4  }
0x17c: {  	v4 =	vperm.xlane v3, v0;
	_ =	sdelay $0x1  }
0x17d: {  	v3 =	vperm.xlane v3, v2;
	v4 =	vadd.s32 v1, v4;
	_ =	sdelay $0x1  }
0x17e: {  	v3 =	vadd.s32 v1, v3;
	_ =	sdelay $0x2  }
0x17f: {  	[tilespmem:s25], [sflag:$0x1] =	stream.indirect_vreg.gather [hbm4b:s1+s3], $0x80, v4, vm0, $0xb8;
	[tilespmem:$0x8080] =	vst v63  }
0x180: {  	_ = 	snop  }
0x181: {  	[tilespmem:s26], [sflag:$0x1] =	stream.indirect_vreg.gather [hbm4b:s1+s3], $0x80, v3, vm0, $0xb8;
	[tilespmem:$0x8080] =	vst v63  }
0x182: {  	v3 =	vld [tilespmem:$0x60];
	_ =	sdelay $0x4  }
0x183: {  	v22 =	vshll.u32 v3, $0x1  }
0x184: {  	v3 =	vand.u32 $0x7, v3;
	v4 =	vand.u32 $0xFFFFFFF0, v22  }
0x185: {  	v3 =	vor.u32 v3, v4  }
0x186: {  	v4 =	vperm.xlane v3, v0;
	_ =	sdelay $0x1  }
0x187: {  	v3 =	vperm.xlane v3, v2;
	v4 =	vadd.s32 v1, v4;
	_ =	sdelay $0x1  }
0x188: {  	v3 =	vadd.s32 v1, v3;
	_ =	sdelay $0x2  }
0x189: {  	[tilespmem:s28], [sflag:$0x1] =	stream.indirect_vreg.gather [hbm4b:s1+s3], $0x80, v4, vm0, $0xb8;
	[tilespmem:$0x8080] =	vst v63  }
0x18a: {  	_ = 	snop  }
0x18b: {  	[tilespmem:s29], [sflag:$0x1] =	stream.indirect_vreg.gather [hbm4b:s1+s3], $0x80, v3, vm0, $0xb8;
	[tilespmem:$0x8080] =	vst v63  }
0x18c: {  	v3 =	vld [tilespmem:$0x70];
	_ =	sdelay $0x4  }
0x18d: {  	v23 =	vshll.u32 v3, $0x1  }
0x18e: {  	v3 =	vand.u32 $0x7, v3;
	v4 =	vand.u32 $0xFFFFFFF0, v23  }
0x18f: {  	v3 =	vor.u32 v3, v4  }
0x190: {  	v4 =	vperm.xlane v3, v0;
	_ =	sdelay $0x1  }
0x191: {  	v3 =	vperm.xlane v3, v2;
	v4 =	vadd.s32 v1, v4;
	_ =	sdelay $0x1  }
0x192: {  	v3 =	vadd.s32 v1, v3;
	_ =	sdelay $0x2  }
0x193: {  	[tilespmem:s30], [sflag:$0x1] =	stream.indirect_vreg.gather [hbm4b:s1+s3], $0x80, v4, vm0, $0xb8;
	[tilespmem:$0x8080] =	vst v63  }
0x194: {  	_ = 	snop  }
0x195: {  	[tilespmem:s31], [sflag:$0x1] =	stream.indirect_vreg.gather [hbm4b:s1+s3], $0x80, v3, vm0, $0xb8;
	[tilespmem:$0x8080] =	vst v63  }
0x196: {  	_ =	swait.ge [sflag:s0], $0x8000  }
0x197: {  	[sflag:s0] =	ssyncset.done $0x0  }
0x198: {  	s2 =	rddreg [dreg:$0xb];
	[sflag:s0] =	ssyncadd.s32 $0xFFFF8000  }
0x199: {  	[hbm4b:s2+s3] =	stream.linear.scatter [tilespmem:s15], [sflag:$0x2], $0x8000, $0x38;
	[tilespmem:$0x8080] =	vst v63  }
0x19a: {  	_ =	swait.ge [sflag:s14], $0x8000  }
0x19b: {  	[sflag:s14] =	ssyncset.done $0x0  }
0x19c: {  	s2 =	rddreg [dreg:$0xc];
	[sflag:s14] =	ssyncadd.s32 $0xFFFF8000  }
0x19d: {  	[tilespmem:s3], [sflag:$0x2] =	stream.linear.gather [hbm4b:s2+s3], $0x80, $0x38;
	[tilespmem:$0x8080] =	vst v63  }
0x19e: {  	_ =	swait.ge [sflag:s14], $0x80  }
0x19f: {  	[sflag:s14] =	ssyncset.done $0x0  }
0x1a0: {  	[sflag:s14] =	ssyncadd.s32 $0xFFFFFF80  }
0x1a1: {  	v3 =	vld [tilespmem:$0x0];
	_ =	sdelay $0x4  }
0x1a2: {  	v24 =	vshll.u32 v3, $0x1  }
0x1a3: {  	v3 =	vand.u32 $0x7, v3;
	v4 =	vand.u32 $0xFFFFFFF0, v24  }
0x1a4: {  	v3 =	vor.u32 v3, v4  }
0x1a5: {  	v4 =	vperm.xlane v3, v0;
	_ =	sdelay $0x1  }
0x1a6: {  	v3 =	vperm.xlane v3, v2;
	v4 =	vadd.s32 v1, v4;
	_ =	sdelay $0x1  }
0x1a7: {  	v3 =	vadd.s32 v1, v3;
	_ =	sdelay $0x2  }
0x1a8: {  	[tilespmem:s15], [sflag:$0x1] =	stream.indirect_vreg.gather [hbm4b:s1+s3], $0x80, v4, vm0, $0xb8;
	[tilespmem:$0x8080] =	vst v63  }
0x1a9: {  	_ = 	snop  }
0x1aa: {  	[tilespmem:s16], [sflag:$0x1] =	stream.indirect_vreg.gather [hbm4b:s1+s3], $0x80, v3, vm0, $0xb8;
	[tilespmem:$0x8080] =	vst v63  }
0x1ab: {  	v3 =	vld [tilespmem:$0x10];
	_ =	sdelay $0x4  }
0x1ac: {  	v25 =	vshll.u32 v3, $0x1  }
0x1ad: {  	v3 =	vand.u32 $0x7, v3;
	v4 =	vand.u32 $0xFFFFFFF0, v25  }
0x1ae: {  	v3 =	vor.u32 v3, v4  }
0x1af: {  	v4 =	vperm.xlane v3, v0;
	_ =	sdelay $0x1  }
0x1b0: {  	v3 =	vperm.xlane v3, v2;
	v4 =	vadd.s32 v1, v4;
	_ =	sdelay $0x1  }
0x1b1: {  	v3 =	vadd.s32 v1, v3;
	_ =	sdelay $0x2  }
0x1b2: {  	[tilespmem:s17], [sflag:$0x1] =	stream.indirect_vreg.gather [hbm4b:s1+s3], $0x80, v4, vm0, $0xb8;
	[tilespmem:$0x8080] =	vst v63  }
0x1b3: {  	_ = 	snop  }
0x1b4: {  	[tilespmem:s18], [sflag:$0x1] =	stream.indirect_vreg.gather [hbm4b:s1+s3], $0x80, v3, vm0, $0xb8;
	[tilespmem:$0x8080] =	vst v63  }
0x1b5: {  	v3 =	vld [tilespmem:$0x20];
	_ =	sdelay $0x4  }
0x1b6: {  	v26 =	vshll.u32 v3, $0x1  }
0x1b7: {  	v3 =	vand.u32 $0x7, v3;
	v4 =	vand.u32 $0xFFFFFFF0, v26  }
0x1b8: {  	v3 =	vor.u32 v3, v4  }
0x1b9: {  	v4 =	vperm.xlane v3, v0;
	_ =	sdelay $0x1  }
0x1ba: {  	v3 =	vperm.xlane v3, v2;
	v4 =	vadd.s32 v1, v4;
	_ =	sdelay $0x1  }
0x1bb: {  	v3 =	vadd.s32 v1, v3;
	_ =	sdelay $0x2  }
0x1bc: {  	[tilespmem:s19], [sflag:$0x1] =	stream.indirect_vreg.gather [hbm4b:s1+s3], $0x80, v4, vm0, $0xb8;
	[tilespmem:$0x8080] =	vst v63  }
0x1bd: {  	_ = 	snop  }
0x1be: {  	[tilespmem:s20], [sflag:$0x1] =	stream.indirect_vreg.gather [hbm4b:s1+s3], $0x80, v3, vm0, $0xb8;
	[tilespmem:$0x8080] =	vst v63  }
0x1bf: {  	v3 =	vld [tilespmem:$0x30];
	_ =	sdelay $0x4  }
0x1c0: {  	v27 =	vshll.u32 v3, $0x1  }
0x1c1: {  	v3 =	vand.u32 $0x7, v3;
	v4 =	vand.u32 $0xFFFFFFF0, v27  }
0x1c2: {  	v3 =	vor.u32 v3, v4  }
0x1c3: {  	v4 =	vperm.xlane v3, v0;
	_ =	sdelay $0x1  }
0x1c4: {  	v3 =	vperm.xlane v3, v2;
	v4 =	vadd.s32 v1, v4;
	_ =	sdelay $0x1  }
0x1c5: {  	v3 =	vadd.s32 v1, v3;
	_ =	sdelay $0x2  }
0x1c6: {  	[tilespmem:s21], [sflag:$0x1] =	stream.indirect_vreg.gather [hbm4b:s1+s3], $0x80, v4, vm0, $0xb8;
	[tilespmem:$0x8080] =	vst v63  }
0x1c7: {  	_ = 	snop  }
0x1c8: {  	[tilespmem:s22], [sflag:$0x1] =	stream.indirect_vreg.gather [hbm4b:s1+s3], $0x80, v3, vm0, $0xb8;
	[tilespmem:$0x8080] =	vst v63  }
0x1c9: {  	v3 =	vld [tilespmem:$0x40];
	_ =	sdelay $0x4  }
0x1ca: {  	v28 =	vshll.u32 v3, $0x1  }
0x1cb: {  	v3 =	vand.u32 $0x7, v3;
	v4 =	vand.u32 $0xFFFFFFF0, v28  }
0x1cc: {  	v3 =	vor.u32 v3, v4  }
0x1cd: {  	v4 =	vperm.xlane v3, v0;
	_ =	sdelay $0x1  }
0x1ce: {  	v3 =	vperm.xlane v3, v2;
	v4 =	vadd.s32 v1, v4;
	_ =	sdelay $0x1  }
0x1cf: {  	v3 =	vadd.s32 v1, v3;
	_ =	sdelay $0x2  }
0x1d0: {  	[tilespmem:s23], [sflag:$0x1] =	stream.indirect_vreg.gather [hbm4b:s1+s3], $0x80, v4, vm0, $0xb8;
	[tilespmem:$0x8080] =	vst v63  }
0x1d1: {  	_ = 	snop  }
0x1d2: {  	[tilespmem:s24], [sflag:$0x1] =	stream.indirect_vreg.gather [hbm4b:s1+s3], $0x80, v3, vm0, $0xb8;
	[tilespmem:$0x8080] =	vst v63  }
0x1d3: {  	v3 =	vld [tilespmem:$0x50];
	_ =	sdelay $0x4  }
0x1d4: {  	v29 =	vshll.u32 v3, $0x1  }
0x1d5: {  	v3 =	vand.u32 $0x7, v3;
	v4 =	vand.u32 $0xFFFFFFF0, v29  }
0x1d6: {  	v3 =	vor.u32 v3, v4  }
0x1d7: {  	v4 =	vperm.xlane v3, v0;
	_ =	sdelay $0x1  }
0x1d8: {  	v3 =	vperm.xlane v3, v2;
	v4 =	vadd.s32 v1, v4;
	_ =	sdelay $0x1  }
0x1d9: {  	v3 =	vadd.s32 v1, v3;
	_ =	sdelay $0x2  }
0x1da: {  	[tilespmem:s25], [sflag:$0x1] =	stream.indirect_vreg.gather [hbm4b:s1+s3], $0x80, v4, vm0, $0xb8;
	[tilespmem:$0x8080] =	vst v63  }
0x1db: {  	_ = 	snop  }
0x1dc: {  	[tilespmem:s26], [sflag:$0x1] =	stream.indirect_vreg.gather [hbm4b:s1+s3], $0x80, v3, vm0, $0xb8;
	[tilespmem:$0x8080] =	vst v63  }
0x1dd: {  	v3 =	vld [tilespmem:$0x60];
	_ =	sdelay $0x4  }
0x1de: {  	v30 =	vshll.u32 v3, $0x1  }
0x1df: {  	v3 =	vand.u32 $0x7, v3;
	v4 =	vand.u32 $0xFFFFFFF0, v30  }
0x1e0: {  	v3 =	vor.u32 v3, v4  }
0x1e1: {  	v4 =	vperm.xlane v3, v0;
	_ =	sdelay $0x1  }
0x1e2: {  	v3 =	vperm.xlane v3, v2;
	v4 =	vadd.s32 v1, v4;
	_ =	sdelay $0x1  }
0x1e3: {  	v3 =	vadd.s32 v1, v3;
	_ =	sdelay $0x2  }
0x1e4: {  	[tilespmem:s28], [sflag:$0x1] =	stream.indirect_vreg.gather [hbm4b:s1+s3], $0x80, v4, vm0, $0xb8;
	[tilespmem:$0x8080] =	vst v63  }
0x1e5: {  	_ = 	snop  }
0x1e6: {  	[tilespmem:s29], [sflag:$0x1] =	stream.indirect_vreg.gather [hbm4b:s1+s3], $0x80, v3, vm0, $0xb8;
	[tilespmem:$0x8080] =	vst v63  }
0x1e7: {  	v3 =	vld [tilespmem:$0x70];
	_ =	sdelay $0x4  }
0x1e8: {  	v31 =	vshll.u32 v3, $0x1  }
0x1e9: {  	v3 =	vand.u32 $0x7, v3;
	v4 =	vand.u32 $0xFFFFFFF0, v31  }
0x1ea: {  	v3 =	vor.u32 v3, v4  }
0x1eb: {  	v4 =	vperm.xlane v3, v0;
	_ =	sdelay $0x1  }
0x1ec: {  	v3 =	vperm.xlane v3, v2;
	v4 =	vadd.s32 v1, v4;
	_ =	sdelay $0x1  }
0x1ed: {  	v3 =	vadd.s32 v1, v3;
	_ =	sdelay $0x2  }
0x1ee: {  	[tilespmem:s30], [sflag:$0x1] =	stream.indirect_vreg.gather [hbm4b:s1+s3], $0x80, v4, vm0, $0xb8;
	[tilespmem:$0x8080] =	vst v63  }
0x1ef: {  	_ = 	snop  }
0x1f0: {  	[tilespmem:s31], [sflag:$0x1] =	stream.indirect_vreg.gather [hbm4b:s1+s3], $0x80, v3, vm0, $0xb8;
	[tilespmem:$0x8080] =	vst v63  }
0x1f1: {  	_ =	swait.ge [sflag:s0], $0x8000  }
0x1f2: {  	[sflag:s0] =	ssyncset.done $0x0  }
0x1f3: {  	s2 =	rddreg [dreg:$0xd];
	[sflag:s0] =	ssyncadd.s32 $0xFFFF8000  }
0x1f4: {  	[hbm4b:s2+s3] =	stream.linear.scatter [tilespmem:s15], [sflag:$0x2], $0x8000, $0x38;
	[tilespmem:$0x8080] =	vst v63  }
0x1f5: {  	_ =	swait.ge [sflag:s14], $0x8000  }
0x1f6: {  	[sflag:s14] =	ssyncset.done $0x0  }
0x1f7: {  	s2 =	rddreg [dreg:$0xe];
	[sflag:s14] =	ssyncadd.s32 $0xFFFF8000  }
0x1f8: {  	[tilespmem:s3], [sflag:$0x2] =	stream.linear.gather [hbm4b:s2+s3], $0x80, $0x38;
	[tilespmem:$0x8080] =	vst v63  }
0x1f9: {  	_ =	swait.ge [sflag:s14], $0x80  }
0x1fa: {  	[sflag:s14] =	ssyncset.done $0x0  }
0x1fb: {  	[sflag:s14] =	ssyncadd.s32 $0xFFFFFF80  }
0x1fc: {  	v3 =	vld [tilespmem:$0x0];
	_ =	sdelay $0x4  }
0x1fd: {  	v32 =	vshll.u32 v3, $0x1  }
0x1fe: {  	v3 =	vand.u32 $0x7, v3;
	v4 =	vand.u32 $0xFFFFFFF0, v32  }
0x1ff: {  	v3 =	vor.u32 v3, v4  }
0x200: {  	v4 =	vperm.xlane v3, v0;
	_ =	sdelay $0x1  }
0x201: {  	v3 =	vperm.xlane v3, v2;
	v4 =	vadd.s32 v1, v4;
	_ =	sdelay $0x1  }
0x202: {  	v3 =	vadd.s32 v1, v3;
	_ =	sdelay $0x2  }
0x203: {  	[tilespmem:s15], [sflag:$0x1] =	stream.indirect_vreg.gather [hbm4b:s1+s3], $0x80, v4, vm0, $0xb8;
	[tilespmem:$0x8080] =	vst v63  }
0x204: {  	_ = 	snop  }
0x205: {  	[tilespmem:s16], [sflag:$0x1] =	stream.indirect_vreg.gather [hbm4b:s1+s3], $0x80, v3, vm0, $0xb8;
	[tilespmem:$0x8080] =	vst v63  }
0x206: {  	v3 =	vld [tilespmem:$0x10];
	_ =	sdelay $0x4  }
0x207: {  	v33 =	vshll.u32 v3, $0x1  }
0x208: {  	v3 =	vand.u32 $0x7, v3;
	v4 =	vand.u32 $0xFFFFFFF0, v33  }
0x209: {  	v3 =	vor.u32 v3, v4  }
0x20a: {  	v4 =	vperm.xlane v3, v0;
	_ =	sdelay $0x1  }
0x20b: {  	v3 =	vperm.xlane v3, v2;
	v4 =	vadd.s32 v1, v4;
	_ =	sdelay $0x1  }
0x20c: {  	v3 =	vadd.s32 v1, v3;
	_ =	sdelay $0x2  }
0x20d: {  	[tilespmem:s17], [sflag:$0x1] =	stream.indirect_vreg.gather [hbm4b:s1+s3], $0x80, v4, vm0, $0xb8;
	[tilespmem:$0x8080] =	vst v63  }
0x20e: {  	_ = 	snop  }
0x20f: {  	[tilespmem:s18], [sflag:$0x1] =	stream.indirect_vreg.gather [hbm4b:s1+s3], $0x80, v3, vm0, $0xb8;
	[tilespmem:$0x8080] =	vst v63  }
0x210: {  	v3 =	vld [tilespmem:$0x20];
	_ =	sdelay $0x4  }
0x211: {  	v34 =	vshll.u32 v3, $0x1  }
0x212: {  	v3 =	vand.u32 $0x7, v3;
	v4 =	vand.u32 $0xFFFFFFF0, v34  }
0x213: {  	v3 =	vor.u32 v3, v4  }
0x214: {  	v4 =	vperm.xlane v3, v0;
	_ =	sdelay $0x1  }
0x215: {  	v3 =	vperm.xlane v3, v2;
	v4 =	vadd.s32 v1, v4;
	_ =	sdelay $0x1  }
0x216: {  	v3 =	vadd.s32 v1, v3;
	_ =	sdelay $0x2  }
0x217: {  	[tilespmem:s19], [sflag:$0x1] =	stream.indirect_vreg.gather [hbm4b:s1+s3], $0x80, v4, vm0, $0xb8;
	[tilespmem:$0x8080] =	vst v63  }
0x218: {  	_ = 	snop  }
0x219: {  	[tilespmem:s20], [sflag:$0x1] =	stream.indirect_vreg.gather [hbm4b:s1+s3], $0x80, v3, vm0, $0xb8;
	[tilespmem:$0x8080] =	vst v63  }
0x21a: {  	v3 =	vld [tilespmem:$0x30];
	_ =	sdelay $0x4  }
0x21b: {  	v35 =	vshll.u32 v3, $0x1  }
0x21c: {  	v3 =	vand.u32 $0x7, v3;
	v4 =	vand.u32 $0xFFFFFFF0, v35  }
0x21d: {  	v3 =	vor.u32 v3, v4  }
0x21e: {  	v4 =	vperm.xlane v3, v0;
	_ =	sdelay $0x1  }
0x21f: {  	v3 =	vperm.xlane v3, v2;
	v4 =	vadd.s32 v1, v4;
	_ =	sdelay $0x1  }
0x220: {  	v3 =	vadd.s32 v1, v3;
	_ =	sdelay $0x2  }
0x221: {  	[tilespmem:s21], [sflag:$0x1] =	stream.indirect_vreg.gather [hbm4b:s1+s3], $0x80, v4, vm0, $0xb8;
	[tilespmem:$0x8080] =	vst v63  }
0x222: {  	_ = 	snop  }
0x223: {  	[tilespmem:s22], [sflag:$0x1] =	stream.indirect_vreg.gather [hbm4b:s1+s3], $0x80, v3, vm0, $0xb8;
	[tilespmem:$0x8080] =	vst v63  }
0x224: {  	v3 =	vld [tilespmem:$0x40];
	_ =	sdelay $0x4  }
0x225: {  	v36 =	vshll.u32 v3, $0x1  }
0x226: {  	v3 =	vand.u32 $0x7, v3;
	v4 =	vand.u32 $0xFFFFFFF0, v36  }
0x227: {  	v3 =	vor.u32 v3, v4  }
0x228: {  	v4 =	vperm.xlane v3, v0;
	_ =	sdelay $0x1  }
0x229: {  	v3 =	vperm.xlane v3, v2;
	v4 =	vadd.s32 v1, v4;
	_ =	sdelay $0x1  }
0x22a: {  	v3 =	vadd.s32 v1, v3;
	_ =	sdelay $0x2  }
0x22b: {  	[tilespmem:s23], [sflag:$0x1] =	stream.indirect_vreg.gather [hbm4b:s1+s3], $0x80, v4, vm0, $0xb8;
	[tilespmem:$0x8080] =	vst v63  }
0x22c: {  	_ = 	snop  }
0x22d: {  	[tilespmem:s24], [sflag:$0x1] =	stream.indirect_vreg.gather [hbm4b:s1+s3], $0x80, v3, vm0, $0xb8;
	[tilespmem:$0x8080] =	vst v63  }
0x22e: {  	v3 =	vld [tilespmem:$0x50];
	_ =	sdelay $0x4  }
0x22f: {  	v37 =	vshll.u32 v3, $0x1  }
0x230: {  	v3 =	vand.u32 $0x7, v3;
	v4 =	vand.u32 $0xFFFFFFF0, v37  }
0x231: {  	v3 =	vor.u32 v3, v4  }
0x232: {  	v4 =	vperm.xlane v3, v0;
	_ =	sdelay $0x1  }
0x233: {  	v3 =	vperm.xlane v3, v2;
	v4 =	vadd.s32 v1, v4;
	_ =	sdelay $0x1  }
0x234: {  	v3 =	vadd.s32 v1, v3;
	_ =	sdelay $0x2  }
0x235: {  	[tilespmem:s25], [sflag:$0x1] =	stream.indirect_vreg.gather [hbm4b:s1+s3], $0x80, v4, vm0, $0xb8;
	[tilespmem:$0x8080] =	vst v63  }
0x236: {  	_ = 	snop  }
0x237: {  	[tilespmem:s26], [sflag:$0x1] =	stream.indirect_vreg.gather [hbm4b:s1+s3], $0x80, v3, vm0, $0xb8;
	[tilespmem:$0x8080] =	vst v63  }
0x238: {  	v3 =	vld [tilespmem:$0x60];
	_ =	sdelay $0x4  }
0x239: {  	v38 =	vshll.u32 v3, $0x1  }
0x23a: {  	v3 =	vand.u32 $0x7, v3;
	v4 =	vand.u32 $0xFFFFFFF0, v38  }
0x23b: {  	v3 =	vor.u32 v3, v4  }
0x23c: {  	v4 =	vperm.xlane v3, v0;
	_ =	sdelay $0x1  }
0x23d: {  	v3 =	vperm.xlane v3, v2;
	v4 =	vadd.s32 v1, v4;
	_ =	sdelay $0x1  }
0x23e: {  	v3 =	vadd.s32 v1, v3;
	_ =	sdelay $0x2  }
0x23f: {  	[tilespmem:s28], [sflag:$0x1] =	stream.indirect_vreg.gather [hbm4b:s1+s3], $0x80, v4, vm0, $0xb8;
	[tilespmem:$0x8080] =	vst v63  }
0x240: {  	_ = 	snop  }
0x241: {  	[tilespmem:s29], [sflag:$0x1] =	stream.indirect_vreg.gather [hbm4b:s1+s3], $0x80, v3, vm0, $0xb8;
	[tilespmem:$0x8080] =	vst v63  }
0x242: {  	v3 =	vld [tilespmem:$0x70];
	_ =	sdelay $0x4  }
0x243: {  	v39 =	vshll.u32 v3, $0x1  }
0x244: {  	v3 =	vand.u32 $0x7, v3;
	v4 =	vand.u32 $0xFFFFFFF0, v39  }
0x245: {  	v3 =	vor.u32 v3, v4  }
0x246: {  	v4 =	vperm.xlane v3, v0;
	_ =	sdelay $0x1  }
0x247: {  	v3 =	vperm.xlane v3, v2;
	v4 =	vadd.s32 v1, v4;
	_ =	sdelay $0x1  }
0x248: {  	v3 =	vadd.s32 v1, v3;
	_ =	sdelay $0x2  }
0x249: {  	[tilespmem:s30], [sflag:$0x1] =	stream.indirect_vreg.gather [hbm4b:s1+s3], $0x80, v4, vm0, $0xb8;
	[tilespmem:$0x8080] =	vst v63  }
0x24a: {  	_ = 	snop  }
0x24b: {  	[tilespmem:s31], [sflag:$0x1] =	stream.indirect_vreg.gather [hbm4b:s1+s3], $0x80, v3, vm0, $0xb8;
	[tilespmem:$0x8080] =	vst v63  }
0x24c: {  	_ =	swait.ge [sflag:s0], $0x8000  }
0x24d: {  	[sflag:s0] =	ssyncset.done $0x0  }
0x24e: {  	s2 =	rddreg [dreg:$0xf];
	[sflag:s0] =	ssyncadd.s32 $0xFFFF8000  }
0x24f: {  	[hbm4b:s2+s3] =	stream.linear.scatter [tilespmem:s15], [sflag:$0x2], $0x8000, $0x38;
	[tilespmem:$0x8080] =	vst v63  }
0x250: {  	_ =	swait.ge [sflag:s14], $0x8000  }
0x251: {  	[sflag:s14] =	ssyncset.done $0x0  }
0x252: {  	s2 =	rddreg [dreg:$0x10];
	[sflag:s14] =	ssyncadd.s32 $0xFFFF8000  }
0x253: {  	[tilespmem:s3], [sflag:$0x2] =	stream.linear.gather [hbm4b:s2+s3], $0x80, $0x38;
	[tilespmem:$0x8080] =	vst v63  }
0x254: {  	_ =	swait.ge [sflag:s14], $0x80  }
0x255: {  	[sflag:s14] =	ssyncset.done $0x0  }
0x256: {  	[sflag:s14] =	ssyncadd.s32 $0xFFFFFF80  }
0x257: {  	v3 =	vld [tilespmem:$0x0];
	_ =	sdelay $0x4  }
0x258: {  	v40 =	vshll.u32 v3, $0x1  }
0x259: {  	v3 =	vand.u32 $0x7, v3;
	v4 =	vand.u32 $0xFFFFFFF0, v40  }
0x25a: {  	v3 =	vor.u32 v3, v4  }
0x25b: {  	v4 =	vperm.xlane v3, v0;
	_ =	sdelay $0x1  }
0x25c: {  	v3 =	vperm.xlane v3, v2;
	v4 =	vadd.s32 v1, v4;
	_ =	sdelay $0x1  }
0x25d: {  	v3 =	vadd.s32 v1, v3;
	_ =	sdelay $0x2  }
0x25e: {  	[tilespmem:s15], [sflag:$0x1] =	stream.indirect_vreg.gather [hbm4b:s1+s3], $0x80, v4, vm0, $0xb8;
	[tilespmem:$0x8080] =	vst v63  }
0x25f: {  	_ = 	snop  }
0x260: {  	[tilespmem:s16], [sflag:$0x1] =	stream.indirect_vreg.gather [hbm4b:s1+s3], $0x80, v3, vm0, $0xb8;
	[tilespmem:$0x8080] =	vst v63  }
0x261: {  	v3 =	vld [tilespmem:$0x10];
	_ =	sdelay $0x4  }
0x262: {  	v41 =	vshll.u32 v3, $0x1  }
0x263: {  	v3 =	vand.u32 $0x7, v3;
	v4 =	vand.u32 $0xFFFFFFF0, v41  }
0x264: {  	v3 =	vor.u32 v3, v4  }
0x265: {  	v4 =	vperm.xlane v3, v0;
	_ =	sdelay $0x1  }
0x266: {  	v3 =	vperm.xlane v3, v2;
	v4 =	vadd.s32 v1, v4;
	_ =	sdelay $0x1  }
0x267: {  	v3 =	vadd.s32 v1, v3;
	_ =	sdelay $0x2  }
0x268: {  	[tilespmem:s17], [sflag:$0x1] =	stream.indirect_vreg.gather [hbm4b:s1+s3], $0x80, v4, vm0, $0xb8;
	[tilespmem:$0x8080] =	vst v63  }
0x269: {  	_ = 	snop  }
0x26a: {  	[tilespmem:s18], [sflag:$0x1] =	stream.indirect_vreg.gather [hbm4b:s1+s3], $0x80, v3, vm0, $0xb8;
	[tilespmem:$0x8080] =	vst v63  }
0x26b: {  	v3 =	vld [tilespmem:$0x20];
	_ =	sdelay $0x4  }
0x26c: {  	v42 =	vshll.u32 v3, $0x1  }
0x26d: {  	v3 =	vand.u32 $0x7, v3;
	v4 =	vand.u32 $0xFFFFFFF0, v42  }
0x26e: {  	v3 =	vor.u32 v3, v4  }
0x26f: {  	v4 =	vperm.xlane v3, v0;
	_ =	sdelay $0x1  }
0x270: {  	v3 =	vperm.xlane v3, v2;
	v4 =	vadd.s32 v1, v4;
	_ =	sdelay $0x1  }
0x271: {  	v3 =	vadd.s32 v1, v3;
	_ =	sdelay $0x2  }
0x272: {  	[tilespmem:s19], [sflag:$0x1] =	stream.indirect_vreg.gather [hbm4b:s1+s3], $0x80, v4, vm0, $0xb8;
	[tilespmem:$0x8080] =	vst v63  }
0x273: {  	_ = 	snop  }
0x274: {  	[tilespmem:s20], [sflag:$0x1] =	stream.indirect_vreg.gather [hbm4b:s1+s3], $0x80, v3, vm0, $0xb8;
	[tilespmem:$0x8080] =	vst v63  }
0x275: {  	v3 =	vld [tilespmem:$0x30];
	_ =	sdelay $0x4  }
0x276: {  	v43 =	vshll.u32 v3, $0x1  }
0x277: {  	v3 =	vand.u32 $0x7, v3;
	v4 =	vand.u32 $0xFFFFFFF0, v43  }
0x278: {  	v3 =	vor.u32 v3, v4  }
0x279: {  	v4 =	vperm.xlane v3, v0;
	_ =	sdelay $0x1  }
0x27a: {  	v3 =	vperm.xlane v3, v2;
	v4 =	vadd.s32 v1, v4;
	_ =	sdelay $0x1  }
0x27b: {  	v3 =	vadd.s32 v1, v3;
	_ =	sdelay $0x2  }
0x27c: {  	[tilespmem:s21], [sflag:$0x1] =	stream.indirect_vreg.gather [hbm4b:s1+s3], $0x80, v4, vm0, $0xb8;
	[tilespmem:$0x8080] =	vst v63  }
0x27d: {  	_ = 	snop  }
0x27e: {  	[tilespmem:s22], [sflag:$0x1] =	stream.indirect_vreg.gather [hbm4b:s1+s3], $0x80, v3, vm0, $0xb8;
	[tilespmem:$0x8080] =	vst v63  }
0x27f: {  	v3 =	vld [tilespmem:$0x40];
	_ =	sdelay $0x4  }
0x280: {  	v44 =	vshll.u32 v3, $0x1  }
0x281: {  	v3 =	vand.u32 $0x7, v3;
	v4 =	vand.u32 $0xFFFFFFF0, v44  }
0x282: {  	v3 =	vor.u32 v3, v4  }
0x283: {  	v4 =	vperm.xlane v3, v0;
	_ =	sdelay $0x1  }
0x284: {  	v3 =	vperm.xlane v3, v2;
	v4 =	vadd.s32 v1, v4;
	_ =	sdelay $0x1  }
0x285: {  	v3 =	vadd.s32 v1, v3;
	_ =	sdelay $0x2  }
0x286: {  	[tilespmem:s23], [sflag:$0x1] =	stream.indirect_vreg.gather [hbm4b:s1+s3], $0x80, v4, vm0, $0xb8;
	[tilespmem:$0x8080] =	vst v63  }
0x287: {  	_ = 	snop  }
0x288: {  	[tilespmem:s24], [sflag:$0x1] =	stream.indirect_vreg.gather [hbm4b:s1+s3], $0x80, v3, vm0, $0xb8;
	[tilespmem:$0x8080] =	vst v63  }
0x289: {  	v3 =	vld [tilespmem:$0x50];
	_ =	sdelay $0x4  }
0x28a: {  	v45 =	vshll.u32 v3, $0x1  }
0x28b: {  	v3 =	vand.u32 $0x7, v3;
	v4 =	vand.u32 $0xFFFFFFF0, v45  }
0x28c: {  	v3 =	vor.u32 v3, v4  }
0x28d: {  	v4 =	vperm.xlane v3, v0;
	_ =	sdelay $0x1  }
0x28e: {  	v3 =	vperm.xlane v3, v2;
	v4 =	vadd.s32 v1, v4;
	_ =	sdelay $0x1  }
0x28f: {  	v3 =	vadd.s32 v1, v3;
	_ =	sdelay $0x2  }
0x290: {  	[tilespmem:s25], [sflag:$0x1] =	stream.indirect_vreg.gather [hbm4b:s1+s3], $0x80, v4, vm0, $0xb8;
	[tilespmem:$0x8080] =	vst v63  }
0x291: {  	_ = 	snop  }
0x292: {  	[tilespmem:s26], [sflag:$0x1] =	stream.indirect_vreg.gather [hbm4b:s1+s3], $0x80, v3, vm0, $0xb8;
	[tilespmem:$0x8080] =	vst v63  }
0x293: {  	v3 =	vld [tilespmem:$0x60];
	_ =	sdelay $0x4  }
0x294: {  	v46 =	vshll.u32 v3, $0x1  }
0x295: {  	v3 =	vand.u32 $0x7, v3;
	v4 =	vand.u32 $0xFFFFFFF0, v46  }
0x296: {  	v3 =	vor.u32 v3, v4  }
0x297: {  	v4 =	vperm.xlane v3, v0;
	_ =	sdelay $0x1  }
0x298: {  	v3 =	vperm.xlane v3, v2;
	v4 =	vadd.s32 v1, v4;
	_ =	sdelay $0x1  }
0x299: {  	v3 =	vadd.s32 v1, v3;
	_ =	sdelay $0x2  }
0x29a: {  	[tilespmem:s28], [sflag:$0x1] =	stream.indirect_vreg.gather [hbm4b:s1+s3], $0x80, v4, vm0, $0xb8;
	[tilespmem:$0x8080] =	vst v63  }
0x29b: {  	_ = 	snop  }
0x29c: {  	[tilespmem:s29], [sflag:$0x1] =	stream.indirect_vreg.gather [hbm4b:s1+s3], $0x80, v3, vm0, $0xb8;
	[tilespmem:$0x8080] =	vst v63  }
0x29d: {  	v3 =	vld [tilespmem:$0x70];
	_ =	sdelay $0x4  }
0x29e: {  	v47 =	vshll.u32 v3, $0x1  }
0x29f: {  	v3 =	vand.u32 $0x7, v3;
	v4 =	vand.u32 $0xFFFFFFF0, v47  }
0x2a0: {  	v3 =	vor.u32 v3, v4  }
0x2a1: {  	v4 =	vperm.xlane v3, v0;
	_ =	sdelay $0x1  }
0x2a2: {  	v3 =	vperm.xlane v3, v2;
	v4 =	vadd.s32 v1, v4;
	_ =	sdelay $0x1  }
0x2a3: {  	v3 =	vadd.s32 v1, v3;
	_ =	sdelay $0x2  }
0x2a4: {  	[tilespmem:s30], [sflag:$0x1] =	stream.indirect_vreg.gather [hbm4b:s1+s3], $0x80, v4, vm0, $0xb8;
	[tilespmem:$0x8080] =	vst v63  }
0x2a5: {  	_ = 	snop  }
0x2a6: {  	[tilespmem:s31], [sflag:$0x1] =	stream.indirect_vreg.gather [hbm4b:s1+s3], $0x80, v3, vm0, $0xb8;
	[tilespmem:$0x8080] =	vst v63  }
0x2a7: {  	_ =	swait.ge [sflag:s0], $0x8000  }
0x2a8: {  	[sflag:s0] =	ssyncset.done $0x0  }
0x2a9: {  	s2 =	rddreg [dreg:$0x11];
	[sflag:s0] =	ssyncadd.s32 $0xFFFF8000  }
0x2aa: {  	[hbm4b:s2+s3] =	stream.linear.scatter [tilespmem:s15], [sflag:$0x2], $0x8000, $0x38;
	[tilespmem:$0x8080] =	vst v63  }
0x2ab: {  	_ =	swait.ge [sflag:s14], $0x8000  }
0x2ac: {  	[sflag:s14] =	ssyncset.done $0x0  }
0x2ad: {  	s2 =	rddreg [dreg:$0x12];
	[sflag:s14] =	ssyncadd.s32 $0xFFFF8000  }
0x2ae: {  	[tilespmem:s3], [sflag:$0x2] =	stream.linear.gather [hbm4b:s2+s3], $0x80, $0x38;
	[tilespmem:$0x8080] =	vst v63  }
0x2af: {  	_ =	swait.ge [sflag:s14], $0x80  }
0x2b0: {  	[sflag:s14] =	ssyncset.done $0x0  }
0x2b1: {  	[sflag:s14] =	ssyncadd.s32 $0xFFFFFF80  }
0x2b2: {  	v3 =	vld [tilespmem:$0x0];
	_ =	sdelay $0x4  }
0x2b3: {  	v48 =	vshll.u32 v3, $0x1  }
0x2b4: {  	v3 =	vand.u32 $0x7, v3;
	v4 =	vand.u32 $0xFFFFFFF0, v48  }
0x2b5: {  	v3 =	vor.u32 v3, v4  }
0x2b6: {  	v4 =	vperm.xlane v3, v0;
	_ =	sdelay $0x1  }
0x2b7: {  	v3 =	vperm.xlane v3, v2;
	v4 =	vadd.s32 v1, v4;
	_ =	sdelay $0x1  }
0x2b8: {  	v3 =	vadd.s32 v1, v3;
	_ =	sdelay $0x2  }
0x2b9: {  	[tilespmem:s15], [sflag:$0x1] =	stream.indirect_vreg.gather [hbm4b:s1+s3], $0x80, v4, vm0, $0xb8;
	[tilespmem:$0x8080] =	vst v63  }
0x2ba: {  	_ = 	snop  }
0x2bb: {  	[tilespmem:s16], [sflag:$0x1] =	stream.indirect_vreg.gather [hbm4b:s1+s3], $0x80, v3, vm0, $0xb8;
	[tilespmem:$0x8080] =	vst v63  }
0x2bc: {  	v3 =	vld [tilespmem:$0x10];
	_ =	sdelay $0x4  }
0x2bd: {  	v49 =	vshll.u32 v3, $0x1  }
0x2be: {  	v3 =	vand.u32 $0x7, v3;
	v4 =	vand.u32 $0xFFFFFFF0, v49  }
0x2bf: {  	v3 =	vor.u32 v3, v4  }
0x2c0: {  	v4 =	vperm.xlane v3, v0;
	_ =	sdelay $0x1  }
0x2c1: {  	v3 =	vperm.xlane v3, v2;
	v4 =	vadd.s32 v1, v4;
	_ =	sdelay $0x1  }
0x2c2: {  	v3 =	vadd.s32 v1, v3;
	_ =	sdelay $0x2  }
0x2c3: {  	[tilespmem:s17], [sflag:$0x1] =	stream.indirect_vreg.gather [hbm4b:s1+s3], $0x80, v4, vm0, $0xb8;
	[tilespmem:$0x8080] =	vst v63  }
0x2c4: {  	_ = 	snop  }
0x2c5: {  	[tilespmem:s18], [sflag:$0x1] =	stream.indirect_vreg.gather [hbm4b:s1+s3], $0x80, v3, vm0, $0xb8;
	[tilespmem:$0x8080] =	vst v63  }
0x2c6: {  	v3 =	vld [tilespmem:$0x20];
	_ =	sdelay $0x4  }
0x2c7: {  	v50 =	vshll.u32 v3, $0x1  }
0x2c8: {  	v3 =	vand.u32 $0x7, v3;
	v4 =	vand.u32 $0xFFFFFFF0, v50  }
0x2c9: {  	v3 =	vor.u32 v3, v4  }
0x2ca: {  	v4 =	vperm.xlane v3, v0;
	_ =	sdelay $0x1  }
0x2cb: {  	v3 =	vperm.xlane v3, v2;
	v4 =	vadd.s32 v1, v4;
	_ =	sdelay $0x1  }
0x2cc: {  	v3 =	vadd.s32 v1, v3;
	_ =	sdelay $0x2  }
0x2cd: {  	[tilespmem:s19], [sflag:$0x1] =	stream.indirect_vreg.gather [hbm4b:s1+s3], $0x80, v4, vm0, $0xb8;
	[tilespmem:$0x8080] =	vst v63  }
0x2ce: {  	_ = 	snop  }
0x2cf: {  	[tilespmem:s20], [sflag:$0x1] =	stream.indirect_vreg.gather [hbm4b:s1+s3], $0x80, v3, vm0, $0xb8;
	[tilespmem:$0x8080] =	vst v63  }
0x2d0: {  	v3 =	vld [tilespmem:$0x30];
	_ =	sdelay $0x4  }
0x2d1: {  	v51 =	vshll.u32 v3, $0x1  }
0x2d2: {  	v3 =	vand.u32 $0x7, v3;
	v4 =	vand.u32 $0xFFFFFFF0, v51  }
0x2d3: {  	v3 =	vor.u32 v3, v4  }
0x2d4: {  	v4 =	vperm.xlane v3, v0;
	_ =	sdelay $0x1  }
0x2d5: {  	v3 =	vperm.xlane v3, v2;
	v4 =	vadd.s32 v1, v4;
	_ =	sdelay $0x1  }
0x2d6: {  	v3 =	vadd.s32 v1, v3;
	_ =	sdelay $0x2  }
0x2d7: {  	[tilespmem:s21], [sflag:$0x1] =	stream.indirect_vreg.gather [hbm4b:s1+s3], $0x80, v4, vm0, $0xb8;
	[tilespmem:$0x8080] =	vst v63  }
0x2d8: {  	_ = 	snop  }
0x2d9: {  	[tilespmem:s22], [sflag:$0x1] =	stream.indirect_vreg.gather [hbm4b:s1+s3], $0x80, v3, vm0, $0xb8;
	[tilespmem:$0x8080] =	vst v63  }
0x2da: {  	v3 =	vld [tilespmem:$0x40];
	_ =	sdelay $0x4  }
0x2db: {  	v52 =	vshll.u32 v3, $0x1  }
0x2dc: {  	v3 =	vand.u32 $0x7, v3;
	v4 =	vand.u32 $0xFFFFFFF0, v52  }
0x2dd: {  	v3 =	vor.u32 v3, v4  }
0x2de: {  	v4 =	vperm.xlane v3, v0;
	_ =	sdelay $0x1  }
0x2df: {  	v3 =	vperm.xlane v3, v2;
	v4 =	vadd.s32 v1, v4;
	_ =	sdelay $0x1  }
0x2e0: {  	v3 =	vadd.s32 v1, v3;
	_ =	sdelay $0x2  }
0x2e1: {  	[tilespmem:s23], [sflag:$0x1] =	stream.indirect_vreg.gather [hbm4b:s1+s3], $0x80, v4, vm0, $0xb8;
	[tilespmem:$0x8080] =	vst v63  }
0x2e2: {  	_ = 	snop  }
0x2e3: {  	[tilespmem:s24], [sflag:$0x1] =	stream.indirect_vreg.gather [hbm4b:s1+s3], $0x80, v3, vm0, $0xb8;
	[tilespmem:$0x8080] =	vst v63  }
0x2e4: {  	v3 =	vld [tilespmem:$0x50];
	_ =	sdelay $0x4  }
0x2e5: {  	v53 =	vshll.u32 v3, $0x1  }
0x2e6: {  	v3 =	vand.u32 $0x7, v3;
	v4 =	vand.u32 $0xFFFFFFF0, v53  }
0x2e7: {  	v3 =	vor.u32 v3, v4  }
0x2e8: {  	v4 =	vperm.xlane v3, v0;
	_ =	sdelay $0x1  }
0x2e9: {  	v3 =	vperm.xlane v3, v2;
	v4 =	vadd.s32 v1, v4;
	_ =	sdelay $0x1  }
0x2ea: {  	v3 =	vadd.s32 v1, v3;
	_ =	sdelay $0x2  }
0x2eb: {  	[tilespmem:s25], [sflag:$0x1] =	stream.indirect_vreg.gather [hbm4b:s1+s3], $0x80, v4, vm0, $0xb8;
	[tilespmem:$0x8080] =	vst v63  }
0x2ec: {  	_ = 	snop  }
0x2ed: {  	[tilespmem:s26], [sflag:$0x1] =	stream.indirect_vreg.gather [hbm4b:s1+s3], $0x80, v3, vm0, $0xb8;
	[tilespmem:$0x8080] =	vst v63  }
0x2ee: {  	v3 =	vld [tilespmem:$0x60];
	_ =	sdelay $0x4  }
0x2ef: {  	v54 =	vshll.u32 v3, $0x1  }
0x2f0: {  	v3 =	vand.u32 $0x7, v3;
	v4 =	vand.u32 $0xFFFFFFF0, v54  }
0x2f1: {  	v3 =	vor.u32 v3, v4  }
0x2f2: {  	v4 =	vperm.xlane v3, v0;
	_ =	sdelay $0x1  }
0x2f3: {  	v3 =	vperm.xlane v3, v2;
	v4 =	vadd.s32 v1, v4;
	_ =	sdelay $0x1  }
0x2f4: {  	v3 =	vadd.s32 v1, v3;
	_ =	sdelay $0x2  }
0x2f5: {  	[tilespmem:s28], [sflag:$0x1] =	stream.indirect_vreg.gather [hbm4b:s1+s3], $0x80, v4, vm0, $0xb8;
	[tilespmem:$0x8080] =	vst v63  }
0x2f6: {  	_ = 	snop  }
0x2f7: {  	[tilespmem:s29], [sflag:$0x1] =	stream.indirect_vreg.gather [hbm4b:s1+s3], $0x80, v3, vm0, $0xb8;
	[tilespmem:$0x8080] =	vst v63  }
0x2f8: {  	v3 =	vld [tilespmem:$0x70];
	_ =	sdelay $0x4  }
0x2f9: {  	v55 =	vshll.u32 v3, $0x1  }
0x2fa: {  	v3 =	vand.u32 $0x7, v3;
	v4 =	vand.u32 $0xFFFFFFF0, v55  }
0x2fb: {  	v3 =	vor.u32 v3, v4  }
0x2fc: {  	v4 =	vperm.xlane v3, v0;
	_ =	sdelay $0x1  }
0x2fd: {  	v3 =	vperm.xlane v3, v2;
	v4 =	vadd.s32 v1, v4;
	_ =	sdelay $0x1  }
0x2fe: {  	v3 =	vadd.s32 v1, v3;
	_ =	sdelay $0x2  }
0x2ff: {  	[tilespmem:s30], [sflag:$0x1] =	stream.indirect_vreg.gather [hbm4b:s1+s3], $0x80, v4, vm0, $0xb8;
	[tilespmem:$0x8080] =	vst v63  }
0x300: {  	_ = 	snop  }
0x301: {  	[tilespmem:s31], [sflag:$0x1] =	stream.indirect_vreg.gather [hbm4b:s1+s3], $0x80, v3, vm0, $0xb8;
	[tilespmem:$0x8080] =	vst v63  }
0x302: {  	_ =	swait.ge [sflag:s0], $0x8000  }
0x303: {  	[sflag:s0] =	ssyncset.done $0x0  }
0x304: {  	s2 =	rddreg [dreg:$0x13];
	[sflag:s0] =	ssyncadd.s32 $0xFFFF8000  }
0x305: {  	[hbm4b:s2+s3] =	stream.linear.scatter [tilespmem:s15], [sflag:$0x2], $0x8000, $0x38;
	[tilespmem:$0x8080] =	vst v63  }
0x306: {  	_ =	swait.ge [sflag:s14], $0x8000  }
0x307: {  	[sflag:s14] =	ssyncset.done $0x0  }
0x308: {  	s2 =	rddreg [dreg:$0x14];
	[sflag:s14] =	ssyncadd.s32 $0xFFFF8000  }
0x309: {  	[tilespmem:s3], [sflag:$0x2] =	stream.linear.gather [hbm4b:s2+s3], $0x80, $0x38;
	[tilespmem:$0x8080] =	vst v63  }
0x30a: {  	_ =	swait.ge [sflag:s14], $0x80  }
0x30b: {  	[sflag:s14] =	ssyncset.done $0x0  }
0x30c: {  	[sflag:s14] =	ssyncadd.s32 $0xFFFFFF80  }
0x30d: {  	v3 =	vld [tilespmem:$0x0];
	_ =	sdelay $0x4  }
0x30e: {  	v56 =	vshll.u32 v3, $0x1  }
0x30f: {  	v3 =	vand.u32 $0x7, v3;
	v4 =	vand.u32 $0xFFFFFFF0, v56  }
0x310: {  	v3 =	vor.u32 v3, v4  }
0x311: {  	v4 =	vperm.xlane v3, v0;
	_ =	sdelay $0x1  }
0x312: {  	v3 =	vperm.xlane v3, v2;
	v4 =	vadd.s32 v1, v4;
	_ =	sdelay $0x1  }
0x313: {  	v3 =	vadd.s32 v1, v3;
	_ =	sdelay $0x2  }
0x314: {  	[tilespmem:s15], [sflag:$0x1] =	stream.indirect_vreg.gather [hbm4b:s1+s3], $0x80, v4, vm0, $0xb8;
	[tilespmem:$0x8080] =	vst v63  }
0x315: {  	_ = 	snop  }
0x316: {  	[tilespmem:s16], [sflag:$0x1] =	stream.indirect_vreg.gather [hbm4b:s1+s3], $0x80, v3, vm0, $0xb8;
	[tilespmem:$0x8080] =	vst v63  }
0x317: {  	v3 =	vld [tilespmem:$0x10];
	_ =	sdelay $0x4  }
0x318: {  	v57 =	vshll.u32 v3, $0x1  }
0x319: {  	v3 =	vand.u32 $0x7, v3;
	v4 =	vand.u32 $0xFFFFFFF0, v57  }
0x31a: {  	v3 =	vor.u32 v3, v4  }
0x31b: {  	v4 =	vperm.xlane v3, v0;
	_ =	sdelay $0x1  }
0x31c: {  	v3 =	vperm.xlane v3, v2;
	v4 =	vadd.s32 v1, v4;
	_ =	sdelay $0x1  }
0x31d: {  	v3 =	vadd.s32 v1, v3;
	_ =	sdelay $0x2  }
0x31e: {  	[tilespmem:s17], [sflag:$0x1] =	stream.indirect_vreg.gather [hbm4b:s1+s3], $0x80, v4, vm0, $0xb8;
	[tilespmem:$0x8080] =	vst v63  }
0x31f: {  	_ = 	snop  }
0x320: {  	[tilespmem:s18], [sflag:$0x1] =	stream.indirect_vreg.gather [hbm4b:s1+s3], $0x80, v3, vm0, $0xb8;
	[tilespmem:$0x8080] =	vst v63  }
0x321: {  	v3 =	vld [tilespmem:$0x20];
	_ =	sdelay $0x4  }
0x322: {  	v58 =	vshll.u32 v3, $0x1  }
0x323: {  	v3 =	vand.u32 $0x7, v3;
	v4 =	vand.u32 $0xFFFFFFF0, v58  }
0x324: {  	v3 =	vor.u32 v3, v4  }
0x325: {  	v4 =	vperm.xlane v3, v0;
	_ =	sdelay $0x1  }
0x326: {  	v3 =	vperm.xlane v3, v2;
	v4 =	vadd.s32 v1, v4;
	_ =	sdelay $0x1  }
0x327: {  	v3 =	vadd.s32 v1, v3;
	_ =	sdelay $0x2  }
0x328: {  	[tilespmem:s19], [sflag:$0x1] =	stream.indirect_vreg.gather [hbm4b:s1+s3], $0x80, v4, vm0, $0xb8;
	[tilespmem:$0x8080] =	vst v63  }
0x329: {  	_ = 	snop  }
0x32a: {  	[tilespmem:s20], [sflag:$0x1] =	stream.indirect_vreg.gather [hbm4b:s1+s3], $0x80, v3, vm0, $0xb8;
	[tilespmem:$0x8080] =	vst v63  }
0x32b: {  	v3 =	vld [tilespmem:$0x30];
	_ =	sdelay $0x4  }
0x32c: {  	v59 =	vshll.u32 v3, $0x1  }
0x32d: {  	v3 =	vand.u32 $0x7, v3;
	v4 =	vand.u32 $0xFFFFFFF0, v59  }
0x32e: {  	v3 =	vor.u32 v3, v4  }
0x32f: {  	v4 =	vperm.xlane v3, v0;
	_ =	sdelay $0x1  }
0x330: {  	v3 =	vperm.xlane v3, v2;
	v4 =	vadd.s32 v1, v4;
	_ =	sdelay $0x1  }
0x331: {  	v3 =	vadd.s32 v1, v3;
	_ =	sdelay $0x2  }
0x332: {  	[tilespmem:s21], [sflag:$0x1] =	stream.indirect_vreg.gather [hbm4b:s1+s3], $0x80, v4, vm0, $0xb8;
	[tilespmem:$0x8080] =	vst v63  }
0x333: {  	_ = 	snop  }
0x334: {  	[tilespmem:s22], [sflag:$0x1] =	stream.indirect_vreg.gather [hbm4b:s1+s3], $0x80, v3, vm0, $0xb8;
	[tilespmem:$0x8080] =	vst v63  }
0x335: {  	v3 =	vld [tilespmem:$0x40];
	_ =	sdelay $0x4  }
0x336: {  	v60 =	vshll.u32 v3, $0x1  }
0x337: {  	v3 =	vand.u32 $0x7, v3;
	v4 =	vand.u32 $0xFFFFFFF0, v60  }
0x338: {  	v3 =	vor.u32 v3, v4  }
0x339: {  	v4 =	vperm.xlane v3, v0;
	_ =	sdelay $0x1  }
0x33a: {  	v3 =	vperm.xlane v3, v2;
	v4 =	vadd.s32 v1, v4;
	_ =	sdelay $0x1  }
0x33b: {  	v3 =	vadd.s32 v1, v3;
	_ =	sdelay $0x2  }
0x33c: {  	[tilespmem:s23], [sflag:$0x1] =	stream.indirect_vreg.gather [hbm4b:s1+s3], $0x80, v4, vm0, $0xb8;
	[tilespmem:$0x8080] =	vst v63  }
0x33d: {  	_ = 	snop  }
0x33e: {  	[tilespmem:s24], [sflag:$0x1] =	stream.indirect_vreg.gather [hbm4b:s1+s3], $0x80, v3, vm0, $0xb8;
	[tilespmem:$0x8080] =	vst v63  }
0x33f: {  	v3 =	vld [tilespmem:$0x50];
	_ =	sdelay $0x4  }
0x340: {  	v61 =	vshll.u32 v3, $0x1  }
0x341: {  	v3 =	vand.u32 $0x7, v3;
	v4 =	vand.u32 $0xFFFFFFF0, v61  }
0x342: {  	v3 =	vor.u32 v3, v4  }
0x343: {  	v4 =	vperm.xlane v3, v0;
	_ =	sdelay $0x1  }
0x344: {  	v3 =	vperm.xlane v3, v2;
	v4 =	vadd.s32 v1, v4;
	_ =	sdelay $0x1  }
0x345: {  	v3 =	vadd.s32 v1, v3;
	_ =	sdelay $0x2  }
0x346: {  	[tilespmem:s25], [sflag:$0x1] =	stream.indirect_vreg.gather [hbm4b:s1+s3], $0x80, v4, vm0, $0xb8;
	[tilespmem:$0x8080] =	vst v63  }
0x347: {  	_ = 	snop  }
0x348: {  	[tilespmem:s26], [sflag:$0x1] =	stream.indirect_vreg.gather [hbm4b:s1+s3], $0x80, v3, vm0, $0xb8;
	[tilespmem:$0x8080] =	vst v63  }
0x349: {  	v3 =	vld [tilespmem:$0x60];
	_ =	sdelay $0x4  }
0x34a: {  	v62 =	vshll.u32 v3, $0x1  }
0x34b: {  	v3 =	vand.u32 $0x7, v3;
	v4 =	vand.u32 $0xFFFFFFF0, v62  }
0x34c: {  	v3 =	vor.u32 v3, v4  }
0x34d: {  	v4 =	vperm.xlane v3, v0;
	_ =	sdelay $0x1  }
0x34e: {  	v3 =	vperm.xlane v3, v2;
	v4 =	vadd.s32 v1, v4;
	_ =	sdelay $0x1  }
0x34f: {  	v3 =	vadd.s32 v1, v3;
	_ =	sdelay $0x2  }
0x350: {  	[tilespmem:s28], [sflag:$0x1] =	stream.indirect_vreg.gather [hbm4b:s1+s3], $0x80, v4, vm0, $0xb8;
	[tilespmem:$0x8080] =	vst v63  }
0x351: {  	_ = 	snop  }
0x352: {  	[tilespmem:s29], [sflag:$0x1] =	stream.indirect_vreg.gather [hbm4b:s1+s3], $0x80, v3, vm0, $0xb8;
	[tilespmem:$0x8080] =	vst v63  }
0x353: {  	v3 =	vld [tilespmem:$0x70];
	_ =	sdelay $0x4  }
0x354: {  	v63 =	vshll.u32 v3, $0x1  }
0x355: {  	v3 =	vand.u32 $0x7, v3;
	v4 =	vand.u32 $0xFFFFFFF0, v63  }
0x356: {  	v3 =	vor.u32 v3, v4  }
0x357: {  	v4 =	vperm.xlane v3, v0;
	_ =	sdelay $0x1  }
0x358: {  	v3 =	vperm.xlane v3, v2;
	v4 =	vadd.s32 v1, v4;
	_ =	sdelay $0x1  }
0x359: {  	v3 =	vadd.s32 v1, v3;
	_ =	sdelay $0x2  }
0x35a: {  	[tilespmem:s30], [sflag:$0x1] =	stream.indirect_vreg.gather [hbm4b:s1+s3], $0x80, v4, vm0, $0xb8;
	[tilespmem:$0x8080] =	vst v63  }
0x35b: {  	_ = 	snop  }
0x35c: {  	[tilespmem:s31], [sflag:$0x1] =	stream.indirect_vreg.gather [hbm4b:s1+s3], $0x80, v3, vm0, $0xb8;
	[tilespmem:$0x8080] =	vst v63  }
0x35d: {  	_ =	swait.ge [sflag:s0], $0x8000  }
0x35e: {  	[sflag:s0] =	ssyncset.done $0x0  }
0x35f: {  	s2 =	rddreg [dreg:$0x15];
	[sflag:s0] =	ssyncadd.s32 $0xFFFF8000  }
0x360: {  	[hbm4b:s2+s3] =	stream.linear.scatter [tilespmem:s15], [sflag:$0x2], $0x8000, $0x38;
	[tilespmem:$0x8080] =	vst v63  }
0x361: {  	_ =	swait.ge [sflag:s14], $0x8000  }
0x362: {  	[sflag:s14] =	ssyncset.done $0x0  }
0x363: {  	s2 =	rddreg [dreg:$0x16];
	[sflag:s14] =	ssyncadd.s32 $0xFFFF8000  }
0x364: {  	[tilespmem:s3], [sflag:$0x2] =	stream.linear.gather [hbm4b:s2+s3], $0x80, $0x38;
	[tilespmem:$0x8080] =	vst v63  }
0x365: {  	_ =	swait.ge [sflag:s14], $0x80  }
0x366: {  	[sflag:s14] =	ssyncset.done $0x0  }
0x367: {  	[sflag:s14] =	ssyncadd.s32 $0xFFFFFF80  }
0x368: {  	v3 =	vld [tilespmem:$0x0];
	_ =	sdelay $0x4  }
0x369: {  	v8 =	vshll.u32 v3, $0x1  }
0x36a: {  	v3 =	vand.u32 $0x7, v3;
	v4 =	vand.u32 $0xFFFFFFF0, v8  }
0x36b: {  	v3 =	vor.u32 v3, v4  }
0x36c: {  	v4 =	vperm.xlane v3, v0;
	_ =	sdelay $0x1  }
0x36d: {  	v3 =	vperm.xlane v3, v2;
	v4 =	vadd.s32 v1, v4;
	_ =	sdelay $0x1  }
0x36e: {  	v3 =	vadd.s32 v1, v3;
	_ =	sdelay $0x2  }
0x36f: {  	[tilespmem:s15], [sflag:$0x1] =	stream.indirect_vreg.gather [hbm4b:s1+s3], $0x80, v4, vm0, $0xb8;
	[tilespmem:$0x8080] =	vst v63  }
0x370: {  	_ = 	snop  }
0x371: {  	[tilespmem:s16], [sflag:$0x1] =	stream.indirect_vreg.gather [hbm4b:s1+s3], $0x80, v3, vm0, $0xb8;
	[tilespmem:$0x8080] =	vst v63  }
0x372: {  	v3 =	vld [tilespmem:$0x10];
	_ =	sdelay $0x4  }
0x373: {  	v9 =	vshll.u32 v3, $0x1  }
0x374: {  	v3 =	vand.u32 $0x7, v3;
	v4 =	vand.u32 $0xFFFFFFF0, v9  }
0x375: {  	v3 =	vor.u32 v3, v4  }
0x376: {  	v4 =	vperm.xlane v3, v0;
	_ =	sdelay $0x1  }
0x377: {  	v3 =	vperm.xlane v3, v2;
	v4 =	vadd.s32 v1, v4;
	_ =	sdelay $0x1  }
0x378: {  	v3 =	vadd.s32 v1, v3;
	_ =	sdelay $0x2  }
0x379: {  	[tilespmem:s17], [sflag:$0x1] =	stream.indirect_vreg.gather [hbm4b:s1+s3], $0x80, v4, vm0, $0xb8;
	[tilespmem:$0x8080] =	vst v63  }
0x37a: {  	_ = 	snop  }
0x37b: {  	[tilespmem:s18], [sflag:$0x1] =	stream.indirect_vreg.gather [hbm4b:s1+s3], $0x80, v3, vm0, $0xb8;
	[tilespmem:$0x8080] =	vst v63  }
0x37c: {  	v3 =	vld [tilespmem:$0x20];
	_ =	sdelay $0x4  }
0x37d: {  	v10 =	vshll.u32 v3, $0x1  }
0x37e: {  	v3 =	vand.u32 $0x7, v3;
	v4 =	vand.u32 $0xFFFFFFF0, v10  }
0x37f: {  	v3 =	vor.u32 v3, v4  }
0x380: {  	v4 =	vperm.xlane v3, v0;
	_ =	sdelay $0x1  }
0x381: {  	v3 =	vperm.xlane v3, v2;
	v4 =	vadd.s32 v1, v4;
	_ =	sdelay $0x1  }
0x382: {  	v3 =	vadd.s32 v1, v3;
	_ =	sdelay $0x2  }
0x383: {  	[tilespmem:s19], [sflag:$0x1] =	stream.indirect_vreg.gather [hbm4b:s1+s3], $0x80, v4, vm0, $0xb8;
	[tilespmem:$0x8080] =	vst v63  }
0x384: {  	_ = 	snop  }
0x385: {  	[tilespmem:s20], [sflag:$0x1] =	stream.indirect_vreg.gather [hbm4b:s1+s3], $0x80, v3, vm0, $0xb8;
	[tilespmem:$0x8080] =	vst v63  }
0x386: {  	v3 =	vld [tilespmem:$0x30];
	_ =	sdelay $0x4  }
0x387: {  	v11 =	vshll.u32 v3, $0x1  }
0x388: {  	v3 =	vand.u32 $0x7, v3;
	v4 =	vand.u32 $0xFFFFFFF0, v11  }
0x389: {  	v3 =	vor.u32 v3, v4  }
0x38a: {  	v4 =	vperm.xlane v3, v0;
	_ =	sdelay $0x1  }
0x38b: {  	v3 =	vperm.xlane v3, v2;
	v4 =	vadd.s32 v1, v4;
	_ =	sdelay $0x1  }
0x38c: {  	v3 =	vadd.s32 v1, v3;
	_ =	sdelay $0x2  }
0x38d: {  	[tilespmem:s21], [sflag:$0x1] =	stream.indirect_vreg.gather [hbm4b:s1+s3], $0x80, v4, vm0, $0xb8;
	[tilespmem:$0x8080] =	vst v63  }
0x38e: {  	_ = 	snop  }
0x38f: {  	[tilespmem:s22], [sflag:$0x1] =	stream.indirect_vreg.gather [hbm4b:s1+s3], $0x80, v3, vm0, $0xb8;
	[tilespmem:$0x8080] =	vst v63  }
0x390: {  	v3 =	vld [tilespmem:$0x40];
	_ =	sdelay $0x4  }
0x391: {  	v12 =	vshll.u32 v3, $0x1  }
0x392: {  	v3 =	vand.u32 $0x7, v3;
	v4 =	vand.u32 $0xFFFFFFF0, v12  }
0x393: {  	v3 =	vor.u32 v3, v4  }
0x394: {  	v4 =	vperm.xlane v3, v0;
	_ =	sdelay $0x1  }
0x395: {  	v3 =	vperm.xlane v3, v2;
	v4 =	vadd.s32 v1, v4;
	_ =	sdelay $0x1  }
0x396: {  	v3 =	vadd.s32 v1, v3;
	_ =	sdelay $0x2  }
0x397: {  	[tilespmem:s23], [sflag:$0x1] =	stream.indirect_vreg.gather [hbm4b:s1+s3], $0x80, v4, vm0, $0xb8;
	[tilespmem:$0x8080] =	vst v63  }
0x398: {  	_ = 	snop  }
0x399: {  	[tilespmem:s24], [sflag:$0x1] =	stream.indirect_vreg.gather [hbm4b:s1+s3], $0x80, v3, vm0, $0xb8;
	[tilespmem:$0x8080] =	vst v63  }
0x39a: {  	v3 =	vld [tilespmem:$0x50];
	_ =	sdelay $0x4  }
0x39b: {  	v13 =	vshll.u32 v3, $0x1  }
0x39c: {  	v3 =	vand.u32 $0x7, v3;
	v4 =	vand.u32 $0xFFFFFFF0, v13  }
0x39d: {  	v3 =	vor.u32 v3, v4  }
0x39e: {  	v4 =	vperm.xlane v3, v0;
	_ =	sdelay $0x1  }
0x39f: {  	v3 =	vperm.xlane v3, v2;
	v4 =	vadd.s32 v1, v4;
	_ =	sdelay $0x1  }
0x3a0: {  	v3 =	vadd.s32 v1, v3;
	_ =	sdelay $0x2  }
0x3a1: {  	[tilespmem:s25], [sflag:$0x1] =	stream.indirect_vreg.gather [hbm4b:s1+s3], $0x80, v4, vm0, $0xb8;
	[tilespmem:$0x8080] =	vst v63  }
0x3a2: {  	_ = 	snop  }
0x3a3: {  	[tilespmem:s26], [sflag:$0x1] =	stream.indirect_vreg.gather [hbm4b:s1+s3], $0x80, v3, vm0, $0xb8;
	[tilespmem:$0x8080] =	vst v63  }
0x3a4: {  	v3 =	vld [tilespmem:$0x60];
	_ =	sdelay $0x4  }
0x3a5: {  	v14 =	vshll.u32 v3, $0x1  }
0x3a6: {  	v3 =	vand.u32 $0x7, v3;
	v4 =	vand.u32 $0xFFFFFFF0, v14  }
0x3a7: {  	v3 =	vor.u32 v3, v4  }
0x3a8: {  	v4 =	vperm.xlane v3, v0;
	_ =	sdelay $0x1  }
0x3a9: {  	v3 =	vperm.xlane v3, v2;
	v4 =	vadd.s32 v1, v4;
	_ =	sdelay $0x1  }
0x3aa: {  	v3 =	vadd.s32 v1, v3;
	_ =	sdelay $0x2  }
0x3ab: {  	[tilespmem:s28], [sflag:$0x1] =	stream.indirect_vreg.gather [hbm4b:s1+s3], $0x80, v4, vm0, $0xb8;
	[tilespmem:$0x8080] =	vst v63  }
0x3ac: {  	_ = 	snop  }
0x3ad: {  	[tilespmem:s29], [sflag:$0x1] =	stream.indirect_vreg.gather [hbm4b:s1+s3], $0x80, v3, vm0, $0xb8;
	[tilespmem:$0x8080] =	vst v63  }
0x3ae: {  	v3 =	vld [tilespmem:$0x70];
	_ =	sdelay $0x4  }
0x3af: {  	v15 =	vshll.u32 v3, $0x1  }
0x3b0: {  	v3 =	vand.u32 $0x7, v3;
	v4 =	vand.u32 $0xFFFFFFF0, v15  }
0x3b1: {  	v3 =	vor.u32 v3, v4  }
0x3b2: {  	v4 =	vperm.xlane v3, v0;
	_ =	sdelay $0x1  }
0x3b3: {  	v3 =	vperm.xlane v3, v2;
	v4 =	vadd.s32 v1, v4;
	_ =	sdelay $0x1  }
0x3b4: {  	v3 =	vadd.s32 v1, v3;
	_ =	sdelay $0x2  }
0x3b5: {  	[tilespmem:s30], [sflag:$0x1] =	stream.indirect_vreg.gather [hbm4b:s1+s3], $0x80, v4, vm0, $0xb8;
	[tilespmem:$0x8080] =	vst v63  }
0x3b6: {  	_ = 	snop  }
0x3b7: {  	[tilespmem:s31], [sflag:$0x1] =	stream.indirect_vreg.gather [hbm4b:s1+s3], $0x80, v3, vm0, $0xb8;
	[tilespmem:$0x8080] =	vst v63  }
0x3b8: {  	_ =	swait.ge [sflag:s0], $0x8000  }
0x3b9: {  	[sflag:s0] =	ssyncset.done $0x0  }
0x3ba: {  	s2 =	rddreg [dreg:$0x17];
	[sflag:s0] =	ssyncadd.s32 $0xFFFF8000  }
0x3bb: {  	[hbm4b:s2+s3] =	stream.linear.scatter [tilespmem:s15], [sflag:$0x2], $0x8000, $0x38;
	[tilespmem:$0x8080] =	vst v63  }
0x3bc: {  	_ =	swait.ge [sflag:s14], $0x8000  }
0x3bd: {  	[sflag:s14] =	ssyncset.done $0x0  }
0x3be: {  	s2 =	rddreg [dreg:$0x18];
	[sflag:s14] =	ssyncadd.s32 $0xFFFF8000  }
0x3bf: {  	[tilespmem:s3], [sflag:$0x2] =	stream.linear.gather [hbm4b:s2+s3], $0x80, $0x38;
	[tilespmem:$0x8080] =	vst v63  }
0x3c0: {  	_ =	swait.ge [sflag:s14], $0x80  }
0x3c1: {  	[sflag:s14] =	ssyncset.done $0x0  }
0x3c2: {  	[sflag:s14] =	ssyncadd.s32 $0xFFFFFF80  }
0x3c3: {  	v3 =	vld [tilespmem:$0x0];
	_ =	sdelay $0x4  }
0x3c4: {  	v16 =	vshll.u32 v3, $0x1  }
0x3c5: {  	v3 =	vand.u32 $0x7, v3;
	v4 =	vand.u32 $0xFFFFFFF0, v16  }
0x3c6: {  	v3 =	vor.u32 v3, v4  }
0x3c7: {  	v4 =	vperm.xlane v3, v0;
	_ =	sdelay $0x1  }
0x3c8: {  	v3 =	vperm.xlane v3, v2;
	v4 =	vadd.s32 v1, v4;
	_ =	sdelay $0x1  }
0x3c9: {  	v3 =	vadd.s32 v1, v3;
	_ =	sdelay $0x2  }
0x3ca: {  	[tilespmem:s15], [sflag:$0x1] =	stream.indirect_vreg.gather [hbm4b:s1+s3], $0x80, v4, vm0, $0xb8;
	[tilespmem:$0x8080] =	vst v63  }
0x3cb: {  	_ = 	snop  }
0x3cc: {  	[tilespmem:s16], [sflag:$0x1] =	stream.indirect_vreg.gather [hbm4b:s1+s3], $0x80, v3, vm0, $0xb8;
	[tilespmem:$0x8080] =	vst v63  }
0x3cd: {  	v3 =	vld [tilespmem:$0x10];
	_ =	sdelay $0x4  }
0x3ce: {  	v17 =	vshll.u32 v3, $0x1  }
0x3cf: {  	v3 =	vand.u32 $0x7, v3;
	v4 =	vand.u32 $0xFFFFFFF0, v17  }
0x3d0: {  	v3 =	vor.u32 v3, v4  }
0x3d1: {  	v4 =	vperm.xlane v3, v0;
	_ =	sdelay $0x1  }
0x3d2: {  	v3 =	vperm.xlane v3, v2;
	v4 =	vadd.s32 v1, v4;
	_ =	sdelay $0x1  }
0x3d3: {  	v3 =	vadd.s32 v1, v3;
	_ =	sdelay $0x2  }
0x3d4: {  	[tilespmem:s17], [sflag:$0x1] =	stream.indirect_vreg.gather [hbm4b:s1+s3], $0x80, v4, vm0, $0xb8;
	[tilespmem:$0x8080] =	vst v63  }
0x3d5: {  	_ = 	snop  }
0x3d6: {  	[tilespmem:s18], [sflag:$0x1] =	stream.indirect_vreg.gather [hbm4b:s1+s3], $0x80, v3, vm0, $0xb8;
	[tilespmem:$0x8080] =	vst v63  }
0x3d7: {  	v3 =	vld [tilespmem:$0x20];
	_ =	sdelay $0x4  }
0x3d8: {  	v18 =	vshll.u32 v3, $0x1  }
0x3d9: {  	v3 =	vand.u32 $0x7, v3;
	v4 =	vand.u32 $0xFFFFFFF0, v18  }
0x3da: {  	v3 =	vor.u32 v3, v4  }
0x3db: {  	v4 =	vperm.xlane v3, v0;
	_ =	sdelay $0x1  }
0x3dc: {  	v3 =	vperm.xlane v3, v2;
	v4 =	vadd.s32 v1, v4;
	_ =	sdelay $0x1  }
0x3dd: {  	v3 =	vadd.s32 v1, v3;
	_ =	sdelay $0x2  }
0x3de: {  	[tilespmem:s19], [sflag:$0x1] =	stream.indirect_vreg.gather [hbm4b:s1+s3], $0x80, v4, vm0, $0xb8;
	[tilespmem:$0x8080] =	vst v63  }
0x3df: {  	_ = 	snop  }
0x3e0: {  	[tilespmem:s20], [sflag:$0x1] =	stream.indirect_vreg.gather [hbm4b:s1+s3], $0x80, v3, vm0, $0xb8;
	[tilespmem:$0x8080] =	vst v63  }
0x3e1: {  	v3 =	vld [tilespmem:$0x30];
	_ =	sdelay $0x4  }
0x3e2: {  	v19 =	vshll.u32 v3, $0x1  }
0x3e3: {  	v3 =	vand.u32 $0x7, v3;
	v4 =	vand.u32 $0xFFFFFFF0, v19  }
0x3e4: {  	v3 =	vor.u32 v3, v4  }
0x3e5: {  	v4 =	vperm.xlane v3, v0;
	_ =	sdelay $0x1  }
0x3e6: {  	v3 =	vperm.xlane v3, v2;
	v4 =	vadd.s32 v1, v4;
	_ =	sdelay $0x1  }
0x3e7: {  	v3 =	vadd.s32 v1, v3;
	_ =	sdelay $0x2  }
0x3e8: {  	[tilespmem:s21], [sflag:$0x1] =	stream.indirect_vreg.gather [hbm4b:s1+s3], $0x80, v4, vm0, $0xb8;
	[tilespmem:$0x8080] =	vst v63  }
0x3e9: {  	_ = 	snop  }
0x3ea: {  	[tilespmem:s22], [sflag:$0x1] =	stream.indirect_vreg.gather [hbm4b:s1+s3], $0x80, v3, vm0, $0xb8;
	[tilespmem:$0x8080] =	vst v63  }
0x3eb: {  	v3 =	vld [tilespmem:$0x40];
	_ =	sdelay $0x4  }
0x3ec: {  	v20 =	vshll.u32 v3, $0x1  }
0x3ed: {  	v3 =	vand.u32 $0x7, v3;
	v4 =	vand.u32 $0xFFFFFFF0, v20  }
0x3ee: {  	v3 =	vor.u32 v3, v4  }
0x3ef: {  	v4 =	vperm.xlane v3, v0;
	_ =	sdelay $0x1  }
0x3f0: {  	v3 =	vperm.xlane v3, v2;
	v4 =	vadd.s32 v1, v4;
	_ =	sdelay $0x1  }
0x3f1: {  	v3 =	vadd.s32 v1, v3;
	_ =	sdelay $0x2  }
0x3f2: {  	[tilespmem:s23], [sflag:$0x1] =	stream.indirect_vreg.gather [hbm4b:s1+s3], $0x80, v4, vm0, $0xb8;
	[tilespmem:$0x8080] =	vst v63  }
0x3f3: {  	_ = 	snop  }
0x3f4: {  	[tilespmem:s24], [sflag:$0x1] =	stream.indirect_vreg.gather [hbm4b:s1+s3], $0x80, v3, vm0, $0xb8;
	[tilespmem:$0x8080] =	vst v63  }
0x3f5: {  	v3 =	vld [tilespmem:$0x50];
	_ =	sdelay $0x4  }
0x3f6: {  	v21 =	vshll.u32 v3, $0x1  }
0x3f7: {  	v3 =	vand.u32 $0x7, v3;
	v4 =	vand.u32 $0xFFFFFFF0, v21  }
0x3f8: {  	v3 =	vor.u32 v3, v4  }
0x3f9: {  	v4 =	vperm.xlane v3, v0;
	_ =	sdelay $0x1  }
0x3fa: {  	v3 =	vperm.xlane v3, v2;
	v4 =	vadd.s32 v1, v4;
	_ =	sdelay $0x1  }
0x3fb: {  	v3 =	vadd.s32 v1, v3;
	_ =	sdelay $0x2  }
0x3fc: {  	[tilespmem:s25], [sflag:$0x1] =	stream.indirect_vreg.gather [hbm4b:s1+s3], $0x80, v4, vm0, $0xb8;
	[tilespmem:$0x8080] =	vst v63  }
0x3fd: {  	_ = 	snop  }
0x3fe: {  	[tilespmem:s26], [sflag:$0x1] =	stream.indirect_vreg.gather [hbm4b:s1+s3], $0x80, v3, vm0, $0xb8;
	[tilespmem:$0x8080] =	vst v63  }
0x3ff: {  	v3 =	vld [tilespmem:$0x60];
	_ =	sdelay $0x4  }
0x400: {  	v22 =	vshll.u32 v3, $0x1  }
0x401: {  	v3 =	vand.u32 $0x7, v3;
	v4 =	vand.u32 $0xFFFFFFF0, v22  }
0x402: {  	v3 =	vor.u32 v3, v4  }
0x403: {  	v4 =	vperm.xlane v3, v0;
	_ =	sdelay $0x1  }
0x404: {  	v3 =	vperm.xlane v3, v2;
	v4 =	vadd.s32 v1, v4;
	_ =	sdelay $0x1  }
0x405: {  	v3 =	vadd.s32 v1, v3;
	_ =	sdelay $0x2  }
0x406: {  	[tilespmem:s28], [sflag:$0x1] =	stream.indirect_vreg.gather [hbm4b:s1+s3], $0x80, v4, vm0, $0xb8;
	[tilespmem:$0x8080] =	vst v63  }
0x407: {  	_ = 	snop  }
0x408: {  	[tilespmem:s29], [sflag:$0x1] =	stream.indirect_vreg.gather [hbm4b:s1+s3], $0x80, v3, vm0, $0xb8;
	[tilespmem:$0x8080] =	vst v63  }
0x409: {  	v3 =	vld [tilespmem:$0x70];
	_ =	sdelay $0x4  }
0x40a: {  	v23 =	vshll.u32 v3, $0x1  }
0x40b: {  	v3 =	vand.u32 $0x7, v3;
	v4 =	vand.u32 $0xFFFFFFF0, v23  }
0x40c: {  	v3 =	vor.u32 v3, v4  }
0x40d: {  	v4 =	vperm.xlane v3, v0;
	_ =	sdelay $0x1  }
0x40e: {  	v3 =	vperm.xlane v3, v2;
	v4 =	vadd.s32 v1, v4;
	_ =	sdelay $0x1  }
0x40f: {  	v3 =	vadd.s32 v1, v3;
	_ =	sdelay $0x2  }
0x410: {  	[tilespmem:s30], [sflag:$0x1] =	stream.indirect_vreg.gather [hbm4b:s1+s3], $0x80, v4, vm0, $0xb8;
	[tilespmem:$0x8080] =	vst v63  }
0x411: {  	_ = 	snop  }
0x412: {  	[tilespmem:s31], [sflag:$0x1] =	stream.indirect_vreg.gather [hbm4b:s1+s3], $0x80, v3, vm0, $0xb8;
	[tilespmem:$0x8080] =	vst v63  }
0x413: {  	_ =	swait.ge [sflag:s0], $0x8000  }
0x414: {  	[sflag:s0] =	ssyncset.done $0x0  }
0x415: {  	s2 =	rddreg [dreg:$0x19];
	[sflag:s0] =	ssyncadd.s32 $0xFFFF8000  }
0x416: {  	[hbm4b:s2+s3] =	stream.linear.scatter [tilespmem:s15], [sflag:$0x2], $0x8000, $0x38;
	[tilespmem:$0x8080] =	vst v63  }
0x417: {  	_ =	swait.ge [sflag:s14], $0x8000  }
0x418: {  	[sflag:s14] =	ssyncset.done $0x0  }
0x419: {  	s2 =	rddreg [dreg:$0x1a];
	[sflag:s14] =	ssyncadd.s32 $0xFFFF8000  }
0x41a: {  	[tilespmem:s3], [sflag:$0x2] =	stream.linear.gather [hbm4b:s2+s3], $0x80, $0x38;
	[tilespmem:$0x8080] =	vst v63  }
0x41b: {  	_ =	swait.ge [sflag:s14], $0x80  }
0x41c: {  	[sflag:s14] =	ssyncset.done $0x0  }
0x41d: {  	[sflag:s14] =	ssyncadd.s32 $0xFFFFFF80  }
0x41e: {  	v3 =	vld [tilespmem:$0x0];
	_ =	sdelay $0x4  }
0x41f: {  	v24 =	vshll.u32 v3, $0x1  }
0x420: {  	v3 =	vand.u32 $0x7, v3;
	v4 =	vand.u32 $0xFFFFFFF0, v24  }
0x421: {  	v3 =	vor.u32 v3, v4  }
0x422: {  	v4 =	vperm.xlane v3, v0;
	_ =	sdelay $0x1  }
0x423: {  	v3 =	vperm.xlane v3, v2;
	v4 =	vadd.s32 v1, v4;
	_ =	sdelay $0x1  }
0x424: {  	v3 =	vadd.s32 v1, v3;
	_ =	sdelay $0x2  }
0x425: {  	[tilespmem:s15], [sflag:$0x1] =	stream.indirect_vreg.gather [hbm4b:s1+s3], $0x80, v4, vm0, $0xb8;
	[tilespmem:$0x8080] =	vst v63  }
0x426: {  	_ = 	snop  }
0x427: {  	[tilespmem:s16], [sflag:$0x1] =	stream.indirect_vreg.gather [hbm4b:s1+s3], $0x80, v3, vm0, $0xb8;
	[tilespmem:$0x8080] =	vst v63  }
0x428: {  	v3 =	vld [tilespmem:$0x10];
	_ =	sdelay $0x4  }
0x429: {  	v25 =	vshll.u32 v3, $0x1  }
0x42a: {  	v3 =	vand.u32 $0x7, v3;
	v4 =	vand.u32 $0xFFFFFFF0, v25  }
0x42b: {  	v3 =	vor.u32 v3, v4  }
0x42c: {  	v4 =	vperm.xlane v3, v0;
	_ =	sdelay $0x1  }
0x42d: {  	v3 =	vperm.xlane v3, v2;
	v4 =	vadd.s32 v1, v4;
	_ =	sdelay $0x1  }
0x42e: {  	v3 =	vadd.s32 v1, v3;
	_ =	sdelay $0x2  }
0x42f: {  	[tilespmem:s17], [sflag:$0x1] =	stream.indirect_vreg.gather [hbm4b:s1+s3], $0x80, v4, vm0, $0xb8;
	[tilespmem:$0x8080] =	vst v63  }
0x430: {  	_ = 	snop  }
0x431: {  	[tilespmem:s18], [sflag:$0x1] =	stream.indirect_vreg.gather [hbm4b:s1+s3], $0x80, v3, vm0, $0xb8;
	[tilespmem:$0x8080] =	vst v63  }
0x432: {  	v3 =	vld [tilespmem:$0x20];
	_ =	sdelay $0x4  }
0x433: {  	v26 =	vshll.u32 v3, $0x1  }
0x434: {  	v3 =	vand.u32 $0x7, v3;
	v4 =	vand.u32 $0xFFFFFFF0, v26  }
0x435: {  	v3 =	vor.u32 v3, v4  }
0x436: {  	v4 =	vperm.xlane v3, v0;
	_ =	sdelay $0x1  }
0x437: {  	v3 =	vperm.xlane v3, v2;
	v4 =	vadd.s32 v1, v4;
	_ =	sdelay $0x1  }
0x438: {  	v3 =	vadd.s32 v1, v3;
	_ =	sdelay $0x2  }
0x439: {  	[tilespmem:s19], [sflag:$0x1] =	stream.indirect_vreg.gather [hbm4b:s1+s3], $0x80, v4, vm0, $0xb8;
	[tilespmem:$0x8080] =	vst v63  }
0x43a: {  	_ = 	snop  }
0x43b: {  	[tilespmem:s20], [sflag:$0x1] =	stream.indirect_vreg.gather [hbm4b:s1+s3], $0x80, v3, vm0, $0xb8;
	[tilespmem:$0x8080] =	vst v63  }
0x43c: {  	v3 =	vld [tilespmem:$0x30];
	_ =	sdelay $0x4  }
0x43d: {  	v27 =	vshll.u32 v3, $0x1  }
0x43e: {  	v3 =	vand.u32 $0x7, v3;
	v4 =	vand.u32 $0xFFFFFFF0, v27  }
0x43f: {  	v3 =	vor.u32 v3, v4  }
0x440: {  	v4 =	vperm.xlane v3, v0;
	_ =	sdelay $0x1  }
0x441: {  	v3 =	vperm.xlane v3, v2;
	v4 =	vadd.s32 v1, v4;
	_ =	sdelay $0x1  }
0x442: {  	v3 =	vadd.s32 v1, v3;
	_ =	sdelay $0x2  }
0x443: {  	[tilespmem:s21], [sflag:$0x1] =	stream.indirect_vreg.gather [hbm4b:s1+s3], $0x80, v4, vm0, $0xb8;
	[tilespmem:$0x8080] =	vst v63  }
0x444: {  	_ = 	snop  }
0x445: {  	[tilespmem:s22], [sflag:$0x1] =	stream.indirect_vreg.gather [hbm4b:s1+s3], $0x80, v3, vm0, $0xb8;
	[tilespmem:$0x8080] =	vst v63  }
0x446: {  	v3 =	vld [tilespmem:$0x40];
	_ =	sdelay $0x4  }
0x447: {  	v28 =	vshll.u32 v3, $0x1  }
0x448: {  	v3 =	vand.u32 $0x7, v3;
	v4 =	vand.u32 $0xFFFFFFF0, v28  }
0x449: {  	v3 =	vor.u32 v3, v4  }
0x44a: {  	v4 =	vperm.xlane v3, v0;
	_ =	sdelay $0x1  }
0x44b: {  	v3 =	vperm.xlane v3, v2;
	v4 =	vadd.s32 v1, v4;
	_ =	sdelay $0x1  }
0x44c: {  	v3 =	vadd.s32 v1, v3;
	_ =	sdelay $0x2  }
0x44d: {  	[tilespmem:s23], [sflag:$0x1] =	stream.indirect_vreg.gather [hbm4b:s1+s3], $0x80, v4, vm0, $0xb8;
	[tilespmem:$0x8080] =	vst v63  }
0x44e: {  	_ = 	snop  }
0x44f: {  	[tilespmem:s24], [sflag:$0x1] =	stream.indirect_vreg.gather [hbm4b:s1+s3], $0x80, v3, vm0, $0xb8;
	[tilespmem:$0x8080] =	vst v63  }
0x450: {  	v3 =	vld [tilespmem:$0x50];
	_ =	sdelay $0x4  }
0x451: {  	v29 =	vshll.u32 v3, $0x1  }
0x452: {  	v3 =	vand.u32 $0x7, v3;
	v4 =	vand.u32 $0xFFFFFFF0, v29  }
0x453: {  	v3 =	vor.u32 v3, v4  }
0x454: {  	v4 =	vperm.xlane v3, v0;
	_ =	sdelay $0x1  }
0x455: {  	v3 =	vperm.xlane v3, v2;
	v4 =	vadd.s32 v1, v4;
	_ =	sdelay $0x1  }
0x456: {  	v3 =	vadd.s32 v1, v3;
	_ =	sdelay $0x2  }
0x457: {  	[tilespmem:s25], [sflag:$0x1] =	stream.indirect_vreg.gather [hbm4b:s1+s3], $0x80, v4, vm0, $0xb8;
	[tilespmem:$0x8080] =	vst v63  }
0x458: {  	_ = 	snop  }
0x459: {  	[tilespmem:s26], [sflag:$0x1] =	stream.indirect_vreg.gather [hbm4b:s1+s3], $0x80, v3, vm0, $0xb8;
	[tilespmem:$0x8080] =	vst v63  }
0x45a: {  	v3 =	vld [tilespmem:$0x60];
	_ =	sdelay $0x4  }
0x45b: {  	v30 =	vshll.u32 v3, $0x1  }
0x45c: {  	v3 =	vand.u32 $0x7, v3;
	v4 =	vand.u32 $0xFFFFFFF0, v30  }
0x45d: {  	v3 =	vor.u32 v3, v4  }
0x45e: {  	v4 =	vperm.xlane v3, v0;
	_ =	sdelay $0x1  }
0x45f: {  	v3 =	vperm.xlane v3, v2;
	v4 =	vadd.s32 v1, v4;
	_ =	sdelay $0x1  }
0x460: {  	v3 =	vadd.s32 v1, v3;
	_ =	sdelay $0x2  }
0x461: {  	[tilespmem:s28], [sflag:$0x1] =	stream.indirect_vreg.gather [hbm4b:s1+s3], $0x80, v4, vm0, $0xb8;
	[tilespmem:$0x8080] =	vst v63  }
0x462: {  	_ = 	snop  }
0x463: {  	[tilespmem:s29], [sflag:$0x1] =	stream.indirect_vreg.gather [hbm4b:s1+s3], $0x80, v3, vm0, $0xb8;
	[tilespmem:$0x8080] =	vst v63  }
0x464: {  	v3 =	vld [tilespmem:$0x70];
	_ =	sdelay $0x4  }
0x465: {  	v31 =	vshll.u32 v3, $0x1  }
0x466: {  	v3 =	vand.u32 $0x7, v3;
	v4 =	vand.u32 $0xFFFFFFF0, v31  }
0x467: {  	v3 =	vor.u32 v3, v4  }
0x468: {  	v4 =	vperm.xlane v3, v0;
	_ =	sdelay $0x1  }
0x469: {  	v3 =	vperm.xlane v3, v2;
	v4 =	vadd.s32 v1, v4;
	_ =	sdelay $0x1  }
0x46a: {  	v3 =	vadd.s32 v1, v3;
	_ =	sdelay $0x2  }
0x46b: {  	[tilespmem:s30], [sflag:$0x1] =	stream.indirect_vreg.gather [hbm4b:s1+s3], $0x80, v4, vm0, $0xb8;
	[tilespmem:$0x8080] =	vst v63  }
0x46c: {  	_ = 	snop  }
0x46d: {  	[tilespmem:s31], [sflag:$0x1] =	stream.indirect_vreg.gather [hbm4b:s1+s3], $0x80, v3, vm0, $0xb8;
	[tilespmem:$0x8080] =	vst v63  }
0x46e: {  	_ =	swait.ge [sflag:s0], $0x8000  }
0x46f: {  	[sflag:s0] =	ssyncset.done $0x0  }
0x470: {  	[sflag:s0] =	ssyncadd.s32 $0xFFFF8000  }
0x471: {  	[hbm4b:s4+s3] =	stream.linear.scatter [tilespmem:s15], [sflag:$0x2], $0x8000, $0x38;
	[tilespmem:$0x8080] =	vst v63  }
0x472: {  	_ =	swait.ge [sflag:s14], $0x8000  }
0x473: {  	[sflag:s14] =	ssyncset.done $0x0  }
0x474: {  	[sflag:s14] =	ssyncadd.s32 $0xFFFF8000  }
0x475: {  	[tilespmem:s3], [sflag:$0x2] =	stream.linear.gather [hbm4b:s5+s3], $0x80, $0x38;
	[tilespmem:$0x8080] =	vst v63  }
0x476: {  	_ =	swait.ge [sflag:s14], $0x80  }
0x477: {  	[sflag:s14] =	ssyncset.done $0x0  }
0x478: {  	[sflag:s14] =	ssyncadd.s32 $0xFFFFFF80  }
0x479: {  	v3 =	vld [tilespmem:$0x0];
	_ =	sdelay $0x4  }
0x47a: {  	v32 =	vshll.u32 v3, $0x1  }
0x47b: {  	v3 =	vand.u32 $0x7, v3;
	v4 =	vand.u32 $0xFFFFFFF0, v32  }
0x47c: {  	v3 =	vor.u32 v3, v4  }
0x47d: {  	v4 =	vperm.xlane v3, v0;
	_ =	sdelay $0x1  }
0x47e: {  	v3 =	vperm.xlane v3, v2;
	v4 =	vadd.s32 v1, v4;
	_ =	sdelay $0x1  }
0x47f: {  	v3 =	vadd.s32 v1, v3;
	_ =	sdelay $0x2  }
0x480: {  	[tilespmem:s15], [sflag:$0x1] =	stream.indirect_vreg.gather [hbm4b:s1+s3], $0x80, v4, vm0, $0xb8;
	[tilespmem:$0x8080] =	vst v63  }
0x481: {  	_ = 	snop  }
0x482: {  	[tilespmem:s16], [sflag:$0x1] =	stream.indirect_vreg.gather [hbm4b:s1+s3], $0x80, v3, vm0, $0xb8;
	[tilespmem:$0x8080] =	vst v63  }
0x483: {  	v3 =	vld [tilespmem:$0x10];
	_ =	sdelay $0x4  }
0x484: {  	v33 =	vshll.u32 v3, $0x1  }
0x485: {  	v3 =	vand.u32 $0x7, v3;
	v4 =	vand.u32 $0xFFFFFFF0, v33  }
0x486: {  	v3 =	vor.u32 v3, v4  }
0x487: {  	v4 =	vperm.xlane v3, v0;
	_ =	sdelay $0x1  }
0x488: {  	v3 =	vperm.xlane v3, v2;
	v4 =	vadd.s32 v1, v4;
	_ =	sdelay $0x1  }
0x489: {  	v3 =	vadd.s32 v1, v3;
	_ =	sdelay $0x2  }
0x48a: {  	[tilespmem:s17], [sflag:$0x1] =	stream.indirect_vreg.gather [hbm4b:s1+s3], $0x80, v4, vm0, $0xb8;
	[tilespmem:$0x8080] =	vst v63  }
0x48b: {  	_ = 	snop  }
0x48c: {  	[tilespmem:s18], [sflag:$0x1] =	stream.indirect_vreg.gather [hbm4b:s1+s3], $0x80, v3, vm0, $0xb8;
	[tilespmem:$0x8080] =	vst v63  }
0x48d: {  	v3 =	vld [tilespmem:$0x20];
	_ =	sdelay $0x4  }
0x48e: {  	v34 =	vshll.u32 v3, $0x1  }
0x48f: {  	v3 =	vand.u32 $0x7, v3;
	v4 =	vand.u32 $0xFFFFFFF0, v34  }
0x490: {  	v3 =	vor.u32 v3, v4  }
0x491: {  	v4 =	vperm.xlane v3, v0;
	_ =	sdelay $0x1  }
0x492: {  	v3 =	vperm.xlane v3, v2;
	v4 =	vadd.s32 v1, v4;
	_ =	sdelay $0x1  }
0x493: {  	v3 =	vadd.s32 v1, v3;
	_ =	sdelay $0x2  }
0x494: {  	[tilespmem:s19], [sflag:$0x1] =	stream.indirect_vreg.gather [hbm4b:s1+s3], $0x80, v4, vm0, $0xb8;
	[tilespmem:$0x8080] =	vst v63  }
0x495: {  	_ = 	snop  }
0x496: {  	[tilespmem:s20], [sflag:$0x1] =	stream.indirect_vreg.gather [hbm4b:s1+s3], $0x80, v3, vm0, $0xb8;
	[tilespmem:$0x8080] =	vst v63  }
0x497: {  	v3 =	vld [tilespmem:$0x30];
	_ =	sdelay $0x4  }
0x498: {  	v35 =	vshll.u32 v3, $0x1  }
0x499: {  	v3 =	vand.u32 $0x7, v3;
	v4 =	vand.u32 $0xFFFFFFF0, v35  }
0x49a: {  	v3 =	vor.u32 v3, v4  }
0x49b: {  	v4 =	vperm.xlane v3, v0;
	_ =	sdelay $0x1  }
0x49c: {  	v3 =	vperm.xlane v3, v2;
	v4 =	vadd.s32 v1, v4;
	_ =	sdelay $0x1  }
0x49d: {  	v3 =	vadd.s32 v1, v3;
	_ =	sdelay $0x2  }
0x49e: {  	[tilespmem:s21], [sflag:$0x1] =	stream.indirect_vreg.gather [hbm4b:s1+s3], $0x80, v4, vm0, $0xb8;
	[tilespmem:$0x8080] =	vst v63  }
0x49f: {  	_ = 	snop  }
0x4a0: {  	[tilespmem:s22], [sflag:$0x1] =	stream.indirect_vreg.gather [hbm4b:s1+s3], $0x80, v3, vm0, $0xb8;
	[tilespmem:$0x8080] =	vst v63  }
0x4a1: {  	v3 =	vld [tilespmem:$0x40];
	_ =	sdelay $0x4  }
0x4a2: {  	v36 =	vshll.u32 v3, $0x1  }
0x4a3: {  	v3 =	vand.u32 $0x7, v3;
	v4 =	vand.u32 $0xFFFFFFF0, v36  }
0x4a4: {  	v3 =	vor.u32 v3, v4  }
0x4a5: {  	v4 =	vperm.xlane v3, v0;
	_ =	sdelay $0x1  }
0x4a6: {  	v3 =	vperm.xlane v3, v2;
	v4 =	vadd.s32 v1, v4;
	_ =	sdelay $0x1  }
0x4a7: {  	v3 =	vadd.s32 v1, v3;
	_ =	sdelay $0x2  }
0x4a8: {  	[tilespmem:s23], [sflag:$0x1] =	stream.indirect_vreg.gather [hbm4b:s1+s3], $0x80, v4, vm0, $0xb8;
	[tilespmem:$0x8080] =	vst v63  }
0x4a9: {  	_ = 	snop  }
0x4aa: {  	[tilespmem:s24], [sflag:$0x1] =	stream.indirect_vreg.gather [hbm4b:s1+s3], $0x80, v3, vm0, $0xb8;
	[tilespmem:$0x8080] =	vst v63  }
0x4ab: {  	v3 =	vld [tilespmem:$0x50];
	_ =	sdelay $0x4  }
0x4ac: {  	v37 =	vshll.u32 v3, $0x1  }
0x4ad: {  	v3 =	vand.u32 $0x7, v3;
	v4 =	vand.u32 $0xFFFFFFF0, v37  }
0x4ae: {  	v3 =	vor.u32 v3, v4  }
0x4af: {  	v4 =	vperm.xlane v3, v0;
	_ =	sdelay $0x1  }
0x4b0: {  	v3 =	vperm.xlane v3, v2;
	v4 =	vadd.s32 v1, v4;
	_ =	sdelay $0x1  }
0x4b1: {  	v3 =	vadd.s32 v1, v3;
	_ =	sdelay $0x2  }
0x4b2: {  	[tilespmem:s25], [sflag:$0x1] =	stream.indirect_vreg.gather [hbm4b:s1+s3], $0x80, v4, vm0, $0xb8;
	[tilespmem:$0x8080] =	vst v63  }
0x4b3: {  	_ = 	snop  }
0x4b4: {  	[tilespmem:s26], [sflag:$0x1] =	stream.indirect_vreg.gather [hbm4b:s1+s3], $0x80, v3, vm0, $0xb8;
	[tilespmem:$0x8080] =	vst v63  }
0x4b5: {  	v3 =	vld [tilespmem:$0x60];
	_ =	sdelay $0x4  }
0x4b6: {  	v38 =	vshll.u32 v3, $0x1  }
0x4b7: {  	v3 =	vand.u32 $0x7, v3;
	v4 =	vand.u32 $0xFFFFFFF0, v38  }
0x4b8: {  	v3 =	vor.u32 v3, v4  }
0x4b9: {  	v4 =	vperm.xlane v3, v0;
	_ =	sdelay $0x1  }
0x4ba: {  	v3 =	vperm.xlane v3, v2;
	v4 =	vadd.s32 v1, v4;
	_ =	sdelay $0x1  }
0x4bb: {  	v3 =	vadd.s32 v1, v3;
	_ =	sdelay $0x2  }
0x4bc: {  	[tilespmem:s28], [sflag:$0x1] =	stream.indirect_vreg.gather [hbm4b:s1+s3], $0x80, v4, vm0, $0xb8;
	[tilespmem:$0x8080] =	vst v63  }
0x4bd: {  	_ = 	snop  }
0x4be: {  	[tilespmem:s29], [sflag:$0x1] =	stream.indirect_vreg.gather [hbm4b:s1+s3], $0x80, v3, vm0, $0xb8;
	[tilespmem:$0x8080] =	vst v63  }
0x4bf: {  	v3 =	vld [tilespmem:$0x70];
	_ =	sdelay $0x4  }
0x4c0: {  	v39 =	vshll.u32 v3, $0x1  }
0x4c1: {  	v3 =	vand.u32 $0x7, v3;
	v4 =	vand.u32 $0xFFFFFFF0, v39  }
0x4c2: {  	v3 =	vor.u32 v3, v4  }
0x4c3: {  	v4 =	vperm.xlane v3, v0;
	_ =	sdelay $0x1  }
0x4c4: {  	v3 =	vperm.xlane v3, v2;
	v4 =	vadd.s32 v1, v4;
	_ =	sdelay $0x1  }
0x4c5: {  	v3 =	vadd.s32 v1, v3;
	_ =	sdelay $0x2  }
0x4c6: {  	[tilespmem:s30], [sflag:$0x1] =	stream.indirect_vreg.gather [hbm4b:s1+s3], $0x80, v4, vm0, $0xb8;
	[tilespmem:$0x8080] =	vst v63  }
0x4c7: {  	_ = 	snop  }
0x4c8: {  	[tilespmem:s31], [sflag:$0x1] =	stream.indirect_vreg.gather [hbm4b:s1+s3], $0x80, v3, vm0, $0xb8;
	[tilespmem:$0x8080] =	vst v63  }
0x4c9: {  	_ =	swait.ge [sflag:s0], $0x8000  }
0x4ca: {  	[sflag:s0] =	ssyncset.done $0x0  }
0x4cb: {  	[sflag:s0] =	ssyncadd.s32 $0xFFFF8000  }
0x4cc: {  	[hbm4b:s6+s3] =	stream.linear.scatter [tilespmem:s15], [sflag:$0x2], $0x8000, $0x38;
	[tilespmem:$0x8080] =	vst v63  }
0x4cd: {  	_ =	swait.ge [sflag:s14], $0x8000  }
0x4ce: {  	[sflag:s14] =	ssyncset.done $0x0  }
0x4cf: {  	[sflag:s14] =	ssyncadd.s32 $0xFFFF8000  }
0x4d0: {  	[tilespmem:s3], [sflag:$0x2] =	stream.linear.gather [hbm4b:s7+s3], $0x80, $0x38;
	[tilespmem:$0x8080] =	vst v63  }
0x4d1: {  	_ =	swait.ge [sflag:s14], $0x80  }
0x4d2: {  	[sflag:s14] =	ssyncset.done $0x0  }
0x4d3: {  	[sflag:s14] =	ssyncadd.s32 $0xFFFFFF80  }
0x4d4: {  	v3 =	vld [tilespmem:$0x0];
	_ =	sdelay $0x4  }
0x4d5: {  	v40 =	vshll.u32 v3, $0x1  }
0x4d6: {  	v3 =	vand.u32 $0x7, v3;
	v4 =	vand.u32 $0xFFFFFFF0, v40  }
0x4d7: {  	v3 =	vor.u32 v3, v4  }
0x4d8: {  	v4 =	vperm.xlane v3, v0;
	_ =	sdelay $0x1  }
0x4d9: {  	v3 =	vperm.xlane v3, v2;
	v4 =	vadd.s32 v1, v4;
	_ =	sdelay $0x1  }
0x4da: {  	v3 =	vadd.s32 v1, v3;
	_ =	sdelay $0x2  }
0x4db: {  	[tilespmem:s15], [sflag:$0x1] =	stream.indirect_vreg.gather [hbm4b:s1+s3], $0x80, v4, vm0, $0xb8;
	[tilespmem:$0x8080] =	vst v63  }
0x4dc: {  	_ = 	snop  }
0x4dd: {  	[tilespmem:s16], [sflag:$0x1] =	stream.indirect_vreg.gather [hbm4b:s1+s3], $0x80, v3, vm0, $0xb8;
	[tilespmem:$0x8080] =	vst v63  }
0x4de: {  	v3 =	vld [tilespmem:$0x10];
	_ =	sdelay $0x4  }
0x4df: {  	v41 =	vshll.u32 v3, $0x1  }
0x4e0: {  	v3 =	vand.u32 $0x7, v3;
	v4 =	vand.u32 $0xFFFFFFF0, v41  }
0x4e1: {  	v3 =	vor.u32 v3, v4  }
0x4e2: {  	v4 =	vperm.xlane v3, v0;
	_ =	sdelay $0x1  }
0x4e3: {  	v3 =	vperm.xlane v3, v2;
	v4 =	vadd.s32 v1, v4;
	_ =	sdelay $0x1  }
0x4e4: {  	v3 =	vadd.s32 v1, v3;
	_ =	sdelay $0x2  }
0x4e5: {  	[tilespmem:s17], [sflag:$0x1] =	stream.indirect_vreg.gather [hbm4b:s1+s3], $0x80, v4, vm0, $0xb8;
	[tilespmem:$0x8080] =	vst v63  }
0x4e6: {  	_ = 	snop  }
0x4e7: {  	[tilespmem:s18], [sflag:$0x1] =	stream.indirect_vreg.gather [hbm4b:s1+s3], $0x80, v3, vm0, $0xb8;
	[tilespmem:$0x8080] =	vst v63  }
0x4e8: {  	v3 =	vld [tilespmem:$0x20];
	_ =	sdelay $0x4  }
0x4e9: {  	v42 =	vshll.u32 v3, $0x1  }
0x4ea: {  	v3 =	vand.u32 $0x7, v3;
	v4 =	vand.u32 $0xFFFFFFF0, v42  }
0x4eb: {  	v3 =	vor.u32 v3, v4  }
0x4ec: {  	v4 =	vperm.xlane v3, v0;
	_ =	sdelay $0x1  }
0x4ed: {  	v3 =	vperm.xlane v3, v2;
	v4 =	vadd.s32 v1, v4;
	_ =	sdelay $0x1  }
0x4ee: {  	v3 =	vadd.s32 v1, v3;
	_ =	sdelay $0x2  }
0x4ef: {  	[tilespmem:s19], [sflag:$0x1] =	stream.indirect_vreg.gather [hbm4b:s1+s3], $0x80, v4, vm0, $0xb8;
	[tilespmem:$0x8080] =	vst v63  }
0x4f0: {  	_ = 	snop  }
0x4f1: {  	[tilespmem:s20], [sflag:$0x1] =	stream.indirect_vreg.gather [hbm4b:s1+s3], $0x80, v3, vm0, $0xb8;
	[tilespmem:$0x8080] =	vst v63  }
0x4f2: {  	v3 =	vld [tilespmem:$0x30];
	_ =	sdelay $0x4  }
0x4f3: {  	v43 =	vshll.u32 v3, $0x1  }
0x4f4: {  	v3 =	vand.u32 $0x7, v3;
	v4 =	vand.u32 $0xFFFFFFF0, v43  }
0x4f5: {  	v3 =	vor.u32 v3, v4  }
0x4f6: {  	v4 =	vperm.xlane v3, v0;
	_ =	sdelay $0x1  }
0x4f7: {  	v3 =	vperm.xlane v3, v2;
	v4 =	vadd.s32 v1, v4;
	_ =	sdelay $0x1  }
0x4f8: {  	v3 =	vadd.s32 v1, v3;
	_ =	sdelay $0x2  }
0x4f9: {  	[tilespmem:s21], [sflag:$0x1] =	stream.indirect_vreg.gather [hbm4b:s1+s3], $0x80, v4, vm0, $0xb8;
	[tilespmem:$0x8080] =	vst v63  }
0x4fa: {  	_ = 	snop  }
0x4fb: {  	[tilespmem:s22], [sflag:$0x1] =	stream.indirect_vreg.gather [hbm4b:s1+s3], $0x80, v3, vm0, $0xb8;
	[tilespmem:$0x8080] =	vst v63  }
0x4fc: {  	v3 =	vld [tilespmem:$0x40];
	_ =	sdelay $0x4  }
0x4fd: {  	v44 =	vshll.u32 v3, $0x1  }
0x4fe: {  	v3 =	vand.u32 $0x7, v3;
	v4 =	vand.u32 $0xFFFFFFF0, v44  }
0x4ff: {  	v3 =	vor.u32 v3, v4  }
0x500: {  	v4 =	vperm.xlane v3, v0;
	_ =	sdelay $0x1  }
0x501: {  	v3 =	vperm.xlane v3, v2;
	v4 =	vadd.s32 v1, v4;
	_ =	sdelay $0x1  }
0x502: {  	v3 =	vadd.s32 v1, v3;
	_ =	sdelay $0x2  }
0x503: {  	[tilespmem:s23], [sflag:$0x1] =	stream.indirect_vreg.gather [hbm4b:s1+s3], $0x80, v4, vm0, $0xb8;
	[tilespmem:$0x8080] =	vst v63  }
0x504: {  	_ = 	snop  }
0x505: {  	[tilespmem:s24], [sflag:$0x1] =	stream.indirect_vreg.gather [hbm4b:s1+s3], $0x80, v3, vm0, $0xb8;
	[tilespmem:$0x8080] =	vst v63  }
0x506: {  	v3 =	vld [tilespmem:$0x50];
	_ =	sdelay $0x4  }
0x507: {  	v45 =	vshll.u32 v3, $0x1  }
0x508: {  	v3 =	vand.u32 $0x7, v3;
	v4 =	vand.u32 $0xFFFFFFF0, v45  }
0x509: {  	v3 =	vor.u32 v3, v4  }
0x50a: {  	v4 =	vperm.xlane v3, v0;
	_ =	sdelay $0x1  }
0x50b: {  	v3 =	vperm.xlane v3, v2;
	v4 =	vadd.s32 v1, v4;
	_ =	sdelay $0x1  }
0x50c: {  	v3 =	vadd.s32 v1, v3;
	_ =	sdelay $0x2  }
0x50d: {  	[tilespmem:s25], [sflag:$0x1] =	stream.indirect_vreg.gather [hbm4b:s1+s3], $0x80, v4, vm0, $0xb8;
	[tilespmem:$0x8080] =	vst v63  }
0x50e: {  	_ = 	snop  }
0x50f: {  	[tilespmem:s26], [sflag:$0x1] =	stream.indirect_vreg.gather [hbm4b:s1+s3], $0x80, v3, vm0, $0xb8;
	[tilespmem:$0x8080] =	vst v63  }
0x510: {  	v3 =	vld [tilespmem:$0x60];
	_ =	sdelay $0x4  }
0x511: {  	v46 =	vshll.u32 v3, $0x1  }
0x512: {  	v3 =	vand.u32 $0x7, v3;
	v4 =	vand.u32 $0xFFFFFFF0, v46  }
0x513: {  	v3 =	vor.u32 v3, v4  }
0x514: {  	v4 =	vperm.xlane v3, v0;
	_ =	sdelay $0x1  }
0x515: {  	v3 =	vperm.xlane v3, v2;
	v4 =	vadd.s32 v1, v4;
	_ =	sdelay $0x1  }
0x516: {  	v3 =	vadd.s32 v1, v3;
	_ =	sdelay $0x2  }
0x517: {  	[tilespmem:s28], [sflag:$0x1] =	stream.indirect_vreg.gather [hbm4b:s1+s3], $0x80, v4, vm0, $0xb8;
	[tilespmem:$0x8080] =	vst v63  }
0x518: {  	_ = 	snop  }
0x519: {  	[tilespmem:s29], [sflag:$0x1] =	stream.indirect_vreg.gather [hbm4b:s1+s3], $0x80, v3, vm0, $0xb8;
	[tilespmem:$0x8080] =	vst v63  }
0x51a: {  	v3 =	vld [tilespmem:$0x70];
	_ =	sdelay $0x4  }
0x51b: {  	v47 =	vshll.u32 v3, $0x1  }
0x51c: {  	v3 =	vand.u32 $0x7, v3;
	v4 =	vand.u32 $0xFFFFFFF0, v47  }
0x51d: {  	v3 =	vor.u32 v3, v4  }
0x51e: {  	v4 =	vperm.xlane v3, v0;
	_ =	sdelay $0x1  }
0x51f: {  	v3 =	vperm.xlane v3, v2;
	v4 =	vadd.s32 v1, v4;
	_ =	sdelay $0x1  }
0x520: {  	v3 =	vadd.s32 v1, v3;
	_ =	sdelay $0x2  }
0x521: {  	[tilespmem:s30], [sflag:$0x1] =	stream.indirect_vreg.gather [hbm4b:s1+s3], $0x80, v4, vm0, $0xb8;
	[tilespmem:$0x8080] =	vst v63  }
0x522: {  	_ = 	snop  }
0x523: {  	[tilespmem:s31], [sflag:$0x1] =	stream.indirect_vreg.gather [hbm4b:s1+s3], $0x80, v3, vm0, $0xb8;
	[tilespmem:$0x8080] =	vst v63  }
0x524: {  	_ =	swait.ge [sflag:s0], $0x8000  }
0x525: {  	[sflag:s0] =	ssyncset.done $0x0  }
0x526: {  	[sflag:s0] =	ssyncadd.s32 $0xFFFF8000  }
0x527: {  	[hbm4b:s8+s3] =	stream.linear.scatter [tilespmem:s15], [sflag:$0x2], $0x8000, $0x38;
	[tilespmem:$0x8080] =	vst v63  }
0x528: {  	_ =	swait.ge [sflag:s14], $0x8000  }
0x529: {  	[sflag:s14] =	ssyncset.done $0x0  }
0x52a: {  	[sflag:s14] =	ssyncadd.s32 $0xFFFF8000  }
0x52b: {  	[tilespmem:s3], [sflag:$0x2] =	stream.linear.gather [hbm4b:s9+s3], $0x80, $0x38;
	[tilespmem:$0x8080] =	vst v63  }
0x52c: {  	_ =	swait.ge [sflag:s14], $0x80  }
0x52d: {  	[sflag:s14] =	ssyncset.done $0x0  }
0x52e: {  	[sflag:s14] =	ssyncadd.s32 $0xFFFFFF80  }
0x52f: {  	v3 =	vld [tilespmem:$0x0];
	_ =	sdelay $0x4  }
0x530: {  	v48 =	vshll.u32 v3, $0x1  }
0x531: {  	v3 =	vand.u32 $0x7, v3;
	v4 =	vand.u32 $0xFFFFFFF0, v48  }
0x532: {  	v3 =	vor.u32 v3, v4  }
0x533: {  	v4 =	vperm.xlane v3, v0;
	_ =	sdelay $0x1  }
0x534: {  	v3 =	vperm.xlane v3, v2;
	v4 =	vadd.s32 v1, v4;
	_ =	sdelay $0x1  }
0x535: {  	v3 =	vadd.s32 v1, v3;
	_ =	sdelay $0x2  }
0x536: {  	[tilespmem:s15], [sflag:$0x1] =	stream.indirect_vreg.gather [hbm4b:s1+s3], $0x80, v4, vm0, $0xb8;
	[tilespmem:$0x8080] =	vst v63  }
0x537: {  	_ = 	snop  }
0x538: {  	[tilespmem:s16], [sflag:$0x1] =	stream.indirect_vreg.gather [hbm4b:s1+s3], $0x80, v3, vm0, $0xb8;
	[tilespmem:$0x8080] =	vst v63  }
0x539: {  	v3 =	vld [tilespmem:$0x10];
	_ =	sdelay $0x4  }
0x53a: {  	v49 =	vshll.u32 v3, $0x1  }
0x53b: {  	v3 =	vand.u32 $0x7, v3;
	v4 =	vand.u32 $0xFFFFFFF0, v49  }
0x53c: {  	v3 =	vor.u32 v3, v4  }
0x53d: {  	v4 =	vperm.xlane v3, v0;
	_ =	sdelay $0x1  }
0x53e: {  	v3 =	vperm.xlane v3, v2;
	v4 =	vadd.s32 v1, v4;
	_ =	sdelay $0x1  }
0x53f: {  	v3 =	vadd.s32 v1, v3;
	_ =	sdelay $0x2  }
0x540: {  	[tilespmem:s17], [sflag:$0x1] =	stream.indirect_vreg.gather [hbm4b:s1+s3], $0x80, v4, vm0, $0xb8;
	[tilespmem:$0x8080] =	vst v63  }
0x541: {  	_ = 	snop  }
0x542: {  	[tilespmem:s18], [sflag:$0x1] =	stream.indirect_vreg.gather [hbm4b:s1+s3], $0x80, v3, vm0, $0xb8;
	[tilespmem:$0x8080] =	vst v63  }
0x543: {  	v3 =	vld [tilespmem:$0x20];
	_ =	sdelay $0x4  }
0x544: {  	v50 =	vshll.u32 v3, $0x1  }
0x545: {  	v3 =	vand.u32 $0x7, v3;
	v4 =	vand.u32 $0xFFFFFFF0, v50  }
0x546: {  	v3 =	vor.u32 v3, v4  }
0x547: {  	v4 =	vperm.xlane v3, v0;
	_ =	sdelay $0x1  }
0x548: {  	v3 =	vperm.xlane v3, v2;
	v4 =	vadd.s32 v1, v4;
	_ =	sdelay $0x1  }
0x549: {  	v3 =	vadd.s32 v1, v3;
	_ =	sdelay $0x2  }
0x54a: {  	[tilespmem:s19], [sflag:$0x1] =	stream.indirect_vreg.gather [hbm4b:s1+s3], $0x80, v4, vm0, $0xb8;
	[tilespmem:$0x8080] =	vst v63  }
0x54b: {  	_ = 	snop  }
0x54c: {  	[tilespmem:s20], [sflag:$0x1] =	stream.indirect_vreg.gather [hbm4b:s1+s3], $0x80, v3, vm0, $0xb8;
	[tilespmem:$0x8080] =	vst v63  }
0x54d: {  	v3 =	vld [tilespmem:$0x30];
	_ =	sdelay $0x4  }
0x54e: {  	v51 =	vshll.u32 v3, $0x1  }
0x54f: {  	v3 =	vand.u32 $0x7, v3;
	v4 =	vand.u32 $0xFFFFFFF0, v51  }
0x550: {  	v3 =	vor.u32 v3, v4  }
0x551: {  	v4 =	vperm.xlane v3, v0;
	_ =	sdelay $0x1  }
0x552: {  	v3 =	vperm.xlane v3, v2;
	v4 =	vadd.s32 v1, v4;
	_ =	sdelay $0x1  }
0x553: {  	v3 =	vadd.s32 v1, v3;
	_ =	sdelay $0x2  }
0x554: {  	[tilespmem:s21], [sflag:$0x1] =	stream.indirect_vreg.gather [hbm4b:s1+s3], $0x80, v4, vm0, $0xb8;
	[tilespmem:$0x8080] =	vst v63  }
0x555: {  	_ = 	snop  }
0x556: {  	[tilespmem:s22], [sflag:$0x1] =	stream.indirect_vreg.gather [hbm4b:s1+s3], $0x80, v3, vm0, $0xb8;
	[tilespmem:$0x8080] =	vst v63  }
0x557: {  	v3 =	vld [tilespmem:$0x40];
	_ =	sdelay $0x4  }
0x558: {  	v52 =	vshll.u32 v3, $0x1  }
0x559: {  	v3 =	vand.u32 $0x7, v3;
	v4 =	vand.u32 $0xFFFFFFF0, v52  }
0x55a: {  	v3 =	vor.u32 v3, v4  }
0x55b: {  	v4 =	vperm.xlane v3, v0;
	_ =	sdelay $0x1  }
0x55c: {  	v3 =	vperm.xlane v3, v2;
	v4 =	vadd.s32 v1, v4;
	_ =	sdelay $0x1  }
0x55d: {  	v3 =	vadd.s32 v1, v3;
	_ =	sdelay $0x2  }
0x55e: {  	[tilespmem:s23], [sflag:$0x1] =	stream.indirect_vreg.gather [hbm4b:s1+s3], $0x80, v4, vm0, $0xb8;
	[tilespmem:$0x8080] =	vst v63  }
0x55f: {  	_ = 	snop  }
0x560: {  	[tilespmem:s24], [sflag:$0x1] =	stream.indirect_vreg.gather [hbm4b:s1+s3], $0x80, v3, vm0, $0xb8;
	[tilespmem:$0x8080] =	vst v63  }
0x561: {  	v3 =	vld [tilespmem:$0x50];
	_ =	sdelay $0x4  }
0x562: {  	v53 =	vshll.u32 v3, $0x1  }
0x563: {  	v3 =	vand.u32 $0x7, v3;
	v4 =	vand.u32 $0xFFFFFFF0, v53  }
0x564: {  	v3 =	vor.u32 v3, v4  }
0x565: {  	v4 =	vperm.xlane v3, v0;
	_ =	sdelay $0x1  }
0x566: {  	v3 =	vperm.xlane v3, v2;
	v4 =	vadd.s32 v1, v4;
	_ =	sdelay $0x1  }
0x567: {  	v3 =	vadd.s32 v1, v3;
	_ =	sdelay $0x2  }
0x568: {  	[tilespmem:s25], [sflag:$0x1] =	stream.indirect_vreg.gather [hbm4b:s1+s3], $0x80, v4, vm0, $0xb8;
	[tilespmem:$0x8080] =	vst v63  }
0x569: {  	_ = 	snop  }
0x56a: {  	[tilespmem:s26], [sflag:$0x1] =	stream.indirect_vreg.gather [hbm4b:s1+s3], $0x80, v3, vm0, $0xb8;
	[tilespmem:$0x8080] =	vst v63  }
0x56b: {  	v3 =	vld [tilespmem:$0x60];
	_ =	sdelay $0x4  }
0x56c: {  	v54 =	vshll.u32 v3, $0x1  }
0x56d: {  	v3 =	vand.u32 $0x7, v3;
	v4 =	vand.u32 $0xFFFFFFF0, v54  }
0x56e: {  	v3 =	vor.u32 v3, v4  }
0x56f: {  	v4 =	vperm.xlane v3, v0;
	_ =	sdelay $0x1  }
0x570: {  	v3 =	vperm.xlane v3, v2;
	v4 =	vadd.s32 v1, v4;
	_ =	sdelay $0x1  }
0x571: {  	v3 =	vadd.s32 v1, v3;
	_ =	sdelay $0x2  }
0x572: {  	[tilespmem:s28], [sflag:$0x1] =	stream.indirect_vreg.gather [hbm4b:s1+s3], $0x80, v4, vm0, $0xb8;
	[tilespmem:$0x8080] =	vst v63  }
0x573: {  	_ = 	snop  }
0x574: {  	[tilespmem:s29], [sflag:$0x1] =	stream.indirect_vreg.gather [hbm4b:s1+s3], $0x80, v3, vm0, $0xb8;
	[tilespmem:$0x8080] =	vst v63  }
0x575: {  	v3 =	vld [tilespmem:$0x70];
	_ =	sdelay $0x4  }
0x576: {  	v55 =	vshll.u32 v3, $0x1  }
0x577: {  	v3 =	vand.u32 $0x7, v3;
	v4 =	vand.u32 $0xFFFFFFF0, v55  }
0x578: {  	v3 =	vor.u32 v3, v4  }
0x579: {  	v4 =	vperm.xlane v3, v0;
	_ =	sdelay $0x1  }
0x57a: {  	v3 =	vperm.xlane v3, v2;
	v4 =	vadd.s32 v1, v4;
	_ =	sdelay $0x1  }
0x57b: {  	v3 =	vadd.s32 v1, v3;
	_ =	sdelay $0x2  }
0x57c: {  	[tilespmem:s30], [sflag:$0x1] =	stream.indirect_vreg.gather [hbm4b:s1+s3], $0x80, v4, vm0, $0xb8;
	[tilespmem:$0x8080] =	vst v63  }
0x57d: {  	_ = 	snop  }
0x57e: {  	[tilespmem:s31], [sflag:$0x1] =	stream.indirect_vreg.gather [hbm4b:s1+s3], $0x80, v3, vm0, $0xb8;
	[tilespmem:$0x8080] =	vst v63  }
0x57f: {  	_ =	swait.ge [sflag:s0], $0x8000  }
0x580: {  	[sflag:s0] =	ssyncset.done $0x0  }
0x581: {  	[sflag:s0] =	ssyncadd.s32 $0xFFFF8000  }
0x582: {  	[hbm4b:s10+s3] =	stream.linear.scatter [tilespmem:s15], [sflag:$0x2], $0x8000, $0x38;
	[tilespmem:$0x8080] =	vst v63  }
0x583: {  	_ =	swait.ge [sflag:s14], $0x8000  }
0x584: {  	[sflag:s14] =	ssyncset.done $0x0  }
0x585: {  	[sflag:s14] =	ssyncadd.s32 $0xFFFF8000  }
0x586: {  	[tilespmem:s3], [sflag:$0x2] =	stream.linear.gather [hbm4b:s11+s3], $0x80, $0x38;
	[tilespmem:$0x8080] =	vst v63  }
0x587: {  	_ =	swait.ge [sflag:s14], $0x80  }
0x588: {  	[sflag:s14] =	ssyncset.done $0x0  }
0x589: {  	[sflag:s14] =	ssyncadd.s32 $0xFFFFFF80  }
0x58a: {  	v3 =	vld [tilespmem:$0x0];
	_ =	sdelay $0x4  }
0x58b: {  	v56 =	vshll.u32 v3, $0x1  }
0x58c: {  	v3 =	vand.u32 $0x7, v3;
	v4 =	vand.u32 $0xFFFFFFF0, v56  }
0x58d: {  	v3 =	vor.u32 v3, v4  }
0x58e: {  	v4 =	vperm.xlane v3, v0;
	_ =	sdelay $0x1  }
0x58f: {  	v3 =	vperm.xlane v3, v2;
	v4 =	vadd.s32 v1, v4;
	_ =	sdelay $0x1  }
0x590: {  	v3 =	vadd.s32 v1, v3;
	_ =	sdelay $0x2  }
0x591: {  	[tilespmem:s15], [sflag:$0x1] =	stream.indirect_vreg.gather [hbm4b:s1+s3], $0x80, v4, vm0, $0xb8;
	[tilespmem:$0x8080] =	vst v63  }
0x592: {  	_ = 	snop  }
0x593: {  	[tilespmem:s16], [sflag:$0x1] =	stream.indirect_vreg.gather [hbm4b:s1+s3], $0x80, v3, vm0, $0xb8;
	[tilespmem:$0x8080] =	vst v63  }
0x594: {  	v3 =	vld [tilespmem:$0x10];
	_ =	sdelay $0x4  }
0x595: {  	v57 =	vshll.u32 v3, $0x1  }
0x596: {  	v3 =	vand.u32 $0x7, v3;
	v4 =	vand.u32 $0xFFFFFFF0, v57  }
0x597: {  	v3 =	vor.u32 v3, v4  }
0x598: {  	v4 =	vperm.xlane v3, v0;
	_ =	sdelay $0x1  }
0x599: {  	v3 =	vperm.xlane v3, v2;
	v4 =	vadd.s32 v1, v4;
	_ =	sdelay $0x1  }
0x59a: {  	v3 =	vadd.s32 v1, v3;
	_ =	sdelay $0x2  }
0x59b: {  	[tilespmem:s17], [sflag:$0x1] =	stream.indirect_vreg.gather [hbm4b:s1+s3], $0x80, v4, vm0, $0xb8;
	[tilespmem:$0x8080] =	vst v63  }
0x59c: {  	_ = 	snop  }
0x59d: {  	[tilespmem:s18], [sflag:$0x1] =	stream.indirect_vreg.gather [hbm4b:s1+s3], $0x80, v3, vm0, $0xb8;
	[tilespmem:$0x8080] =	vst v63  }
0x59e: {  	v3 =	vld [tilespmem:$0x20];
	_ =	sdelay $0x4  }
0x59f: {  	v58 =	vshll.u32 v3, $0x1  }
0x5a0: {  	v3 =	vand.u32 $0x7, v3;
	v4 =	vand.u32 $0xFFFFFFF0, v58  }
0x5a1: {  	v3 =	vor.u32 v3, v4  }
0x5a2: {  	v4 =	vperm.xlane v3, v0;
	_ =	sdelay $0x1  }
0x5a3: {  	v3 =	vperm.xlane v3, v2;
	v4 =	vadd.s32 v1, v4;
	_ =	sdelay $0x1  }
0x5a4: {  	v3 =	vadd.s32 v1, v3;
	_ =	sdelay $0x2  }
0x5a5: {  	[tilespmem:s19], [sflag:$0x1] =	stream.indirect_vreg.gather [hbm4b:s1+s3], $0x80, v4, vm0, $0xb8;
	[tilespmem:$0x8080] =	vst v63  }
0x5a6: {  	_ = 	snop  }
0x5a7: {  	[tilespmem:s20], [sflag:$0x1] =	stream.indirect_vreg.gather [hbm4b:s1+s3], $0x80, v3, vm0, $0xb8;
	[tilespmem:$0x8080] =	vst v63  }
0x5a8: {  	v3 =	vld [tilespmem:$0x30];
	_ =	sdelay $0x4  }
0x5a9: {  	v59 =	vshll.u32 v3, $0x1  }
0x5aa: {  	v3 =	vand.u32 $0x7, v3;
	v4 =	vand.u32 $0xFFFFFFF0, v59  }
0x5ab: {  	v3 =	vor.u32 v3, v4  }
0x5ac: {  	v4 =	vperm.xlane v3, v0;
	_ =	sdelay $0x1  }
0x5ad: {  	v3 =	vperm.xlane v3, v2;
	v4 =	vadd.s32 v1, v4;
	_ =	sdelay $0x1  }
0x5ae: {  	v3 =	vadd.s32 v1, v3;
	_ =	sdelay $0x2  }
0x5af: {  	[tilespmem:s21], [sflag:$0x1] =	stream.indirect_vreg.gather [hbm4b:s1+s3], $0x80, v4, vm0, $0xb8;
	[tilespmem:$0x8080] =	vst v63  }
0x5b0: {  	_ = 	snop  }
0x5b1: {  	[tilespmem:s22], [sflag:$0x1] =	stream.indirect_vreg.gather [hbm4b:s1+s3], $0x80, v3, vm0, $0xb8;
	[tilespmem:$0x8080] =	vst v63  }
0x5b2: {  	v3 =	vld [tilespmem:$0x40];
	_ =	sdelay $0x4  }
0x5b3: {  	v60 =	vshll.u32 v3, $0x1  }
0x5b4: {  	v3 =	vand.u32 $0x7, v3;
	v4 =	vand.u32 $0xFFFFFFF0, v60  }
0x5b5: {  	v3 =	vor.u32 v3, v4  }
0x5b6: {  	v4 =	vperm.xlane v3, v0;
	_ =	sdelay $0x1  }
0x5b7: {  	v3 =	vperm.xlane v3, v2;
	v4 =	vadd.s32 v1, v4;
	_ =	sdelay $0x1  }
0x5b8: {  	v3 =	vadd.s32 v1, v3;
	_ =	sdelay $0x2  }
0x5b9: {  	[tilespmem:s23], [sflag:$0x1] =	stream.indirect_vreg.gather [hbm4b:s1+s3], $0x80, v4, vm0, $0xb8;
	[tilespmem:$0x8080] =	vst v63  }
0x5ba: {  	_ = 	snop  }
0x5bb: {  	[tilespmem:s24], [sflag:$0x1] =	stream.indirect_vreg.gather [hbm4b:s1+s3], $0x80, v3, vm0, $0xb8;
	[tilespmem:$0x8080] =	vst v63  }
0x5bc: {  	v3 =	vld [tilespmem:$0x50];
	_ =	sdelay $0x4  }
0x5bd: {  	v61 =	vshll.u32 v3, $0x1  }
0x5be: {  	v3 =	vand.u32 $0x7, v3;
	v4 =	vand.u32 $0xFFFFFFF0, v61  }
0x5bf: {  	v3 =	vor.u32 v3, v4  }
0x5c0: {  	v4 =	vperm.xlane v3, v0;
	_ =	sdelay $0x1  }
0x5c1: {  	v3 =	vperm.xlane v3, v2;
	v4 =	vadd.s32 v1, v4;
	_ =	sdelay $0x1  }
0x5c2: {  	v3 =	vadd.s32 v1, v3;
	_ =	sdelay $0x2  }
0x5c3: {  	[tilespmem:s25], [sflag:$0x1] =	stream.indirect_vreg.gather [hbm4b:s1+s3], $0x80, v4, vm0, $0xb8;
	[tilespmem:$0x8080] =	vst v63  }
0x5c4: {  	_ = 	snop  }
0x5c5: {  	[tilespmem:s26], [sflag:$0x1] =	stream.indirect_vreg.gather [hbm4b:s1+s3], $0x80, v3, vm0, $0xb8;
	[tilespmem:$0x8080] =	vst v63  }
0x5c6: {  	v3 =	vld [tilespmem:$0x60];
	_ =	sdelay $0x4  }
0x5c7: {  	v62 =	vshll.u32 v3, $0x1  }
0x5c8: {  	v3 =	vand.u32 $0x7, v3;
	v4 =	vand.u32 $0xFFFFFFF0, v62  }
0x5c9: {  	v3 =	vor.u32 v3, v4  }
0x5ca: {  	v4 =	vperm.xlane v3, v0;
	_ =	sdelay $0x1  }
0x5cb: {  	v3 =	vperm.xlane v3, v2;
	v4 =	vadd.s32 v1, v4;
	_ =	sdelay $0x1  }
0x5cc: {  	v3 =	vadd.s32 v1, v3;
	_ =	sdelay $0x2  }
0x5cd: {  	[tilespmem:s28], [sflag:$0x1] =	stream.indirect_vreg.gather [hbm4b:s1+s3], $0x80, v4, vm0, $0xb8;
	[tilespmem:$0x8080] =	vst v63  }
0x5ce: {  	_ = 	snop  }
0x5cf: {  	[tilespmem:s29], [sflag:$0x1] =	stream.indirect_vreg.gather [hbm4b:s1+s3], $0x80, v3, vm0, $0xb8;
	[tilespmem:$0x8080] =	vst v63  }
0x5d0: {  	v3 =	vld [tilespmem:$0x70];
	_ =	sdelay $0x4  }
0x5d1: {  	v63 =	vshll.u32 v3, $0x1  }
0x5d2: {  	v3 =	vand.u32 $0x7, v3;
	v4 =	vand.u32 $0xFFFFFFF0, v63  }
0x5d3: {  	v3 =	vor.u32 v3, v4  }
0x5d4: {  	v4 =	vperm.xlane v3, v0;
	_ =	sdelay $0x1  }
0x5d5: {  	v3 =	vperm.xlane v3, v2;
	v4 =	vadd.s32 v1, v4;
	_ =	sdelay $0x1  }
0x5d6: {  	v3 =	vadd.s32 v1, v3;
	_ =	sdelay $0x2  }
0x5d7: {  	[tilespmem:s30], [sflag:$0x1] =	stream.indirect_vreg.gather [hbm4b:s1+s3], $0x80, v4, vm0, $0xb8;
	[tilespmem:$0x8080] =	vst v63  }
0x5d8: {  	_ = 	snop  }
0x5d9: {  	[tilespmem:s31], [sflag:$0x1] =	stream.indirect_vreg.gather [hbm4b:s1+s3], $0x80, v3, vm0, $0xb8;
	[tilespmem:$0x8080] =	vst v63  }
0x5da: {  	_ =	swait.ge [sflag:s0], $0x8000  }
0x5db: {  	p0 =	sne.s32 s13, $0x1;
	[sflag:s0] =	ssyncset.done $0x0  }
.Ltmp0:
0x5dc: {  	[sflag:s0] =	ssyncadd.s32 $0xFFFF8000;
	(pc) =	sbr.rel @p0 .LBB2_1-.Ltmp0, $4  }
0x5dd: {  	[hbm4b:s12+s3] =	stream.linear.scatter [tilespmem:s15], [sflag:$0x2], $0x8000, $0x38;
	[tilespmem:$0x8080] =	vst v63  }
0x5de: {  	_ =	swait.ge [sflag:s14], $0x8000  }
0x5df: {  	[sflag:s14] =	ssyncset.done $0x0  }
0x5e0: {  	s13 =	sadd.s32 $0xFFFFFFFF, s13;
	[sflag:s14] =	ssyncadd.s32 $0xFFFF8000  }
0x5e1: {  	_ =	sfence.sel $0x180000  }
0x5e2: {  	[bflag:$0x0] =	sbarrier.arrive $0xFFFF  }
0x5e3: {  	_ =	strace $0x90000047  }
0x5e4: {  	s0 =	stileid.u32;
	[bflag:$0x2] =	sbarrier.arrive $0xFFFF  }
0x5e5: {  	p0 =	sne.s32 s0, $0x0;
	s0 =	rddreg [dreg:$0x3]  }
0x5e6: {  	s0 =	sadd.s32 @!p0 $0x100000, s0  }
0x5e7: {  	[sflag:s0] =	ssyncadd.tile.s32 @!p0 $0x1;
	_ =	shalt  }
.Lfunc_end2:
_tile_overlayer_lowered:
.L_overlay_start_2:
0x5e8: {  	(tag) =	ssettag $0x2  }
0x5e9: {  	s0 =	rddreg [dreg:$0x0];
	s2 =	stileid.u32  }
0x5ea: {  	s1 =	rddreg [dreg:$0x1];
	p0 =	sne.s32 s2, $0x0  }
0x5eb: {  	s3 =	rddreg [dreg:$0x2];
	[bflag:$0x3] =	sbarrier.arrive $0xFFFF;
	s2 =	simm.s32 @!p0 $0x1C02  }
0x5ec: {  	[timem:s3], [sflag:s2] =	dma.local @!p0 [hbm:s0], s1  }
0x5ed: {  	s0 =	simm.s32 @!p0 $0x2  }
0x5ee: {  	_ =	swait.ge @!p0 [sflag:s0], s1  }
0x5ef: {  	s1 =	ssub.s32 @!p0 $0x0, s1;
	[sflag:s0] =	ssyncset.done @!p0 $0x0  }
0x5f0: {  	[sflag:s0] =	ssyncadd.s32 @!p0 s1  }
0x5f1: {  	[bflag:$0x3] =	sbarrier.arrive $0xFFFF  }
0x5f2: {  	_ =	shalt  }

</sc_bundles>
